<compile_context>
chip_gen: v7x
topology: tpu7x:2x2x1
jax: 0.10.2.dev20260603
libtpu: 0.0.44.dev20260713+nightly
codegen_flags: <defaults>
</compile_context>

<pallas_src>
import jax
import jax.numpy as jnp
from jax import lax
from jax.experimental import pallas as pl
from jax.experimental.pallas import tpu as pltpu
from jax.experimental.pallas import tpu_sc as plsc

N = 10000
E = 320000
HALF = 5000
ACCN = 5120
DUMMY = 5056
RPT = ACCN // 16
NCH = 157
EPAD = 16 * NCH * 128
F32 = jnp.float32


def _sc_agg(npass, deg_pass):
    mesh = plsc.VectorSubcoreMesh(core_axis_name="c", subcore_axis_name="s")

    def body(x_hbm, src_hbm, dst_hbm, out_hbm, src_v, dst_v, rows_v, zeros_v,
             acc, sem):
        c = lax.axis_index("c")
        s = lax.axis_index("s")
        wid = c * 16 + s
        base = s * RPT

        def zinit(i, carry):
            zeros_v[i // 8, pl.ds((i % 8) * 16, 16)] = jnp.zeros((16,), F32)
            return carry

        lax.fori_loop(0, 64 * 8, zinit, 0)

        pltpu.sync_copy(dst_hbm.at[wid], dst_v)

        def zero_acc():
            for blk in range(5):
                pltpu.sync_copy(zeros_v, acc.at[pl.ds(base + blk * 64, 64)])

        def copy_out(plane):
            pltpu.sync_copy(acc.at[pl.ds(base, RPT)],
                            out_hbm.at[plane, pl.ds(base, RPT)])

        for k in range(npass):
            zero_acc()
            plsc.subcore_barrier()
            pltpu.sync_copy(src_hbm.at[k * 32 + wid], src_v)

            def step(j, carry):
                pltpu.async_copy(x_hbm.at[src_v.at[j]], rows_v, sem).wait()
                pltpu.sync_copy(rows_v, acc.at[dst_v.at[j]], add=True)
                return carry

            lax.fori_loop(0, NCH, step, 0)
            plsc.subcore_barrier()
            copy_out(k * 2 + c)

        if deg_pass:
            def oinit(i, carry):
                rows_v[i // 8, pl.ds((i % 8) * 16, 16)] = jnp.ones((16,), F32)
                return carry

            lax.fori_loop(0, 128 * 8, oinit, 0)
            zero_acc()
            plsc.subcore_barrier()

            def dstep(j, carry):
                pltpu.sync_copy(rows_v, acc.at[dst_v.at[j]], add=True)
                return carry

            lax.fori_loop(0, NCH, dstep, 0)
            plsc.subcore_barrier()
            copy_out(npass * 2 + c)

    nplanes = (npass + (1 if deg_pass else 0)) * 2
    return pl.kernel(
        body,
        out_type=jax.ShapeDtypeStruct((nplanes, ACCN, 128), F32),
        mesh=mesh,
        scratch_types=[
            pltpu.VMEM((NCH, 128), jnp.int32),
            pltpu.VMEM((NCH, 128), jnp.int32),
            pltpu.VMEM((128, 128), F32),
            pltpu.VMEM((64, 128), F32),
            pltpu.VMEM_SHARED((ACCN, 128), F32),
            pltpu.SemaphoreType.DMA,
        ],
    )


BM = 1000

def _split(p):
    return lambda i: (2 * p + i // 5, i % 5, 0)


_DENSE2 = lambda i: (i, 0)
_FULL3 = lambda i: (0, i, 0)
_WHOLE = lambda i: (0, 0)


def _recip_deg(d_ref):
    return 1.0 / jnp.maximum(d_ref[0, :, :1], 1.0)


def _tc1_body(x_ref, a_ref, d_ref, wl_ref, bl_ref, wr_ref, o_ref):
    an = a_ref[0] * _recip_deg(d_ref)
    h = (jnp.dot(an, wl_ref[...], preferred_element_type=F32) + bl_ref[...]
         + jnp.dot(x_ref[...], wr_ref[...], preferred_element_type=F32))
    h = jnp.maximum(h, 0.0)
    o_ref[0] = h[:, :128]
    o_ref[1] = h[:, 128:]


def _tc2_body(a0_ref, a1_ref, d_ref, h_ref, wl_ref, bl_ref, wr_ref, wc_ref,
              bc_ref, o_ref):
    r = _recip_deg(d_ref)
    h2 = (jnp.dot(a0_ref[0] * r, wl_ref[:128, :], preferred_element_type=F32)
          + jnp.dot(a1_ref[0] * r, wl_ref[128:, :], preferred_element_type=F32)
          + bl_ref[...]
          + jnp.dot(h_ref[0], wr_ref[:128, :], preferred_element_type=F32)
          + jnp.dot(h_ref[1], wr_ref[128:, :], preferred_element_type=F32))
    h2 = jnp.maximum(h2, 0.0)
    o_ref[...] = jnp.dot(h2, wc_ref[...], preferred_element_type=F32) + bc_ref[...]


def _tc3_body(a_ref, d_ref, pq_ref, o_ref):
    o_ref[...] = a_ref[0, :, :64] * _recip_deg(d_ref) + pq_ref[:, 64:]


def _tc1(x, aggd1, Wl1, bl1, Wr1):
    return pl.pallas_call(
        _tc1_body,
        grid=(N // BM,),
        in_specs=[
            pl.BlockSpec((BM, 128), _DENSE2),
            pl.BlockSpec((1, BM, 128), _split(0)),
            pl.BlockSpec((1, BM, 128), _split(1)),
            pl.BlockSpec((128, 256), _WHOLE),
            pl.BlockSpec((1, 256), _WHOLE),
            pl.BlockSpec((128, 256), _WHOLE),
        ],
        out_specs=pl.BlockSpec((2, BM, 128), _FULL3),
        out_shape=jax.ShapeDtypeStruct((2, N, 128), F32),
    )(x, aggd1, aggd1, Wl1, bl1, Wr1)


def _tc2(agg2, aggd1, h1s, Wl2, bl2, Wr2, Wcat, bcat):
    return pl.pallas_call(
        _tc2_body,
        grid=(N // BM,),
        in_specs=[
            pl.BlockSpec((1, BM, 128), _split(0)),
            pl.BlockSpec((1, BM, 128), _split(1)),
            pl.BlockSpec((1, BM, 128), _split(1)),
            pl.BlockSpec((2, BM, 128), _FULL3),
            pl.BlockSpec((256, 256), _WHOLE),
            pl.BlockSpec((1, 256), _WHOLE),
            pl.BlockSpec((256, 256), _WHOLE),
            pl.BlockSpec((256, 128), _WHOLE),
            pl.BlockSpec((1, 128), _WHOLE),
        ],
        out_specs=pl.BlockSpec((BM, 128), _DENSE2),
        out_shape=jax.ShapeDtypeStruct((N, 128), F32),
    )(agg2, agg2, aggd1, h1s, Wl2, bl2, Wr2, Wcat, bcat)


def _tc3(agg3, aggd1, pq):
    return pl.pallas_call(
        _tc3_body,
        grid=(N // BM,),
        in_specs=[
            pl.BlockSpec((1, BM, 128), _split(0)),
            pl.BlockSpec((1, BM, 128), _split(1)),
            pl.BlockSpec((BM, 128), _DENSE2),
        ],
        out_specs=pl.BlockSpec((BM, 64), _DENSE2),
        out_shape=jax.ShapeDtypeStruct((N, 64), F32),
    )(agg3, aggd1, pq)


def kernel(x, edge_index, Wl1, bl1, Wr1, Wl2, bl2, Wr2, Wl3, bl3, Wr3):
    src = edge_index[0]
    dst = edge_index[1]

    pad = EPAD - E
    srcP = jnp.concatenate([src, jnp.zeros((pad,), jnp.int32)])
    dstP = jnp.concatenate([dst, jnp.full((pad,), -1, jnp.int32)])
    dl = []
    for cc in (0, 1):
        lo = cc * HALF
        inr = (dstP >= lo) & (dstP < lo + HALF)
        dl.append(jnp.where(inr, dstP - lo, DUMMY).reshape(1, 16, NCH, 128))
    dstL = jnp.concatenate(dl, axis=0).reshape(32, NCH, 128)
    srcT = srcP.reshape(1, 16, NCH, 128)
    srcS = jnp.concatenate([srcT, srcT], axis=0).reshape(32, NCH, 128)
    srcS2 = jnp.concatenate([srcS, srcS + N], axis=0)

    aggd1 = _sc_agg(1, True)(x, srcS, dstL)
    h1s = _tc1(x, aggd1, Wl1, bl1.reshape(1, -1), Wr1)

    agg2 = _sc_agg(2, False)(h1s.reshape(2 * N, 128), srcS2, dstL)

    Wcat = jnp.concatenate([Wl3, Wr3], axis=1)
    bcat = jnp.concatenate([jnp.zeros((64,), F32), bl3]).reshape(1, 128)
    pq = _tc2(agg2, aggd1, h1s, Wl2, bl2.reshape(1, -1), Wr2, Wcat, bcat)

    agg3 = _sc_agg(1, False)(pq, srcS, dstL)
    return _tc3(agg3, aggd1, pq)

# --- scband reference (transcript-rebuilt; emitter-appended) ---
"""Pipeline reference for scband-graph-sage-75874892251589 (READ-ONLY COPY).

The authoritative reference and input builder live on the scoring server;
editing this copy changes nothing except your own understanding.
"""

import jax, jax.numpy as jnp
import numpy as np

N = 10000
E = 320000
D_IN = 128
HID = 256
N_CLS = 64


def _glorot(k, shape):
    lim = (6.0 / (shape[0] + shape[1])) ** 0.5
    return jax.random.uniform(k, shape, minval=-lim, maxval=lim, dtype=jnp.float32)


def setup_inputs(seed: int = 0) -> dict:
    key = jax.random.key(seed)
    ks = jax.random.split(key, 12)
    x = jax.random.normal(ks[0], (N, D_IN), dtype=jnp.float32)
    edge_index = jax.random.randint(ks[1], (2, E), 0, N, dtype=jnp.int32)
    # SAGEConv params per layer: lin_l (aggregated neighbors, with bias), lin_r (self, no bias)
    Wl1 = _glorot(ks[2], (D_IN, HID)); bl1 = jnp.zeros((HID,), dtype=jnp.float32)
    Wr1 = _glorot(ks[3], (D_IN, HID))
    Wl2 = _glorot(ks[4], (HID, HID)); bl2 = jnp.zeros((HID,), dtype=jnp.float32)
    Wr2 = _glorot(ks[5], (HID, HID))
    Wl3 = _glorot(ks[6], (HID, N_CLS)); bl3 = jnp.zeros((N_CLS,), dtype=jnp.float32)
    Wr3 = _glorot(ks[7], (HID, N_CLS))
    return {"x": x, "edge_index": edge_index,
            "Wl1": Wl1, "bl1": bl1, "Wr1": Wr1,
            "Wl2": Wl2, "bl2": bl2, "Wr2": Wr2,
            "Wl3": Wl3, "bl3": bl3, "Wr3": Wr3}


def _sage_conv(x, edge_index, Wl, bl, Wr):
    src = edge_index[0]
    dst = edge_index[1]
    msgs = jnp.take(x, src, axis=0)
    agg = jax.ops.segment_sum(msgs, dst, num_segments=x.shape[0])
    deg = jax.ops.segment_sum(jnp.ones((edge_index.shape[1],), dtype=x.dtype), dst, num_segments=x.shape[0])
    agg = agg / jnp.clip(deg, 1.0)[:, None]
    return agg @ Wl + bl + x @ Wr


def reference(x, edge_index, Wl1, bl1, Wr1, Wl2, bl2, Wr2, Wl3, bl3, Wr3):
    # eval mode: dropout is identity
    h = jax.nn.relu(_sage_conv(x, edge_index, Wl1, bl1, Wr1))
    h = jax.nn.relu(_sage_conv(h, edge_index, Wl2, bl2, Wr2))
    out = _sage_conv(h, edge_index, Wl3, bl3, Wr3)
    return out

if __name__ == "__main__":
    import jax
    _d = setup_inputs()
    print(jax.jit(kernel)(*tuple(_d.values())))

</pallas_src>

<mosaic_0001>
#map = affine_map<(d0, d1) -> (0, 0)>
#map1 = affine_map<(d0, d1) -> (0, 0, 0)>
module attributes {stable_mosaic.version = 14 : i64} {
  func.func @body(%arg0: i32, %arg1: i32, %arg2: memref<10000x128xf32, #tpu.memory_space<hbm>>, %arg3: memref<32x157x128xi32, #tpu.memory_space<hbm>>, %arg4: memref<32x157x128xi32, #tpu.memory_space<hbm>>, %arg5: memref<2x5120x128xf32, #tpu.memory_space<hbm>>, %arg6: memref<157x128xi32, #tpu.memory_space<vmem>>, %arg7: memref<157x128xi32, #tpu.memory_space<vmem>>, %arg8: memref<128x128xf32, #tpu.memory_space<vmem>>, %arg9: memref<64x128xf32, #tpu.memory_space<vmem>>, %arg10: memref<5120x128xf32, #tpu.memory_space<vmem_shared>>, %arg11: memref<!tpu.dma_semaphore, #tpu.memory_space<semaphore_mem>>) attributes {dimension_semantics = [#tpu.dimension_semantics<core_parallel>, #tpu.dimension_semantics<subcore_parallel>], iteration_bounds = array<i64: 2, 16>, scalar_prefetch = 0 : i64, scratch_operands = 6 : i64, tpu.core_type = #tpu.core_type<sc_vector_subcore>, window_params = [{transform_indices = #map}, {transform_indices = #map1}, {transform_indices = #map1}, {transform_indices = #map1}]} {
    %mul3A = arith.constant 16 : i32
    %mul3A_0 = arith.muli %arg0, %mul3A : i32
    %add3A = arith.addi %mul3A_0, %arg1 : i32
    %mul3A_1 = arith.constant 320 : i32
    %mul3A_2 = arith.muli %arg1, %mul3A_1 : i32
    %scan3A = arith.constant 0 : i32
    %scan3A_3 = arith.constant 0 : i32
    %scan3A_4 = arith.constant 512 : i32
    %scan3A_5 = arith.addi %scan3A_3, %scan3A_4 : i32
    %scan3A_6 = arith.constant 1 : i32
    scf.for %scan3A_29 = %scan3A_3 to %scan3A_5 step %scan3A_6  : i32 {
      %broadcast_in_dim3A = arith.constant 0.000000e+00 : f32
      %broadcast_in_dim3A_30 = vector.broadcast %broadcast_in_dim3A : f32 to vector<16xf32>
      %jit3A = arith.constant 8 : i32
      %div3A = arith.divsi %scan3A_29, %jit3A : i32
      %sign3A = arith.constant 0 : i32
      %sign3A_31 = arith.cmpi sgt, %scan3A_29, %sign3A : i32
      %sign3A_32 = arith.extui %sign3A_31 : i1 to i32
      %sign3A_33 = arith.constant 0 : i32
      %sign3A_34 = arith.cmpi slt, %scan3A_29, %sign3A_33 : i32
      %sign3A_35 = arith.extui %sign3A_34 : i1 to i32
      %sign3A_36 = arith.subi %sign3A_32, %sign3A_35 : i32
      %sign3A_37 = arith.constant 0 : i32
      %sign3A_38 = arith.cmpi sgt, %jit3A, %sign3A_37 : i32
      %sign3A_39 = arith.extui %sign3A_38 : i1 to i32
      %sign3A_40 = arith.constant 0 : i32
      %sign3A_41 = arith.cmpi slt, %jit3A, %sign3A_40 : i32
      %sign3A_42 = arith.extui %sign3A_41 : i1 to i32
      %sign3A_43 = arith.subi %sign3A_39, %sign3A_42 : i32
      %ne3A = arith.cmpi ne, %sign3A_36, %sign3A_43 : i32
      %rem3A = arith.remsi %scan3A_29, %jit3A : i32
      %ne3A_44 = arith.constant 0 : i32
      %ne3A_45 = arith.cmpi ne, %rem3A, %ne3A_44 : i32
      %and3A = arith.andi %ne3A, %ne3A_45 : i1
      %sub3A = arith.constant 1 : i32
      %sub3A_46 = arith.subi %div3A, %sub3A : i32
      %select_n3A = arith.select %and3A, %sub3A_46, %div3A : i32
      %jit3A_47 = arith.constant 8 : i32
      %eq3A = arith.constant 0 : i32
      %eq3A_48 = arith.cmpi eq, %jit3A_47, %eq3A : i32
      %jit3A_49 = arith.constant 1 : i32
      %select_n3A_50 = arith.select %eq3A_48, %jit3A_49, %jit3A_47 : i32
      %rem3A_51 = arith.remsi %scan3A_29, %select_n3A_50 : i32
      %ne3A_52 = arith.constant 0 : i32
      %ne3A_53 = arith.cmpi ne, %rem3A_51, %ne3A_52 : i32
      %lt3A = arith.constant 0 : i32
      %lt3A_54 = arith.cmpi slt, %rem3A_51, %lt3A : i32
      %lt3A_55 = arith.constant 0 : i32
      %lt3A_56 = arith.cmpi slt, %select_n3A_50, %lt3A_55 : i32
      %ne3A_57 = arith.xori %lt3A_54, %lt3A_56 : i1
      %and3A_58 = arith.andi %ne3A_57, %ne3A_53 : i1
      %add3A_59 = arith.addi %rem3A_51, %select_n3A_50 : i32
      %select_n3A_60 = arith.select %and3A_58, %add3A_59, %rem3A_51 : i32
      %mul3A_61 = arith.constant 16 : i32
      %mul3A_62 = arith.muli %select_n3A_60, %mul3A_61 : i32
      %swap3A = arith.index_cast %select_n3A : i32 to index
      %swap3A_63 = arith.index_cast %mul3A_62 : i32 to index
      %swap3A_64 = tpu.vector_load %arg9[%swap3A, %swap3A_63] {strides = array<i32>} : memref<64x128xf32, #tpu.memory_space<vmem>>, vector<1x16xf32>,
      %swap3A_65 = vector.shape_cast %swap3A_64 : vector<1x16xf32> to vector<16xf32>
      %swap3A_66 = vector.shape_cast %broadcast_in_dim3A_30 : vector<16xf32> to vector<1x16xf32>
      tpu.vector_store %arg9[%swap3A, %swap3A_63], %swap3A_66 {strides = array<i32>} : memref<64x128xf32, #tpu.memory_space<vmem>>, vector<1x16xf32>,
    }
    %scan3A_7 = arith.constant 512 : i32
    "tpu.region"() ({
      %run_scoped3A = tpu.sem_alloc : memref<!tpu.dma_semaphore, #tpu.memory_space<semaphore_mem>>
      %dma_start3A = arith.constant 0 : i32
      %dma_start3A_29 = arith.constant 0 : i32
      %dma_start3A_30 = tpu.memref_slice %arg4[%add3A, %dma_start3A, %dma_start3A_29] : memref<32x157x128xi32, #tpu.memory_space<hbm>> -> memref<1x157x128xi32, #tpu.memory_space<hbm>>
      %dma_start3A_31 = tpu.memref_squeeze %dma_start3A_30 : memref<1x157x128xi32, #tpu.memory_space<hbm>> -> memref<157x128xi32, #tpu.memory_space<hbm>>
      %dma_start3A_32 = arith.constant 0 : i32
      %dma_start3A_33 = arith.constant 0 : i32
      %dma_start3A_34 = tpu.memref_slice %arg4[%add3A, %dma_start3A_32, %dma_start3A_33] : memref<32x157x128xi32, #tpu.memory_space<hbm>> -> memref<1x157x128xi32, #tpu.memory_space<hbm>>
      %dma_start3A_35 = tpu.memref_squeeze %dma_start3A_34 : memref<1x157x128xi32, #tpu.memory_space<hbm>> -> memref<157x128xi32, #tpu.memory_space<hbm>>
      tpu.enqueue_dma source(%dma_start3A_35 : memref<157x128xi32, #tpu.memory_space<hbm>>) target(%arg7 : memref<157x128xi32, #tpu.memory_space<vmem>>) target_semaphore(%run_scoped3A : memref<!tpu.dma_semaphore, #tpu.memory_space<semaphore_mem>>)
      %dma_wait3A = arith.constant 0 : i32
      %dma_wait3A_36 = arith.constant 0 : i32
      %dma_wait3A_37 = tpu.memref_slice %arg4[%add3A, %dma_wait3A, %dma_wait3A_36] : memref<32x157x128xi32, #tpu.memory_space<hbm>> -> memref<1x157x128xi32, #tpu.memory_space<hbm>>
      %dma_wait3A_38 = tpu.memref_squeeze %dma_wait3A_37 : memref<1x157x128xi32, #tpu.memory_space<hbm>> -> memref<157x128xi32, #tpu.memory_space<hbm>>
      %dma_wait3A_39 = arith.constant 0 : i32
      %dma_wait3A_40 = arith.constant 0 : i32
      %dma_wait3A_41 = tpu.memref_slice %arg4[%add3A, %dma_wait3A_39, %dma_wait3A_40] : memref<32x157x128xi32, #tpu.memory_space<hbm>> -> memref<1x157x128xi32, #tpu.memory_space<hbm>>
      %dma_wait3A_42 = tpu.memref_squeeze %dma_wait3A_41 : memref<1x157x128xi32, #tpu.memory_space<hbm>> -> memref<157x128xi32, #tpu.memory_space<hbm>>
      tpu.wait_dma2 semaphore(%run_scoped3A : memref<!tpu.dma_semaphore, #tpu.memory_space<semaphore_mem>>) src(%dma_wait3A_42 : memref<157x128xi32, #tpu.memory_space<hbm>>) dst(%arg7 : memref<157x128xi32, #tpu.memory_space<vmem>>)
      tpu.yield
    }) : () -> ()
    %add3A_8 = arith.constant 0 : i32
    %add3A_9 = arith.addi %mul3A_2, %add3A_8 : i32
    "tpu.region"() ({
      %run_scoped3A = tpu.sem_alloc : memref<!tpu.dma_semaphore, #tpu.memory_space<semaphore_mem>>
      %dma_start3A = arith.constant 0 : i32
      %dma_start3A_29 = tpu.memref_slice %arg10[%add3A_9, %dma_start3A] : memref<5120x128xf32, #tpu.memory_space<vmem_shared>> -> memref<64x128xf32, #tpu.memory_space<vmem_shared>>
      %dma_start3A_30 = arith.constant 0 : i32
      %dma_start3A_31 = tpu.memref_slice %arg10[%add3A_9, %dma_start3A_30] : memref<5120x128xf32, #tpu.memory_space<vmem_shared>> -> memref<64x128xf32, #tpu.memory_space<vmem_shared>>
      tpu.enqueue_dma source(%arg9 : memref<64x128xf32, #tpu.memory_space<vmem>>) target(%dma_start3A_31 : memref<64x128xf32, #tpu.memory_space<vmem_shared>>) target_semaphore(%run_scoped3A : memref<!tpu.dma_semaphore, #tpu.memory_space<semaphore_mem>>)
      %dma_wait3A = arith.constant 0 : i32
      %dma_wait3A_32 = tpu.memref_slice %arg10[%add3A_9, %dma_wait3A] : memref<5120x128xf32, #tpu.memory_space<vmem_shared>> -> memref<64x128xf32, #tpu.memory_space<vmem_shared>>
      %dma_wait3A_33 = arith.constant 0 : i32
      %dma_wait3A_34 = tpu.memref_slice %arg10[%add3A_9, %dma_wait3A_33] : memref<5120x128xf32, #tpu.memory_space<vmem_shared>> -> memref<64x128xf32, #tpu.memory_space<vmem_shared>>
      tpu.wait_dma2 semaphore(%run_scoped3A : memref<!tpu.dma_semaphore, #tpu.memory_space<semaphore_mem>>) src(%arg9 : memref<64x128xf32, #tpu.memory_space<vmem>>) dst(%dma_wait3A_34 : memref<64x128xf32, #tpu.memory_space<vmem_shared>>)
      tpu.yield
    }) : () -> ()
    %add3A_10 = arith.constant 64 : i32
    %add3A_11 = arith.addi %mul3A_2, %add3A_10 : i32
    "tpu.region"() ({
      %run_scoped3A = tpu.sem_alloc : memref<!tpu.dma_semaphore, #tpu.memory_space<semaphore_mem>>
      %dma_start3A = arith.constant 0 : i32
      %dma_start3A_29 = tpu.memref_slice %arg10[%add3A_11, %dma_start3A] : memref<5120x128xf32, #tpu.memory_space<vmem_shared>> -> memref<64x128xf32, #tpu.memory_space<vmem_shared>>
      %dma_start3A_30 = arith.constant 0 : i32
      %dma_start3A_31 = tpu.memref_slice %arg10[%add3A_11, %dma_start3A_30] : memref<5120x128xf32, #tpu.memory_space<vmem_shared>> -> memref<64x128xf32, #tpu.memory_space<vmem_shared>>
      tpu.enqueue_dma source(%arg9 : memref<64x128xf32, #tpu.memory_space<vmem>>) target(%dma_start3A_31 : memref<64x128xf32, #tpu.memory_space<vmem_shared>>) target_semaphore(%run_scoped3A : memref<!tpu.dma_semaphore, #tpu.memory_space<semaphore_mem>>)
      %dma_wait3A = arith.constant 0 : i32
      %dma_wait3A_32 = tpu.memref_slice %arg10[%add3A_11, %dma_wait3A] : memref<5120x128xf32, #tpu.memory_space<vmem_shared>> -> memref<64x128xf32, #tpu.memory_space<vmem_shared>>
      %dma_wait3A_33 = arith.constant 0 : i32
      %dma_wait3A_34 = tpu.memref_slice %arg10[%add3A_11, %dma_wait3A_33] : memref<5120x128xf32, #tpu.memory_space<vmem_shared>> -> memref<64x128xf32, #tpu.memory_space<vmem_shared>>
      tpu.wait_dma2 semaphore(%run_scoped3A : memref<!tpu.dma_semaphore, #tpu.memory_space<semaphore_mem>>) src(%arg9 : memref<64x128xf32, #tpu.memory_space<vmem>>) dst(%dma_wait3A_34 : memref<64x128xf32, #tpu.memory_space<vmem_shared>>)
      tpu.yield
    }) : () -> ()
    %add3A_12 = arith.constant 128 : i32
    %add3A_13 = arith.addi %mul3A_2, %add3A_12 : i32
    "tpu.region"() ({
      %run_scoped3A = tpu.sem_alloc : memref<!tpu.dma_semaphore, #tpu.memory_space<semaphore_mem>>
      %dma_start3A = arith.constant 0 : i32
      %dma_start3A_29 = tpu.memref_slice %arg10[%add3A_13, %dma_start3A] : memref<5120x128xf32, #tpu.memory_space<vmem_shared>> -> memref<64x128xf32, #tpu.memory_space<vmem_shared>>
      %dma_start3A_30 = arith.constant 0 : i32
      %dma_start3A_31 = tpu.memref_slice %arg10[%add3A_13, %dma_start3A_30] : memref<5120x128xf32, #tpu.memory_space<vmem_shared>> -> memref<64x128xf32, #tpu.memory_space<vmem_shared>>
      tpu.enqueue_dma source(%arg9 : memref<64x128xf32, #tpu.memory_space<vmem>>) target(%dma_start3A_31 : memref<64x128xf32, #tpu.memory_space<vmem_shared>>) target_semaphore(%run_scoped3A : memref<!tpu.dma_semaphore, #tpu.memory_space<semaphore_mem>>)
      %dma_wait3A = arith.constant 0 : i32
      %dma_wait3A_32 = tpu.memref_slice %arg10[%add3A_13, %dma_wait3A] : memref<5120x128xf32, #tpu.memory_space<vmem_shared>> -> memref<64x128xf32, #tpu.memory_space<vmem_shared>>
      %dma_wait3A_33 = arith.constant 0 : i32
      %dma_wait3A_34 = tpu.memref_slice %arg10[%add3A_13, %dma_wait3A_33] : memref<5120x128xf32, #tpu.memory_space<vmem_shared>> -> memref<64x128xf32, #tpu.memory_space<vmem_shared>>
      tpu.wait_dma2 semaphore(%run_scoped3A : memref<!tpu.dma_semaphore, #tpu.memory_space<semaphore_mem>>) src(%arg9 : memref<64x128xf32, #tpu.memory_space<vmem>>) dst(%dma_wait3A_34 : memref<64x128xf32, #tpu.memory_space<vmem_shared>>)
      tpu.yield
    }) : () -> ()
    %add3A_14 = arith.constant 192 : i32
    %add3A_15 = arith.addi %mul3A_2, %add3A_14 : i32
    "tpu.region"() ({
      %run_scoped3A = tpu.sem_alloc : memref<!tpu.dma_semaphore, #tpu.memory_space<semaphore_mem>>
      %dma_start3A = arith.constant 0 : i32
      %dma_start3A_29 = tpu.memref_slice %arg10[%add3A_15, %dma_start3A] : memref<5120x128xf32, #tpu.memory_space<vmem_shared>> -> memref<64x128xf32, #tpu.memory_space<vmem_shared>>
      %dma_start3A_30 = arith.constant 0 : i32
      %dma_start3A_31 = tpu.memref_slice %arg10[%add3A_15, %dma_start3A_30] : memref<5120x128xf32, #tpu.memory_space<vmem_shared>> -> memref<64x128xf32, #tpu.memory_space<vmem_shared>>
      tpu.enqueue_dma source(%arg9 : memref<64x128xf32, #tpu.memory_space<vmem>>) target(%dma_start3A_31 : memref<64x128xf32, #tpu.memory_space<vmem_shared>>) target_semaphore(%run_scoped3A : memref<!tpu.dma_semaphore, #tpu.memory_space<semaphore_mem>>)
      %dma_wait3A = arith.constant 0 : i32
      %dma_wait3A_32 = tpu.memref_slice %arg10[%add3A_15, %dma_wait3A] : memref<5120x128xf32, #tpu.memory_space<vmem_shared>> -> memref<64x128xf32, #tpu.memory_space<vmem_shared>>
      %dma_wait3A_33 = arith.constant 0 : i32
      %dma_wait3A_34 = tpu.memref_slice %arg10[%add3A_15, %dma_wait3A_33] : memref<5120x128xf32, #tpu.memory_space<vmem_shared>> -> memref<64x128xf32, #tpu.memory_space<vmem_shared>>
      tpu.wait_dma2 semaphore(%run_scoped3A : memref<!tpu.dma_semaphore, #tpu.memory_space<semaphore_mem>>) src(%arg9 : memref<64x128xf32, #tpu.memory_space<vmem>>) dst(%dma_wait3A_34 : memref<64x128xf32, #tpu.memory_space<vmem_shared>>)
      tpu.yield
    }) : () -> ()
    %add3A_16 = arith.constant 256 : i32
    %add3A_17 = arith.addi %mul3A_2, %add3A_16 : i32
    "tpu.region"() ({
      %run_scoped3A = tpu.sem_alloc : memref<!tpu.dma_semaphore, #tpu.memory_space<semaphore_mem>>
      %dma_start3A = arith.constant 0 : i32
      %dma_start3A_29 = tpu.memref_slice %arg10[%add3A_17, %dma_start3A] : memref<5120x128xf32, #tpu.memory_space<vmem_shared>> -> memref<64x128xf32, #tpu.memory_space<vmem_shared>>
      %dma_start3A_30 = arith.constant 0 : i32
      %dma_start3A_31 = tpu.memref_slice %arg10[%add3A_17, %dma_start3A_30] : memref<5120x128xf32, #tpu.memory_space<vmem_shared>> -> memref<64x128xf32, #tpu.memory_space<vmem_shared>>
      tpu.enqueue_dma source(%arg9 : memref<64x128xf32, #tpu.memory_space<vmem>>) target(%dma_start3A_31 : memref<64x128xf32, #tpu.memory_space<vmem_shared>>) target_semaphore(%run_scoped3A : memref<!tpu.dma_semaphore, #tpu.memory_space<semaphore_mem>>)
      %dma_wait3A = arith.constant 0 : i32
      %dma_wait3A_32 = tpu.memref_slice %arg10[%add3A_17, %dma_wait3A] : memref<5120x128xf32, #tpu.memory_space<vmem_shared>> -> memref<64x128xf32, #tpu.memory_space<vmem_shared>>
      %dma_wait3A_33 = arith.constant 0 : i32
      %dma_wait3A_34 = tpu.memref_slice %arg10[%add3A_17, %dma_wait3A_33] : memref<5120x128xf32, #tpu.memory_space<vmem_shared>> -> memref<64x128xf32, #tpu.memory_space<vmem_shared>>
      tpu.wait_dma2 semaphore(%run_scoped3A : memref<!tpu.dma_semaphore, #tpu.memory_space<semaphore_mem>>) src(%arg9 : memref<64x128xf32, #tpu.memory_space<vmem>>) dst(%dma_wait3A_34 : memref<64x128xf32, #tpu.memory_space<vmem_shared>>)
      tpu.yield
    }) : () -> ()
    %barrier3A = arith.constant 0 : index
    tpu.barrier barrier_id(%barrier3A)
    %add3A_18 = arith.constant 0 : i32
    %add3A_19 = arith.addi %add3A_18, %add3A : i32
    "tpu.region"() ({
      %run_scoped3A = tpu.sem_alloc : memref<!tpu.dma_semaphore, #tpu.memory_space<semaphore_mem>>
      %dma_start3A = arith.constant 0 : i32
      %dma_start3A_29 = arith.constant 0 : i32
      %dma_start3A_30 = tpu.memref_slice %arg3[%add3A_19, %dma_start3A, %dma_start3A_29] : memref<32x157x128xi32, #tpu.memory_space<hbm>> -> memref<1x157x128xi32, #tpu.memory_space<hbm>>
      %dma_start3A_31 = tpu.memref_squeeze %dma_start3A_30 : memref<1x157x128xi32, #tpu.memory_space<hbm>> -> memref<157x128xi32, #tpu.memory_space<hbm>>
      %dma_start3A_32 = arith.constant 0 : i32
      %dma_start3A_33 = arith.constant 0 : i32
      %dma_start3A_34 = tpu.memref_slice %arg3[%add3A_19, %dma_start3A_32, %dma_start3A_33] : memref<32x157x128xi32, #tpu.memory_space<hbm>> -> memref<1x157x128xi32, #tpu.memory_space<hbm>>
      %dma_start3A_35 = tpu.memref_squeeze %dma_start3A_34 : memref<1x157x128xi32, #tpu.memory_space<hbm>> -> memref<157x128xi32, #tpu.memory_space<hbm>>
      tpu.enqueue_dma source(%dma_start3A_35 : memref<157x128xi32, #tpu.memory_space<hbm>>) target(%arg6 : memref<157x128xi32, #tpu.memory_space<vmem>>) target_semaphore(%run_scoped3A : memref<!tpu.dma_semaphore, #tpu.memory_space<semaphore_mem>>)
      %dma_wait3A = arith.constant 0 : i32
      %dma_wait3A_36 = arith.constant 0 : i32
      %dma_wait3A_37 = tpu.memref_slice %arg3[%add3A_19, %dma_wait3A, %dma_wait3A_36] : memref<32x157x128xi32, #tpu.memory_space<hbm>> -> memref<1x157x128xi32, #tpu.memory_space<hbm>>
      %dma_wait3A_38 = tpu.memref_squeeze %dma_wait3A_37 : memref<1x157x128xi32, #tpu.memory_space<hbm>> -> memref<157x128xi32, #tpu.memory_space<hbm>>
      %dma_wait3A_39 = arith.constant 0 : i32
      %dma_wait3A_40 = arith.constant 0 : i32
      %dma_wait3A_41 = tpu.memref_slice %arg3[%add3A_19, %dma_wait3A_39, %dma_wait3A_40] : memref<32x157x128xi32, #tpu.memory_space<hbm>> -> memref<1x157x128xi32, #tpu.memory_space<hbm>>
      %dma_wait3A_42 = tpu.memref_squeeze %dma_wait3A_41 : memref<1x157x128xi32, #tpu.memory_space<hbm>> -> memref<157x128xi32, #tpu.memory_space<hbm>>
      tpu.wait_dma2 semaphore(%run_scoped3A : memref<!tpu.dma_semaphore, #tpu.memory_space<semaphore_mem>>) src(%dma_wait3A_42 : memref<157x128xi32, #tpu.memory_space<hbm>>) dst(%arg6 : memref<157x128xi32, #tpu.memory_space<vmem>>)
      tpu.yield
    }) : () -> ()
    %scan3A_20 = arith.constant 0 : i32
    %scan3A_21 = arith.constant 0 : i32
    %scan3A_22 = arith.constant 157 : i32
    %scan3A_23 = arith.addi %scan3A_21, %scan3A_22 : i32
    %scan3A_24 = arith.constant 1 : i32
    scf.for %scan3A_29 = %scan3A_21 to %scan3A_23 step %scan3A_24  : i32 {
      %dma_start3A = arith.constant 0 : i32
      %dma_start3A_30 = tpu.memref_slice %arg6[%scan3A_29, %dma_start3A] : memref<157x128xi32, #tpu.memory_space<vmem>> -> memref<1x128xi32, #tpu.memory_space<vmem>>
      %dma_start3A_31 = tpu.memref_squeeze %dma_start3A_30 : memref<1x128xi32, #tpu.memory_space<vmem>> -> memref<128xi32, #tpu.memory_space<vmem>>
      %dma_start3A_32 = arith.constant 0 : i32
      %dma_start3A_33 = arith.constant 0 : i32
      %dma_start3A_34 = tpu.memref_slice %arg2[%dma_start3A_32, %dma_start3A_33] : memref<10000x128xf32, #tpu.memory_space<hbm>> -> memref<10000x128xf32, #tpu.memory_space<hbm>>
      tpu.enqueue_indirect_dma source(%dma_start3A_34 : memref<10000x128xf32, #tpu.memory_space<hbm>>) target(%arg8 : memref<128x128xf32, #tpu.memory_space<vmem>>) offsets(%dma_start3A_31 : memref<128xi32, #tpu.memory_space<vmem>>) semaphore(%arg11 : memref<!tpu.dma_semaphore, #tpu.memory_space<semaphore_mem>>)
      %dma_wait3A = arith.constant 0 : i32
      %dma_wait3A_35 = tpu.memref_slice %arg6[%scan3A_29, %dma_wait3A] : memref<157x128xi32, #tpu.memory_space<vmem>> -> memref<1x128xi32, #tpu.memory_space<vmem>>
      %dma_wait3A_36 = tpu.memref_squeeze %dma_wait3A_35 : memref<1x128xi32, #tpu.memory_space<vmem>> -> memref<128xi32, #tpu.memory_space<vmem>>
      %dma_wait3A_37 = arith.constant 0 : i32
      %dma_wait3A_38 = arith.constant 0 : i32
      %dma_wait3A_39 = tpu.memref_slice %arg2[%dma_wait3A_37, %dma_wait3A_38] : memref<10000x128xf32, #tpu.memory_space<hbm>> -> memref<10000x128xf32, #tpu.memory_space<hbm>>
      tpu.wait_indirect_dma semaphore(%arg11 : memref<!tpu.dma_semaphore, #tpu.memory_space<semaphore_mem>>) src(%dma_wait3A_39 : memref<10000x128xf32, #tpu.memory_space<hbm>>) dst(%arg8 : memref<128x128xf32, #tpu.memory_space<vmem>>)
      "tpu.region"() ({
        %run_scoped3A = tpu.sem_alloc : memref<!tpu.dma_semaphore, #tpu.memory_space<semaphore_mem>>
        %dma_start3A_40 = arith.constant 0 : i32
        %dma_start3A_41 = tpu.memref_slice %arg7[%scan3A_29, %dma_start3A_40] : memref<157x128xi32, #tpu.memory_space<vmem>> -> memref<1x128xi32, #tpu.memory_space<vmem>>
        %dma_start3A_42 = tpu.memref_squeeze %dma_start3A_41 : memref<1x128xi32, #tpu.memory_space<vmem>> -> memref<128xi32, #tpu.memory_space<vmem>>
        %dma_start3A_43 = arith.constant 0 : i32
        %dma_start3A_44 = arith.constant 0 : i32
        %dma_start3A_45 = tpu.memref_slice %arg10[%dma_start3A_43, %dma_start3A_44] : memref<5120x128xf32, #tpu.memory_space<vmem_shared>> -> memref<5120x128xf32, #tpu.memory_space<vmem_shared>>
        tpu.enqueue_indirect_dma source(%arg8 : memref<128x128xf32, #tpu.memory_space<vmem>>) target(%dma_start3A_45 : memref<5120x128xf32, #tpu.memory_space<vmem_shared>>) offsets(%dma_start3A_42 : memref<128xi32, #tpu.memory_space<vmem>>) semaphore(%run_scoped3A : memref<!tpu.dma_semaphore, #tpu.memory_space<semaphore_mem>>) {add = true}
        %dma_wait3A_46 = arith.constant 0 : i32
        %dma_wait3A_47 = tpu.memref_slice %arg7[%scan3A_29, %dma_wait3A_46] : memref<157x128xi32, #tpu.memory_space<vmem>> -> memref<1x128xi32, #tpu.memory_space<vmem>>
        %dma_wait3A_48 = tpu.memref_squeeze %dma_wait3A_47 : memref<1x128xi32, #tpu.memory_space<vmem>> -> memref<128xi32, #tpu.memory_space<vmem>>
        %dma_wait3A_49 = arith.constant 0 : i32
        %dma_wait3A_50 = arith.constant 0 : i32
        %dma_wait3A_51 = tpu.memref_slice %arg10[%dma_wait3A_49, %dma_wait3A_50] : memref<5120x128xf32, #tpu.memory_space<vmem_shared>> -> memref<5120x128xf32, #tpu.memory_space<vmem_shared>>
        tpu.wait_indirect_dma semaphore(%run_scoped3A : memref<!tpu.dma_semaphore, #tpu.memory_space<semaphore_mem>>) src(%arg8 : memref<128x128xf32, #tpu.memory_space<vmem>>) dst(%dma_wait3A_51 : memref<5120x128xf32, #tpu.memory_space<vmem_shared>>)
        tpu.yield
      }) : () -> ()
    }
    %scan3A_25 = arith.constant 157 : i32
    %barrier3A_26 = arith.constant 0 : index
    tpu.barrier barrier_id(%barrier3A_26)
    %add3A_27 = arith.constant 0 : i32
    %add3A_28 = arith.addi %add3A_27, %arg0 : i32
    "tpu.region"() ({
      %run_scoped3A = tpu.sem_alloc : memref<!tpu.dma_semaphore, #tpu.memory_space<semaphore_mem>>
      %dma_start3A = arith.constant 0 : i32
      %dma_start3A_29 = tpu.memref_slice %arg5[%add3A_28, %mul3A_2, %dma_start3A] : memref<2x5120x128xf32, #tpu.memory_space<hbm>> -> memref<1x320x128xf32, #tpu.memory_space<hbm>>
      %dma_start3A_30 = tpu.memref_squeeze %dma_start3A_29 : memref<1x320x128xf32, #tpu.memory_space<hbm>> -> memref<320x128xf32, #tpu.memory_space<hbm>>
      %dma_start3A_31 = arith.constant 0 : i32
      %dma_start3A_32 = tpu.memref_slice %arg10[%mul3A_2, %dma_start3A_31] : memref<5120x128xf32, #tpu.memory_space<vmem_shared>> -> memref<320x128xf32, #tpu.memory_space<vmem_shared>>
      tpu.enqueue_dma source(%dma_start3A_32 : memref<320x128xf32, #tpu.memory_space<vmem_shared>>) target(%dma_start3A_30 : memref<320x128xf32, #tpu.memory_space<hbm>>) target_semaphore(%run_scoped3A : memref<!tpu.dma_semaphore, #tpu.memory_space<semaphore_mem>>)
      %dma_wait3A = arith.constant 0 : i32
      %dma_wait3A_33 = tpu.memref_slice %arg5[%add3A_28, %mul3A_2, %dma_wait3A] : memref<2x5120x128xf32, #tpu.memory_space<hbm>> -> memref<1x320x128xf32, #tpu.memory_space<hbm>>
      %dma_wait3A_34 = tpu.memref_squeeze %dma_wait3A_33 : memref<1x320x128xf32, #tpu.memory_space<hbm>> -> memref<320x128xf32, #tpu.memory_space<hbm>>
      %dma_wait3A_35 = arith.constant 0 : i32
      %dma_wait3A_36 = tpu.memref_slice %arg10[%mul3A_2, %dma_wait3A_35] : memref<5120x128xf32, #tpu.memory_space<vmem_shared>> -> memref<320x128xf32, #tpu.memory_space<vmem_shared>>
      tpu.wait_dma2 semaphore(%run_scoped3A : memref<!tpu.dma_semaphore, #tpu.memory_space<semaphore_mem>>) src(%dma_wait3A_36 : memref<320x128xf32, #tpu.memory_space<vmem_shared>>) dst(%dma_wait3A_34 : memref<320x128xf32, #tpu.memory_space<hbm>>)
      tpu.yield
    }) : () -> ()
    return
  }
}

#map = affine_map<(d0, d1) -> (0, 0)>
#map1 = affine_map<(d0, d1) -> (0, 0, 0)>
module attributes {stable_mosaic.version = 14 : i64} {
  func.func @body(%arg0: i32, %arg1: i32, %arg2: memref<10000x128xf32, #tpu.memory_space<hbm>>, %arg3: memref<32x157x128xi32, #tpu.memory_space<hbm>>, %arg4: memref<32x157x128xi32, #tpu.memory_space<hbm>>, %arg5: memref<4x5120x128xf32, #tpu.memory_space<hbm>>, %arg6: memref<157x128xi32, #tpu.memory_space<vmem>>, %arg7: memref<157x128xi32, #tpu.memory_space<vmem>>, %arg8: memref<128x128xf32, #tpu.memory_space<vmem>>, %arg9: memref<64x128xf32, #tpu.memory_space<vmem>>, %arg10: memref<5120x128xf32, #tpu.memory_space<vmem_shared>>, %arg11: memref<!tpu.dma_semaphore, #tpu.memory_space<semaphore_mem>>) attributes {dimension_semantics = [#tpu.dimension_semantics<core_parallel>, #tpu.dimension_semantics<subcore_parallel>], iteration_bounds = array<i64: 2, 16>, scalar_prefetch = 0 : i64, scratch_operands = 6 : i64, tpu.core_type = #tpu.core_type<sc_vector_subcore>, window_params = [{transform_indices = #map}, {transform_indices = #map1}, {transform_indices = #map1}, {transform_indices = #map1}]} {
    %mul3A = arith.constant 16 : i32
    %mul3A_0 = arith.muli %arg0, %mul3A : i32
    %add3A = arith.addi %mul3A_0, %arg1 : i32
    %mul3A_1 = arith.constant 320 : i32
    %mul3A_2 = arith.muli %arg1, %mul3A_1 : i32
    %scan3A = arith.constant 0 : i32
    %scan3A_3 = arith.constant 0 : i32
    %scan3A_4 = arith.constant 512 : i32
    %scan3A_5 = arith.addi %scan3A_3, %scan3A_4 : i32
    %scan3A_6 = arith.constant 1 : i32
    scf.for %scan3A_55 = %scan3A_3 to %scan3A_5 step %scan3A_6  : i32 {
      %broadcast_in_dim3A = arith.constant 0.000000e+00 : f32
      %broadcast_in_dim3A_56 = vector.broadcast %broadcast_in_dim3A : f32 to vector<16xf32>
      %jit3A = arith.constant 8 : i32
      %div3A = arith.divsi %scan3A_55, %jit3A : i32
      %sign3A = arith.constant 0 : i32
      %sign3A_57 = arith.cmpi sgt, %scan3A_55, %sign3A : i32
      %sign3A_58 = arith.extui %sign3A_57 : i1 to i32
      %sign3A_59 = arith.constant 0 : i32
      %sign3A_60 = arith.cmpi slt, %scan3A_55, %sign3A_59 : i32
      %sign3A_61 = arith.extui %sign3A_60 : i1 to i32
      %sign3A_62 = arith.subi %sign3A_58, %sign3A_61 : i32
      %sign3A_63 = arith.constant 0 : i32
      %sign3A_64 = arith.cmpi sgt, %jit3A, %sign3A_63 : i32
      %sign3A_65 = arith.extui %sign3A_64 : i1 to i32
      %sign3A_66 = arith.constant 0 : i32
      %sign3A_67 = arith.cmpi slt, %jit3A, %sign3A_66 : i32
      %sign3A_68 = arith.extui %sign3A_67 : i1 to i32
      %sign3A_69 = arith.subi %sign3A_65, %sign3A_68 : i32
      %ne3A = arith.cmpi ne, %sign3A_62, %sign3A_69 : i32
      %rem3A = arith.remsi %scan3A_55, %jit3A : i32
      %ne3A_70 = arith.constant 0 : i32
      %ne3A_71 = arith.cmpi ne, %rem3A, %ne3A_70 : i32
      %and3A = arith.andi %ne3A, %ne3A_71 : i1
      %sub3A = arith.constant 1 : i32
      %sub3A_72 = arith.subi %div3A, %sub3A : i32
      %select_n3A = arith.select %and3A, %sub3A_72, %div3A : i32
      %jit3A_73 = arith.constant 8 : i32
      %eq3A = arith.constant 0 : i32
      %eq3A_74 = arith.cmpi eq, %jit3A_73, %eq3A : i32
      %jit3A_75 = arith.constant 1 : i32
      %select_n3A_76 = arith.select %eq3A_74, %jit3A_75, %jit3A_73 : i32
      %rem3A_77 = arith.remsi %scan3A_55, %select_n3A_76 : i32
      %ne3A_78 = arith.constant 0 : i32
      %ne3A_79 = arith.cmpi ne, %rem3A_77, %ne3A_78 : i32
      %lt3A = arith.constant 0 : i32
      %lt3A_80 = arith.cmpi slt, %rem3A_77, %lt3A : i32
      %lt3A_81 = arith.constant 0 : i32
      %lt3A_82 = arith.cmpi slt, %select_n3A_76, %lt3A_81 : i32
      %ne3A_83 = arith.xori %lt3A_80, %lt3A_82 : i1
      %and3A_84 = arith.andi %ne3A_83, %ne3A_79 : i1
      %add3A_85 = arith.addi %rem3A_77, %select_n3A_76 : i32
      %select_n3A_86 = arith.select %and3A_84, %add3A_85, %rem3A_77 : i32
      %mul3A_87 = arith.constant 16 : i32
      %mul3A_88 = arith.muli %select_n3A_86, %mul3A_87 : i32
      %swap3A = arith.index_cast %select_n3A : i32 to index
      %swap3A_89 = arith.index_cast %mul3A_88 : i32 to index
      %swap3A_90 = tpu.vector_load %arg9[%swap3A, %swap3A_89] {strides = array<i32>} : memref<64x128xf32, #tpu.memory_space<vmem>>, vector<1x16xf32>,
      %swap3A_91 = vector.shape_cast %swap3A_90 : vector<1x16xf32> to vector<16xf32>
      %swap3A_92 = vector.shape_cast %broadcast_in_dim3A_56 : vector<16xf32> to vector<1x16xf32>
      tpu.vector_store %arg9[%swap3A, %swap3A_89], %swap3A_92 {strides = array<i32>} : memref<64x128xf32, #tpu.memory_space<vmem>>, vector<1x16xf32>,
    }
    %scan3A_7 = arith.constant 512 : i32
    "tpu.region"() ({
      %run_scoped3A = tpu.sem_alloc : memref<!tpu.dma_semaphore, #tpu.memory_space<semaphore_mem>>
      %dma_start3A = arith.constant 0 : i32
      %dma_start3A_55 = arith.constant 0 : i32
      %dma_start3A_56 = tpu.memref_slice %arg4[%add3A, %dma_start3A, %dma_start3A_55] : memref<32x157x128xi32, #tpu.memory_space<hbm>> -> memref<1x157x128xi32, #tpu.memory_space<hbm>>
      %dma_start3A_57 = tpu.memref_squeeze %dma_start3A_56 : memref<1x157x128xi32, #tpu.memory_space<hbm>> -> memref<157x128xi32, #tpu.memory_space<hbm>>
      %dma_start3A_58 = arith.constant 0 : i32
      %dma_start3A_59 = arith.constant 0 : i32
      %dma_start3A_60 = tpu.memref_slice %arg4[%add3A, %dma_start3A_58, %dma_start3A_59] : memref<32x157x128xi32, #tpu.memory_space<hbm>> -> memref<1x157x128xi32, #tpu.memory_space<hbm>>
      %dma_start3A_61 = tpu.memref_squeeze %dma_start3A_60 : memref<1x157x128xi32, #tpu.memory_space<hbm>> -> memref<157x128xi32, #tpu.memory_space<hbm>>
      tpu.enqueue_dma source(%dma_start3A_61 : memref<157x128xi32, #tpu.memory_space<hbm>>) target(%arg7 : memref<157x128xi32, #tpu.memory_space<vmem>>) target_semaphore(%run_scoped3A : memref<!tpu.dma_semaphore, #tpu.memory_space<semaphore_mem>>)
      %dma_wait3A = arith.constant 0 : i32
      %dma_wait3A_62 = arith.constant 0 : i32
      %dma_wait3A_63 = tpu.memref_slice %arg4[%add3A, %dma_wait3A, %dma_wait3A_62] : memref<32x157x128xi32, #tpu.memory_space<hbm>> -> memref<1x157x128xi32, #tpu.memory_space<hbm>>
      %dma_wait3A_64 = tpu.memref_squeeze %dma_wait3A_63 : memref<1x157x128xi32, #tpu.memory_space<hbm>> -> memref<157x128xi32, #tpu.memory_space<hbm>>
      %dma_wait3A_65 = arith.constant 0 : i32
      %dma_wait3A_66 = arith.constant 0 : i32
      %dma_wait3A_67 = tpu.memref_slice %arg4[%add3A, %dma_wait3A_65, %dma_wait3A_66] : memref<32x157x128xi32, #tpu.memory_space<hbm>> -> memref<1x157x128xi32, #tpu.memory_space<hbm>>
      %dma_wait3A_68 = tpu.memref_squeeze %dma_wait3A_67 : memref<1x157x128xi32, #tpu.memory_space<hbm>> -> memref<157x128xi32, #tpu.memory_space<hbm>>
      tpu.wait_dma2 semaphore(%run_scoped3A : memref<!tpu.dma_semaphore, #tpu.memory_space<semaphore_mem>>) src(%dma_wait3A_68 : memref<157x128xi32, #tpu.memory_space<hbm>>) dst(%arg7 : memref<157x128xi32, #tpu.memory_space<vmem>>)
      tpu.yield
    }) : () -> ()
    %add3A_8 = arith.constant 0 : i32
    %add3A_9 = arith.addi %mul3A_2, %add3A_8 : i32
    "tpu.region"() ({
      %run_scoped3A = tpu.sem_alloc : memref<!tpu.dma_semaphore, #tpu.memory_space<semaphore_mem>>
      %dma_start3A = arith.constant 0 : i32
      %dma_start3A_55 = tpu.memref_slice %arg10[%add3A_9, %dma_start3A] : memref<5120x128xf32, #tpu.memory_space<vmem_shared>> -> memref<64x128xf32, #tpu.memory_space<vmem_shared>>
      %dma_start3A_56 = arith.constant 0 : i32
      %dma_start3A_57 = tpu.memref_slice %arg10[%add3A_9, %dma_start3A_56] : memref<5120x128xf32, #tpu.memory_space<vmem_shared>> -> memref<64x128xf32, #tpu.memory_space<vmem_shared>>
      tpu.enqueue_dma source(%arg9 : memref<64x128xf32, #tpu.memory_space<vmem>>) target(%dma_start3A_57 : memref<64x128xf32, #tpu.memory_space<vmem_shared>>) target_semaphore(%run_scoped3A : memref<!tpu.dma_semaphore, #tpu.memory_space<semaphore_mem>>)
      %dma_wait3A = arith.constant 0 : i32
      %dma_wait3A_58 = tpu.memref_slice %arg10[%add3A_9, %dma_wait3A] : memref<5120x128xf32, #tpu.memory_space<vmem_shared>> -> memref<64x128xf32, #tpu.memory_space<vmem_shared>>
      %dma_wait3A_59 = arith.constant 0 : i32
      %dma_wait3A_60 = tpu.memref_slice %arg10[%add3A_9, %dma_wait3A_59] : memref<5120x128xf32, #tpu.memory_space<vmem_shared>> -> memref<64x128xf32, #tpu.memory_space<vmem_shared>>
      tpu.wait_dma2 semaphore(%run_scoped3A : memref<!tpu.dma_semaphore, #tpu.memory_space<semaphore_mem>>) src(%arg9 : memref<64x128xf32, #tpu.memory_space<vmem>>) dst(%dma_wait3A_60 : memref<64x128xf32, #tpu.memory_space<vmem_shared>>)
      tpu.yield
    }) : () -> ()
    %add3A_10 = arith.constant 64 : i32
    %add3A_11 = arith.addi %mul3A_2, %add3A_10 : i32
    "tpu.region"() ({
      %run_scoped3A = tpu.sem_alloc : memref<!tpu.dma_semaphore, #tpu.memory_space<semaphore_mem>>
      %dma_start3A = arith.constant 0 : i32
      %dma_start3A_55 = tpu.memref_slice %arg10[%add3A_11, %dma_start3A] : memref<5120x128xf32, #tpu.memory_space<vmem_shared>> -> memref<64x128xf32, #tpu.memory_space<vmem_shared>>
      %dma_start3A_56 = arith.constant 0 : i32
      %dma_start3A_57 = tpu.memref_slice %arg10[%add3A_11, %dma_start3A_56] : memref<5120x128xf32, #tpu.memory_space<vmem_shared>> -> memref<64x128xf32, #tpu.memory_space<vmem_shared>>
      tpu.enqueue_dma source(%arg9 : memref<64x128xf32, #tpu.memory_space<vmem>>) target(%dma_start3A_57 : memref<64x128xf32, #tpu.memory_space<vmem_shared>>) target_semaphore(%run_scoped3A : memref<!tpu.dma_semaphore, #tpu.memory_space<semaphore_mem>>)
      %dma_wait3A = arith.constant 0 : i32
      %dma_wait3A_58 = tpu.memref_slice %arg10[%add3A_11, %dma_wait3A] : memref<5120x128xf32, #tpu.memory_space<vmem_shared>> -> memref<64x128xf32, #tpu.memory_space<vmem_shared>>
      %dma_wait3A_59 = arith.constant 0 : i32
      %dma_wait3A_60 = tpu.memref_slice %arg10[%add3A_11, %dma_wait3A_59] : memref<5120x128xf32, #tpu.memory_space<vmem_shared>> -> memref<64x128xf32, #tpu.memory_space<vmem_shared>>
      tpu.wait_dma2 semaphore(%run_scoped3A : memref<!tpu.dma_semaphore, #tpu.memory_space<semaphore_mem>>) src(%arg9 : memref<64x128xf32, #tpu.memory_space<vmem>>) dst(%dma_wait3A_60 : memref<64x128xf32, #tpu.memory_space<vmem_shared>>)
      tpu.yield
    }) : () -> ()
    %add3A_12 = arith.constant 128 : i32
    %add3A_13 = arith.addi %mul3A_2, %add3A_12 : i32
    "tpu.region"() ({
      %run_scoped3A = tpu.sem_alloc : memref<!tpu.dma_semaphore, #tpu.memory_space<semaphore_mem>>
      %dma_start3A = arith.constant 0 : i32
      %dma_start3A_55 = tpu.memref_slice %arg10[%add3A_13, %dma_start3A] : memref<5120x128xf32, #tpu.memory_space<vmem_shared>> -> memref<64x128xf32, #tpu.memory_space<vmem_shared>>
      %dma_start3A_56 = arith.constant 0 : i32
      %dma_start3A_57 = tpu.memref_slice %arg10[%add3A_13, %dma_start3A_56] : memref<5120x128xf32, #tpu.memory_space<vmem_shared>> -> memref<64x128xf32, #tpu.memory_space<vmem_shared>>
      tpu.enqueue_dma source(%arg9 : memref<64x128xf32, #tpu.memory_space<vmem>>) target(%dma_start3A_57 : memref<64x128xf32, #tpu.memory_space<vmem_shared>>) target_semaphore(%run_scoped3A : memref<!tpu.dma_semaphore, #tpu.memory_space<semaphore_mem>>)
      %dma_wait3A = arith.constant 0 : i32
      %dma_wait3A_58 = tpu.memref_slice %arg10[%add3A_13, %dma_wait3A] : memref<5120x128xf32, #tpu.memory_space<vmem_shared>> -> memref<64x128xf32, #tpu.memory_space<vmem_shared>>
      %dma_wait3A_59 = arith.constant 0 : i32
      %dma_wait3A_60 = tpu.memref_slice %arg10[%add3A_13, %dma_wait3A_59] : memref<5120x128xf32, #tpu.memory_space<vmem_shared>> -> memref<64x128xf32, #tpu.memory_space<vmem_shared>>
      tpu.wait_dma2 semaphore(%run_scoped3A : memref<!tpu.dma_semaphore, #tpu.memory_space<semaphore_mem>>) src(%arg9 : memref<64x128xf32, #tpu.memory_space<vmem>>) dst(%dma_wait3A_60 : memref<64x128xf32, #tpu.memory_space<vmem_shared>>)
      tpu.yield
    }) : () -> ()
    %add3A_14 = arith.constant 192 : i32
    %add3A_15 = arith.addi %mul3A_2, %add3A_14 : i32
    "tpu.region"() ({
      %run_scoped3A = tpu.sem_alloc : memref<!tpu.dma_semaphore, #tpu.memory_space<semaphore_mem>>
      %dma_start3A = arith.constant 0 : i32
      %dma_start3A_55 = tpu.memref_slice %arg10[%add3A_15, %dma_start3A] : memref<5120x128xf32, #tpu.memory_space<vmem_shared>> -> memref<64x128xf32, #tpu.memory_space<vmem_shared>>
      %dma_start3A_56 = arith.constant 0 : i32
      %dma_start3A_57 = tpu.memref_slice %arg10[%add3A_15, %dma_start3A_56] : memref<5120x128xf32, #tpu.memory_space<vmem_shared>> -> memref<64x128xf32, #tpu.memory_space<vmem_shared>>
      tpu.enqueue_dma source(%arg9 : memref<64x128xf32, #tpu.memory_space<vmem>>) target(%dma_start3A_57 : memref<64x128xf32, #tpu.memory_space<vmem_shared>>) target_semaphore(%run_scoped3A : memref<!tpu.dma_semaphore, #tpu.memory_space<semaphore_mem>>)
      %dma_wait3A = arith.constant 0 : i32
      %dma_wait3A_58 = tpu.memref_slice %arg10[%add3A_15, %dma_wait3A] : memref<5120x128xf32, #tpu.memory_space<vmem_shared>> -> memref<64x128xf32, #tpu.memory_space<vmem_shared>>
      %dma_wait3A_59 = arith.constant 0 : i32
      %dma_wait3A_60 = tpu.memref_slice %arg10[%add3A_15, %dma_wait3A_59] : memref<5120x128xf32, #tpu.memory_space<vmem_shared>> -> memref<64x128xf32, #tpu.memory_space<vmem_shared>>
      tpu.wait_dma2 semaphore(%run_scoped3A : memref<!tpu.dma_semaphore, #tpu.memory_space<semaphore_mem>>) src(%arg9 : memref<64x128xf32, #tpu.memory_space<vmem>>) dst(%dma_wait3A_60 : memref<64x128xf32, #tpu.memory_space<vmem_shared>>)
      tpu.yield
    }) : () -> ()
    %add3A_16 = arith.constant 256 : i32
    %add3A_17 = arith.addi %mul3A_2, %add3A_16 : i32
    "tpu.region"() ({
      %run_scoped3A = tpu.sem_alloc : memref<!tpu.dma_semaphore, #tpu.memory_space<semaphore_mem>>
      %dma_start3A = arith.constant 0 : i32
      %dma_start3A_55 = tpu.memref_slice %arg10[%add3A_17, %dma_start3A] : memref<5120x128xf32, #tpu.memory_space<vmem_shared>> -> memref<64x128xf32, #tpu.memory_space<vmem_shared>>
      %dma_start3A_56 = arith.constant 0 : i32
      %dma_start3A_57 = tpu.memref_slice %arg10[%add3A_17, %dma_start3A_56] : memref<5120x128xf32, #tpu.memory_space<vmem_shared>> -> memref<64x128xf32, #tpu.memory_space<vmem_shared>>
      tpu.enqueue_dma source(%arg9 : memref<64x128xf32, #tpu.memory_space<vmem>>) target(%dma_start3A_57 : memref<64x128xf32, #tpu.memory_space<vmem_shared>>) target_semaphore(%run_scoped3A : memref<!tpu.dma_semaphore, #tpu.memory_space<semaphore_mem>>)
      %dma_wait3A = arith.constant 0 : i32
      %dma_wait3A_58 = tpu.memref_slice %arg10[%add3A_17, %dma_wait3A] : memref<5120x128xf32, #tpu.memory_space<vmem_shared>> -> memref<64x128xf32, #tpu.memory_space<vmem_shared>>
      %dma_wait3A_59 = arith.constant 0 : i32
      %dma_wait3A_60 = tpu.memref_slice %arg10[%add3A_17, %dma_wait3A_59] : memref<5120x128xf32, #tpu.memory_space<vmem_shared>> -> memref<64x128xf32, #tpu.memory_space<vmem_shared>>
      tpu.wait_dma2 semaphore(%run_scoped3A : memref<!tpu.dma_semaphore, #tpu.memory_space<semaphore_mem>>) src(%arg9 : memref<64x128xf32, #tpu.memory_space<vmem>>) dst(%dma_wait3A_60 : memref<64x128xf32, #tpu.memory_space<vmem_shared>>)
      tpu.yield
    }) : () -> ()
    %barrier3A = arith.constant 0 : index
    tpu.barrier barrier_id(%barrier3A)
    %add3A_18 = arith.constant 0 : i32
    %add3A_19 = arith.addi %add3A_18, %add3A : i32
    "tpu.region"() ({
      %run_scoped3A = tpu.sem_alloc : memref<!tpu.dma_semaphore, #tpu.memory_space<semaphore_mem>>
      %dma_start3A = arith.constant 0 : i32
      %dma_start3A_55 = arith.constant 0 : i32
      %dma_start3A_56 = tpu.memref_slice %arg3[%add3A_19, %dma_start3A, %dma_start3A_55] : memref<32x157x128xi32, #tpu.memory_space<hbm>> -> memref<1x157x128xi32, #tpu.memory_space<hbm>>
      %dma_start3A_57 = tpu.memref_squeeze %dma_start3A_56 : memref<1x157x128xi32, #tpu.memory_space<hbm>> -> memref<157x128xi32, #tpu.memory_space<hbm>>
      %dma_start3A_58 = arith.constant 0 : i32
      %dma_start3A_59 = arith.constant 0 : i32
      %dma_start3A_60 = tpu.memref_slice %arg3[%add3A_19, %dma_start3A_58, %dma_start3A_59] : memref<32x157x128xi32, #tpu.memory_space<hbm>> -> memref<1x157x128xi32, #tpu.memory_space<hbm>>
      %dma_start3A_61 = tpu.memref_squeeze %dma_start3A_60 : memref<1x157x128xi32, #tpu.memory_space<hbm>> -> memref<157x128xi32, #tpu.memory_space<hbm>>
      tpu.enqueue_dma source(%dma_start3A_61 : memref<157x128xi32, #tpu.memory_space<hbm>>) target(%arg6 : memref<157x128xi32, #tpu.memory_space<vmem>>) target_semaphore(%run_scoped3A : memref<!tpu.dma_semaphore, #tpu.memory_space<semaphore_mem>>)
      %dma_wait3A = arith.constant 0 : i32
      %dma_wait3A_62 = arith.constant 0 : i32
      %dma_wait3A_63 = tpu.memref_slice %arg3[%add3A_19, %dma_wait3A, %dma_wait3A_62] : memref<32x157x128xi32, #tpu.memory_space<hbm>> -> memref<1x157x128xi32, #tpu.memory_space<hbm>>
      %dma_wait3A_64 = tpu.memref_squeeze %dma_wait3A_63 : memref<1x157x128xi32, #tpu.memory_space<hbm>> -> memref<157x128xi32, #tpu.memory_space<hbm>>
      %dma_wait3A_65 = arith.constant 0 : i32
      %dma_wait3A_66 = arith.constant 0 : i32
      %dma_wait3A_67 = tpu.memref_slice %arg3[%add3A_19, %dma_wait3A_65, %dma_wait3A_66] : memref<32x157x128xi32, #tpu.memory_space<hbm>> -> memref<1x157x128xi32, #tpu.memory_space<hbm>>
      %dma_wait3A_68 = tpu.memref_squeeze %dma_wait3A_67 : memref<1x157x128xi32, #tpu.memory_space<hbm>> -> memref<157x128xi32, #tpu.memory_space<hbm>>
      tpu.wait_dma2 semaphore(%run_scoped3A : memref<!tpu.dma_semaphore, #tpu.memory_space<semaphore_mem>>) src(%dma_wait3A_68 : memref<157x128xi32, #tpu.memory_space<hbm>>) dst(%arg6 : memref<157x128xi32, #tpu.memory_space<vmem>>)
      tpu.yield
    }) : () -> ()
    %scan3A_20 = arith.constant 0 : i32
    %scan3A_21 = arith.constant 0 : i32
    %scan3A_22 = arith.constant 157 : i32
    %scan3A_23 = arith.addi %scan3A_21, %scan3A_22 : i32
    %scan3A_24 = arith.constant 1 : i32
    scf.for %scan3A_55 = %scan3A_21 to %scan3A_23 step %scan3A_24  : i32 {
      %dma_start3A = arith.constant 0 : i32
      %dma_start3A_56 = tpu.memref_slice %arg6[%scan3A_55, %dma_start3A] : memref<157x128xi32, #tpu.memory_space<vmem>> -> memref<1x128xi32, #tpu.memory_space<vmem>>
      %dma_start3A_57 = tpu.memref_squeeze %dma_start3A_56 : memref<1x128xi32, #tpu.memory_space<vmem>> -> memref<128xi32, #tpu.memory_space<vmem>>
      %dma_start3A_58 = arith.constant 0 : i32
      %dma_start3A_59 = arith.constant 0 : i32
      %dma_start3A_60 = tpu.memref_slice %arg2[%dma_start3A_58, %dma_start3A_59] : memref<10000x128xf32, #tpu.memory_space<hbm>> -> memref<10000x128xf32, #tpu.memory_space<hbm>>
      tpu.enqueue_indirect_dma source(%dma_start3A_60 : memref<10000x128xf32, #tpu.memory_space<hbm>>) target(%arg8 : memref<128x128xf32, #tpu.memory_space<vmem>>) offsets(%dma_start3A_57 : memref<128xi32, #tpu.memory_space<vmem>>) semaphore(%arg11 : memref<!tpu.dma_semaphore, #tpu.memory_space<semaphore_mem>>)
      %dma_wait3A = arith.constant 0 : i32
      %dma_wait3A_61 = tpu.memref_slice %arg6[%scan3A_55, %dma_wait3A] : memref<157x128xi32, #tpu.memory_space<vmem>> -> memref<1x128xi32, #tpu.memory_space<vmem>>
      %dma_wait3A_62 = tpu.memref_squeeze %dma_wait3A_61 : memref<1x128xi32, #tpu.memory_space<vmem>> -> memref<128xi32, #tpu.memory_space<vmem>>
      %dma_wait3A_63 = arith.constant 0 : i32
      %dma_wait3A_64 = arith.constant 0 : i32
      %dma_wait3A_65 = tpu.memref_slice %arg2[%dma_wait3A_63, %dma_wait3A_64] : memref<10000x128xf32, #tpu.memory_space<hbm>> -> memref<10000x128xf32, #tpu.memory_space<hbm>>
      tpu.wait_indirect_dma semaphore(%arg11 : memref<!tpu.dma_semaphore, #tpu.memory_space<semaphore_mem>>) src(%dma_wait3A_65 : memref<10000x128xf32, #tpu.memory_space<hbm>>) dst(%arg8 : memref<128x128xf32, #tpu.memory_space<vmem>>)
      "tpu.region"() ({
        %run_scoped3A = tpu.sem_alloc : memref<!tpu.dma_semaphore, #tpu.memory_space<semaphore_mem>>
        %dma_start3A_66 = arith.constant 0 : i32
        %dma_start3A_67 = tpu.memref_slice %arg7[%scan3A_55, %dma_start3A_66] : memref<157x128xi32, #tpu.memory_space<vmem>> -> memref<1x128xi32, #tpu.memory_space<vmem>>
        %dma_start3A_68 = tpu.memref_squeeze %dma_start3A_67 : memref<1x128xi32, #tpu.memory_space<vmem>> -> memref<128xi32, #tpu.memory_space<vmem>>
        %dma_start3A_69 = arith.constant 0 : i32
        %dma_start3A_70 = arith.constant 0 : i32
        %dma_start3A_71 = tpu.memref_slice %arg10[%dma_start3A_69, %dma_start3A_70] : memref<5120x128xf32, #tpu.memory_space<vmem_shared>> -> memref<5120x128xf32, #tpu.memory_space<vmem_shared>>
        tpu.enqueue_indirect_dma source(%arg8 : memref<128x128xf32, #tpu.memory_space<vmem>>) target(%dma_start3A_71 : memref<5120x128xf32, #tpu.memory_space<vmem_shared>>) offsets(%dma_start3A_68 : memref<128xi32, #tpu.memory_space<vmem>>) semaphore(%run_scoped3A : memref<!tpu.dma_semaphore, #tpu.memory_space<semaphore_mem>>) {add = true}
        %dma_wait3A_72 = arith.constant 0 : i32
        %dma_wait3A_73 = tpu.memref_slice %arg7[%scan3A_55, %dma_wait3A_72] : memref<157x128xi32, #tpu.memory_space<vmem>> -> memref<1x128xi32, #tpu.memory_space<vmem>>
        %dma_wait3A_74 = tpu.memref_squeeze %dma_wait3A_73 : memref<1x128xi32, #tpu.memory_space<vmem>> -> memref<128xi32, #tpu.memory_space<vmem>>
        %dma_wait3A_75 = arith.constant 0 : i32
        %dma_wait3A_76 = arith.constant 0 : i32
        %dma_wait3A_77 = tpu.memref_slice %arg10[%dma_wait3A_75, %dma_wait3A_76] : memref<5120x128xf32, #tpu.memory_space<vmem_shared>> -> memref<5120x128xf32, #tpu.memory_space<vmem_shared>>
        tpu.wait_indirect_dma semaphore(%run_scoped3A : memref<!tpu.dma_semaphore, #tpu.memory_space<semaphore_mem>>) src(%arg8 : memref<128x128xf32, #tpu.memory_space<vmem>>) dst(%dma_wait3A_77 : memref<5120x128xf32, #tpu.memory_space<vmem_shared>>)
        tpu.yield
      }) : () -> ()
    }
    %scan3A_25 = arith.constant 157 : i32
    %barrier3A_26 = arith.constant 0 : index
    tpu.barrier barrier_id(%barrier3A_26)
    %add3A_27 = arith.constant 0 : i32
    %add3A_28 = arith.addi %add3A_27, %arg0 : i32
    "tpu.region"() ({
      %run_scoped3A = tpu.sem_alloc : memref<!tpu.dma_semaphore, #tpu.memory_space<semaphore_mem>>
      %dma_start3A = arith.constant 0 : i32
      %dma_start3A_55 = tpu.memref_slice %arg5[%add3A_28, %mul3A_2, %dma_start3A] : memref<4x5120x128xf32, #tpu.memory_space<hbm>> -> memref<1x320x128xf32, #tpu.memory_space<hbm>>
      %dma_start3A_56 = tpu.memref_squeeze %dma_start3A_55 : memref<1x320x128xf32, #tpu.memory_space<hbm>> -> memref<320x128xf32, #tpu.memory_space<hbm>>
      %dma_start3A_57 = arith.constant 0 : i32
      %dma_start3A_58 = tpu.memref_slice %arg10[%mul3A_2, %dma_start3A_57] : memref<5120x128xf32, #tpu.memory_space<vmem_shared>> -> memref<320x128xf32, #tpu.memory_space<vmem_shared>>
      tpu.enqueue_dma source(%dma_start3A_58 : memref<320x128xf32, #tpu.memory_space<vmem_shared>>) target(%dma_start3A_56 : memref<320x128xf32, #tpu.memory_space<hbm>>) target_semaphore(%run_scoped3A : memref<!tpu.dma_semaphore, #tpu.memory_space<semaphore_mem>>)
      %dma_wait3A = arith.constant 0 : i32
      %dma_wait3A_59 = tpu.memref_slice %arg5[%add3A_28, %mul3A_2, %dma_wait3A] : memref<4x5120x128xf32, #tpu.memory_space<hbm>> -> memref<1x320x128xf32, #tpu.memory_space<hbm>>
      %dma_wait3A_60 = tpu.memref_squeeze %dma_wait3A_59 : memref<1x320x128xf32, #tpu.memory_space<hbm>> -> memref<320x128xf32, #tpu.memory_space<hbm>>
      %dma_wait3A_61 = arith.constant 0 : i32
      %dma_wait3A_62 = tpu.memref_slice %arg10[%mul3A_2, %dma_wait3A_61] : memref<5120x128xf32, #tpu.memory_space<vmem_shared>> -> memref<320x128xf32, #tpu.memory_space<vmem_shared>>
      tpu.wait_dma2 semaphore(%run_scoped3A : memref<!tpu.dma_semaphore, #tpu.memory_space<semaphore_mem>>) src(%dma_wait3A_62 : memref<320x128xf32, #tpu.memory_space<vmem_shared>>) dst(%dma_wait3A_60 : memref<320x128xf32, #tpu.memory_space<hbm>>)
      tpu.yield
    }) : () -> ()
    %scan3A_29 = arith.constant 0 : i32
    %scan3A_30 = arith.constant 0 : i32
    %scan3A_31 = arith.constant 1024 : i32
    %scan3A_32 = arith.addi %scan3A_30, %scan3A_31 : i32
    %scan3A_33 = arith.constant 1 : i32
    scf.for %scan3A_55 = %scan3A_30 to %scan3A_32 step %scan3A_33  : i32 {
      %broadcast_in_dim3A = arith.constant 1.000000e+00 : f32
      %broadcast_in_dim3A_56 = vector.broadcast %broadcast_in_dim3A : f32 to vector<16xf32>
      %jit3A = arith.constant 8 : i32
      %div3A = arith.divsi %scan3A_55, %jit3A : i32
      %sign3A = arith.constant 0 : i32
      %sign3A_57 = arith.cmpi sgt, %scan3A_55, %sign3A : i32
      %sign3A_58 = arith.extui %sign3A_57 : i1 to i32
      %sign3A_59 = arith.constant 0 : i32
      %sign3A_60 = arith.cmpi slt, %scan3A_55, %sign3A_59 : i32
      %sign3A_61 = arith.extui %sign3A_60 : i1 to i32
      %sign3A_62 = arith.subi %sign3A_58, %sign3A_61 : i32
      %sign3A_63 = arith.constant 0 : i32
      %sign3A_64 = arith.cmpi sgt, %jit3A, %sign3A_63 : i32
      %sign3A_65 = arith.extui %sign3A_64 : i1 to i32
      %sign3A_66 = arith.constant 0 : i32
      %sign3A_67 = arith.cmpi slt, %jit3A, %sign3A_66 : i32
      %sign3A_68 = arith.extui %sign3A_67 : i1 to i32
      %sign3A_69 = arith.subi %sign3A_65, %sign3A_68 : i32
      %ne3A = arith.cmpi ne, %sign3A_62, %sign3A_69 : i32
      %rem3A = arith.remsi %scan3A_55, %jit3A : i32
      %ne3A_70 = arith.constant 0 : i32
      %ne3A_71 = arith.cmpi ne, %rem3A, %ne3A_70 : i32
      %and3A = arith.andi %ne3A, %ne3A_71 : i1
      %sub3A = arith.constant 1 : i32
      %sub3A_72 = arith.subi %div3A, %sub3A : i32
      %select_n3A = arith.select %and3A, %sub3A_72, %div3A : i32
      %jit3A_73 = arith.constant 8 : i32
      %eq3A = arith.constant 0 : i32
      %eq3A_74 = arith.cmpi eq, %jit3A_73, %eq3A : i32
      %jit3A_75 = arith.constant 1 : i32
      %select_n3A_76 = arith.select %eq3A_74, %jit3A_75, %jit3A_73 : i32
      %rem3A_77 = arith.remsi %scan3A_55, %select_n3A_76 : i32
      %ne3A_78 = arith.constant 0 : i32
      %ne3A_79 = arith.cmpi ne, %rem3A_77, %ne3A_78 : i32
      %lt3A = arith.constant 0 : i32
      %lt3A_80 = arith.cmpi slt, %rem3A_77, %lt3A : i32
      %lt3A_81 = arith.constant 0 : i32
      %lt3A_82 = arith.cmpi slt, %select_n3A_76, %lt3A_81 : i32
      %ne3A_83 = arith.xori %lt3A_80, %lt3A_82 : i1
      %and3A_84 = arith.andi %ne3A_83, %ne3A_79 : i1
      %add3A_85 = arith.addi %rem3A_77, %select_n3A_76 : i32
      %select_n3A_86 = arith.select %and3A_84, %add3A_85, %rem3A_77 : i32
      %mul3A_87 = arith.constant 16 : i32
      %mul3A_88 = arith.muli %select_n3A_86, %mul3A_87 : i32
      %swap3A = arith.index_cast %select_n3A : i32 to index
      %swap3A_89 = arith.index_cast %mul3A_88 : i32 to index
      %swap3A_90 = tpu.vector_load %arg8[%swap3A, %swap3A_89] {strides = array<i32>} : memref<128x128xf32, #tpu.memory_space<vmem>>, vector<1x16xf32>,
      %swap3A_91 = vector.shape_cast %swap3A_90 : vector<1x16xf32> to vector<16xf32>
      %swap3A_92 = vector.shape_cast %broadcast_in_dim3A_56 : vector<16xf32> to vector<1x16xf32>
      tpu.vector_store %arg8[%swap3A, %swap3A_89], %swap3A_92 {strides = array<i32>} : memref<128x128xf32, #tpu.memory_space<vmem>>, vector<1x16xf32>,
    }
    %scan3A_34 = arith.constant 1024 : i32
    %add3A_35 = arith.constant 0 : i32
    %add3A_36 = arith.addi %mul3A_2, %add3A_35 : i32
    "tpu.region"() ({
      %run_scoped3A = tpu.sem_alloc : memref<!tpu.dma_semaphore, #tpu.memory_space<semaphore_mem>>
      %dma_start3A = arith.constant 0 : i32
      %dma_start3A_55 = tpu.memref_slice %arg10[%add3A_36, %dma_start3A] : memref<5120x128xf32, #tpu.memory_space<vmem_shared>> -> memref<64x128xf32, #tpu.memory_space<vmem_shared>>
      %dma_start3A_56 = arith.constant 0 : i32
      %dma_start3A_57 = tpu.memref_slice %arg10[%add3A_36, %dma_start3A_56] : memref<5120x128xf32, #tpu.memory_space<vmem_shared>> -> memref<64x128xf32, #tpu.memory_space<vmem_shared>>
      tpu.enqueue_dma source(%arg9 : memref<64x128xf32, #tpu.memory_space<vmem>>) target(%dma_start3A_57 : memref<64x128xf32, #tpu.memory_space<vmem_shared>>) target_semaphore(%run_scoped3A : memref<!tpu.dma_semaphore, #tpu.memory_space<semaphore_mem>>)
      %dma_wait3A = arith.constant 0 : i32
      %dma_wait3A_58 = tpu.memref_slice %arg10[%add3A_36, %dma_wait3A] : memref<5120x128xf32, #tpu.memory_space<vmem_shared>> -> memref<64x128xf32, #tpu.memory_space<vmem_shared>>
      %dma_wait3A_59 = arith.constant 0 : i32
      %dma_wait3A_60 = tpu.memref_slice %arg10[%add3A_36, %dma_wait3A_59] : memref<5120x128xf32, #tpu.memory_space<vmem_shared>> -> memref<64x128xf32, #tpu.memory_space<vmem_shared>>
      tpu.wait_dma2 semaphore(%run_scoped3A : memref<!tpu.dma_semaphore, #tpu.memory_space<semaphore_mem>>) src(%arg9 : memref<64x128xf32, #tpu.memory_space<vmem>>) dst(%dma_wait3A_60 : memref<64x128xf32, #tpu.memory_space<vmem_shared>>)
      tpu.yield
    }) : () -> ()
    %add3A_37 = arith.constant 64 : i32
    %add3A_38 = arith.addi %mul3A_2, %add3A_37 : i32
    "tpu.region"() ({
      %run_scoped3A = tpu.sem_alloc : memref<!tpu.dma_semaphore, #tpu.memory_space<semaphore_mem>>
      %dma_start3A = arith.constant 0 : i32
      %dma_start3A_55 = tpu.memref_slice %arg10[%add3A_38, %dma_start3A] : memref<5120x128xf32, #tpu.memory_space<vmem_shared>> -> memref<64x128xf32, #tpu.memory_space<vmem_shared>>
      %dma_start3A_56 = arith.constant 0 : i32
      %dma_start3A_57 = tpu.memref_slice %arg10[%add3A_38, %dma_start3A_56] : memref<5120x128xf32, #tpu.memory_space<vmem_shared>> -> memref<64x128xf32, #tpu.memory_space<vmem_shared>>
      tpu.enqueue_dma source(%arg9 : memref<64x128xf32, #tpu.memory_space<vmem>>) target(%dma_start3A_57 : memref<64x128xf32, #tpu.memory_space<vmem_shared>>) target_semaphore(%run_scoped3A : memref<!tpu.dma_semaphore, #tpu.memory_space<semaphore_mem>>)
      %dma_wait3A = arith.constant 0 : i32
      %dma_wait3A_58 = tpu.memref_slice %arg10[%add3A_38, %dma_wait3A] : memref<5120x128xf32, #tpu.memory_space<vmem_shared>> -> memref<64x128xf32, #tpu.memory_space<vmem_shared>>
      %dma_wait3A_59 = arith.constant 0 : i32
      %dma_wait3A_60 = tpu.memref_slice %arg10[%add3A_38, %dma_wait3A_59] : memref<5120x128xf32, #tpu.memory_space<vmem_shared>> -> memref<64x128xf32, #tpu.memory_space<vmem_shared>>
      tpu.wait_dma2 semaphore(%run_scoped3A : memref<!tpu.dma_semaphore, #tpu.memory_space<semaphore_mem>>) src(%arg9 : memref<64x128xf32, #tpu.memory_space<vmem>>) dst(%dma_wait3A_60 : memref<64x128xf32, #tpu.memory_space<vmem_shared>>)
      tpu.yield
    }) : () -> ()
    %add3A_39 = arith.constant 128 : i32
    %add3A_40 = arith.addi %mul3A_2, %add3A_39 : i32
    "tpu.region"() ({
      %run_scoped3A = tpu.sem_alloc : memref<!tpu.dma_semaphore, #tpu.memory_space<semaphore_mem>>
      %dma_start3A = arith.constant 0 : i32
      %dma_start3A_55 = tpu.memref_slice %arg10[%add3A_40, %dma_start3A] : memref<5120x128xf32, #tpu.memory_space<vmem_shared>> -> memref<64x128xf32, #tpu.memory_space<vmem_shared>>
      %dma_start3A_56 = arith.constant 0 : i32
      %dma_start3A_57 = tpu.memref_slice %arg10[%add3A_40, %dma_start3A_56] : memref<5120x128xf32, #tpu.memory_space<vmem_shared>> -> memref<64x128xf32, #tpu.memory_space<vmem_shared>>
      tpu.enqueue_dma source(%arg9 : memref<64x128xf32, #tpu.memory_space<vmem>>) target(%dma_start3A_57 : memref<64x128xf32, #tpu.memory_space<vmem_shared>>) target_semaphore(%run_scoped3A : memref<!tpu.dma_semaphore, #tpu.memory_space<semaphore_mem>>)
      %dma_wait3A = arith.constant 0 : i32
      %dma_wait3A_58 = tpu.memref_slice %arg10[%add3A_40, %dma_wait3A] : memref<5120x128xf32, #tpu.memory_space<vmem_shared>> -> memref<64x128xf32, #tpu.memory_space<vmem_shared>>
      %dma_wait3A_59 = arith.constant 0 : i32
      %dma_wait3A_60 = tpu.memref_slice %arg10[%add3A_40, %dma_wait3A_59] : memref<5120x128xf32, #tpu.memory_space<vmem_shared>> -> memref<64x128xf32, #tpu.memory_space<vmem_shared>>
      tpu.wait_dma2 semaphore(%run_scoped3A : memref<!tpu.dma_semaphore, #tpu.memory_space<semaphore_mem>>) src(%arg9 : memref<64x128xf32, #tpu.memory_space<vmem>>) dst(%dma_wait3A_60 : memref<64x128xf32, #tpu.memory_space<vmem_shared>>)
      tpu.yield
    }) : () -> ()
    %add3A_41 = arith.constant 192 : i32
    %add3A_42 = arith.addi %mul3A_2, %add3A_41 : i32
    "tpu.region"() ({
      %run_scoped3A = tpu.sem_alloc : memref<!tpu.dma_semaphore, #tpu.memory_space<semaphore_mem>>
      %dma_start3A = arith.constant 0 : i32
      %dma_start3A_55 = tpu.memref_slice %arg10[%add3A_42, %dma_start3A] : memref<5120x128xf32, #tpu.memory_space<vmem_shared>> -> memref<64x128xf32, #tpu.memory_space<vmem_shared>>
      %dma_start3A_56 = arith.constant 0 : i32
      %dma_start3A_57 = tpu.memref_slice %arg10[%add3A_42, %dma_start3A_56] : memref<5120x128xf32, #tpu.memory_space<vmem_shared>> -> memref<64x128xf32, #tpu.memory_space<vmem_shared>>
      tpu.enqueue_dma source(%arg9 : memref<64x128xf32, #tpu.memory_space<vmem>>) target(%dma_start3A_57 : memref<64x128xf32, #tpu.memory_space<vmem_shared>>) target_semaphore(%run_scoped3A : memref<!tpu.dma_semaphore, #tpu.memory_space<semaphore_mem>>)
      %dma_wait3A = arith.constant 0 : i32
      %dma_wait3A_58 = tpu.memref_slice %arg10[%add3A_42, %dma_wait3A] : memref<5120x128xf32, #tpu.memory_space<vmem_shared>> -> memref<64x128xf32, #tpu.memory_space<vmem_shared>>
      %dma_wait3A_59 = arith.constant 0 : i32
      %dma_wait3A_60 = tpu.memref_slice %arg10[%add3A_42, %dma_wait3A_59] : memref<5120x128xf32, #tpu.memory_space<vmem_shared>> -> memref<64x128xf32, #tpu.memory_space<vmem_shared>>
      tpu.wait_dma2 semaphore(%run_scoped3A : memref<!tpu.dma_semaphore, #tpu.memory_space<semaphore_mem>>) src(%arg9 : memref<64x128xf32, #tpu.memory_space<vmem>>) dst(%dma_wait3A_60 : memref<64x128xf32, #tpu.memory_space<vmem_shared>>)
      tpu.yield
    }) : () -> ()
    %add3A_43 = arith.constant 256 : i32
    %add3A_44 = arith.addi %mul3A_2, %add3A_43 : i32
    "tpu.region"() ({
      %run_scoped3A = tpu.sem_alloc : memref<!tpu.dma_semaphore, #tpu.memory_space<semaphore_mem>>
      %dma_start3A = arith.constant 0 : i32
      %dma_start3A_55 = tpu.memref_slice %arg10[%add3A_44, %dma_start3A] : memref<5120x128xf32, #tpu.memory_space<vmem_shared>> -> memref<64x128xf32, #tpu.memory_space<vmem_shared>>
      %dma_start3A_56 = arith.constant 0 : i32
      %dma_start3A_57 = tpu.memref_slice %arg10[%add3A_44, %dma_start3A_56] : memref<5120x128xf32, #tpu.memory_space<vmem_shared>> -> memref<64x128xf32, #tpu.memory_space<vmem_shared>>
      tpu.enqueue_dma source(%arg9 : memref<64x128xf32, #tpu.memory_space<vmem>>) target(%dma_start3A_57 : memref<64x128xf32, #tpu.memory_space<vmem_shared>>) target_semaphore(%run_scoped3A : memref<!tpu.dma_semaphore, #tpu.memory_space<semaphore_mem>>)
      %dma_wait3A = arith.constant 0 : i32
      %dma_wait3A_58 = tpu.memref_slice %arg10[%add3A_44, %dma_wait3A] : memref<5120x128xf32, #tpu.memory_space<vmem_shared>> -> memref<64x128xf32, #tpu.memory_space<vmem_shared>>
      %dma_wait3A_59 = arith.constant 0 : i32
      %dma_wait3A_60 = tpu.memref_slice %arg10[%add3A_44, %dma_wait3A_59] : memref<5120x128xf32, #tpu.memory_space<vmem_shared>> -> memref<64x128xf32, #tpu.memory_space<vmem_shared>>
      tpu.wait_dma2 semaphore(%run_scoped3A : memref<!tpu.dma_semaphore, #tpu.memory_space<semaphore_mem>>) src(%arg9 : memref<64x128xf32, #tpu.memory_space<vmem>>) dst(%dma_wait3A_60 : memref<64x128xf32, #tpu.memory_space<vmem_shared>>)
      tpu.yield
    }) : () -> ()
    %barrier3A_45 = arith.constant 0 : index
    tpu.barrier barrier_id(%barrier3A_45)
    %scan3A_46 = arith.constant 0 : i32
    %scan3A_47 = arith.constant 0 : i32
    %scan3A_48 = arith.constant 157 : i32
    %scan3A_49 = arith.addi %scan3A_47, %scan3A_48 : i32
    %scan3A_50 = arith.constant 1 : i32
    scf.for %scan3A_55 = %scan3A_47 to %scan3A_49 step %scan3A_50  : i32 {
      "tpu.region"() ({
        %run_scoped3A = tpu.sem_alloc : memref<!tpu.dma_semaphore, #tpu.memory_space<semaphore_mem>>
        %dma_start3A = arith.constant 0 : i32
        %dma_start3A_56 = tpu.memref_slice %arg7[%scan3A_55, %dma_start3A] : memref<157x128xi32, #tpu.memory_space<vmem>> -> memref<1x128xi32, #tpu.memory_space<vmem>>
        %dma_start3A_57 = tpu.memref_squeeze %dma_start3A_56 : memref<1x128xi32, #tpu.memory_space<vmem>> -> memref<128xi32, #tpu.memory_space<vmem>>
        %dma_start3A_58 = arith.constant 0 : i32
        %dma_start3A_59 = arith.constant 0 : i32
        %dma_start3A_60 = tpu.memref_slice %arg10[%dma_start3A_58, %dma_start3A_59] : memref<5120x128xf32, #tpu.memory_space<vmem_shared>> -> memref<5120x128xf32, #tpu.memory_space<vmem_shared>>
        tpu.enqueue_indirect_dma source(%arg8 : memref<128x128xf32, #tpu.memory_space<vmem>>) target(%dma_start3A_60 : memref<5120x128xf32, #tpu.memory_space<vmem_shared>>) offsets(%dma_start3A_57 : memref<128xi32, #tpu.memory_space<vmem>>) semaphore(%run_scoped3A : memref<!tpu.dma_semaphore, #tpu.memory_space<semaphore_mem>>) {add = true}
        %dma_wait3A = arith.constant 0 : i32
        %dma_wait3A_61 = tpu.memref_slice %arg7[%scan3A_55, %dma_wait3A] : memref<157x128xi32, #tpu.memory_space<vmem>> -> memref<1x128xi32, #tpu.memory_space<vmem>>
        %dma_wait3A_62 = tpu.memref_squeeze %dma_wait3A_61 : memref<1x128xi32, #tpu.memory_space<vmem>> -> memref<128xi32, #tpu.memory_space<vmem>>
        %dma_wait3A_63 = arith.constant 0 : i32
        %dma_wait3A_64 = arith.constant 0 : i32
        %dma_wait3A_65 = tpu.memref_slice %arg10[%dma_wait3A_63, %dma_wait3A_64] : memref<5120x128xf32, #tpu.memory_space<vmem_shared>> -> memref<5120x128xf32, #tpu.memory_space<vmem_shared>>
        tpu.wait_indirect_dma semaphore(%run_scoped3A : memref<!tpu.dma_semaphore, #tpu.memory_space<semaphore_mem>>) src(%arg8 : memref<128x128xf32, #tpu.memory_space<vmem>>) dst(%dma_wait3A_65 : memref<5120x128xf32, #tpu.memory_space<vmem_shared>>)
        tpu.yield
      }) : () -> ()
    }
    %scan3A_51 = arith.constant 157 : i32
    %barrier3A_52 = arith.constant 0 : index
    tpu.barrier barrier_id(%barrier3A_52)
    %add3A_53 = arith.constant 2 : i32
    %add3A_54 = arith.addi %add3A_53, %arg0 : i32
    "tpu.region"() ({
      %run_scoped3A = tpu.sem_alloc : memref<!tpu.dma_semaphore, #tpu.memory_space<semaphore_mem>>
      %dma_start3A = arith.constant 0 : i32
      %dma_start3A_55 = tpu.memref_slice %arg5[%add3A_54, %mul3A_2, %dma_start3A] : memref<4x5120x128xf32, #tpu.memory_space<hbm>> -> memref<1x320x128xf32, #tpu.memory_space<hbm>>
      %dma_start3A_56 = tpu.memref_squeeze %dma_start3A_55 : memref<1x320x128xf32, #tpu.memory_space<hbm>> -> memref<320x128xf32, #tpu.memory_space<hbm>>
      %dma_start3A_57 = arith.constant 0 : i32
      %dma_start3A_58 = tpu.memref_slice %arg10[%mul3A_2, %dma_start3A_57] : memref<5120x128xf32, #tpu.memory_space<vmem_shared>> -> memref<320x128xf32, #tpu.memory_space<vmem_shared>>
      tpu.enqueue_dma source(%dma_start3A_58 : memref<320x128xf32, #tpu.memory_space<vmem_shared>>) target(%dma_start3A_56 : memref<320x128xf32, #tpu.memory_space<hbm>>) target_semaphore(%run_scoped3A : memref<!tpu.dma_semaphore, #tpu.memory_space<semaphore_mem>>)
      %dma_wait3A = arith.constant 0 : i32
      %dma_wait3A_59 = tpu.memref_slice %arg5[%add3A_54, %mul3A_2, %dma_wait3A] : memref<4x5120x128xf32, #tpu.memory_space<hbm>> -> memref<1x320x128xf32, #tpu.memory_space<hbm>>
      %dma_wait3A_60 = tpu.memref_squeeze %dma_wait3A_59 : memref<1x320x128xf32, #tpu.memory_space<hbm>> -> memref<320x128xf32, #tpu.memory_space<hbm>>
      %dma_wait3A_61 = arith.constant 0 : i32
      %dma_wait3A_62 = tpu.memref_slice %arg10[%mul3A_2, %dma_wait3A_61] : memref<5120x128xf32, #tpu.memory_space<vmem_shared>> -> memref<320x128xf32, #tpu.memory_space<vmem_shared>>
      tpu.wait_dma2 semaphore(%run_scoped3A : memref<!tpu.dma_semaphore, #tpu.memory_space<semaphore_mem>>) src(%dma_wait3A_62 : memref<320x128xf32, #tpu.memory_space<vmem_shared>>) dst(%dma_wait3A_60 : memref<320x128xf32, #tpu.memory_space<hbm>>)
      tpu.yield
    }) : () -> ()
    return
  }
}

#map = affine_map<(d0, d1) -> (0, 0)>
#map1 = affine_map<(d0, d1) -> (0, 0, 0)>
module attributes {stable_mosaic.version = 14 : i64} {
  func.func @body(%arg0: i32, %arg1: i32, %arg2: memref<20000x128xf32, #tpu.memory_space<hbm>>, %arg3: memref<64x157x128xi32, #tpu.memory_space<hbm>>, %arg4: memref<32x157x128xi32, #tpu.memory_space<hbm>>, %arg5: memref<4x5120x128xf32, #tpu.memory_space<hbm>>, %arg6: memref<157x128xi32, #tpu.memory_space<vmem>>, %arg7: memref<157x128xi32, #tpu.memory_space<vmem>>, %arg8: memref<128x128xf32, #tpu.memory_space<vmem>>, %arg9: memref<64x128xf32, #tpu.memory_space<vmem>>, %arg10: memref<5120x128xf32, #tpu.memory_space<vmem_shared>>, %arg11: memref<!tpu.dma_semaphore, #tpu.memory_space<semaphore_mem>>) attributes {dimension_semantics = [#tpu.dimension_semantics<core_parallel>, #tpu.dimension_semantics<subcore_parallel>], iteration_bounds = array<i64: 2, 16>, scalar_prefetch = 0 : i64, scratch_operands = 6 : i64, tpu.core_type = #tpu.core_type<sc_vector_subcore>, window_params = [{transform_indices = #map}, {transform_indices = #map1}, {transform_indices = #map1}, {transform_indices = #map1}]} {
    %mul3A = arith.constant 16 : i32
    %mul3A_0 = arith.muli %arg0, %mul3A : i32
    %add3A = arith.addi %mul3A_0, %arg1 : i32
    %mul3A_1 = arith.constant 320 : i32
    %mul3A_2 = arith.muli %arg1, %mul3A_1 : i32
    %scan3A = arith.constant 0 : i32
    %scan3A_3 = arith.constant 0 : i32
    %scan3A_4 = arith.constant 512 : i32
    %scan3A_5 = arith.addi %scan3A_3, %scan3A_4 : i32
    %scan3A_6 = arith.constant 1 : i32
    scf.for %scan3A_51 = %scan3A_3 to %scan3A_5 step %scan3A_6  : i32 {
      %broadcast_in_dim3A = arith.constant 0.000000e+00 : f32
      %broadcast_in_dim3A_52 = vector.broadcast %broadcast_in_dim3A : f32 to vector<16xf32>
      %jit3A = arith.constant 8 : i32
      %div3A = arith.divsi %scan3A_51, %jit3A : i32
      %sign3A = arith.constant 0 : i32
      %sign3A_53 = arith.cmpi sgt, %scan3A_51, %sign3A : i32
      %sign3A_54 = arith.extui %sign3A_53 : i1 to i32
      %sign3A_55 = arith.constant 0 : i32
      %sign3A_56 = arith.cmpi slt, %scan3A_51, %sign3A_55 : i32
      %sign3A_57 = arith.extui %sign3A_56 : i1 to i32
      %sign3A_58 = arith.subi %sign3A_54, %sign3A_57 : i32
      %sign3A_59 = arith.constant 0 : i32
      %sign3A_60 = arith.cmpi sgt, %jit3A, %sign3A_59 : i32
      %sign3A_61 = arith.extui %sign3A_60 : i1 to i32
      %sign3A_62 = arith.constant 0 : i32
      %sign3A_63 = arith.cmpi slt, %jit3A, %sign3A_62 : i32
      %sign3A_64 = arith.extui %sign3A_63 : i1 to i32
      %sign3A_65 = arith.subi %sign3A_61, %sign3A_64 : i32
      %ne3A = arith.cmpi ne, %sign3A_58, %sign3A_65 : i32
      %rem3A = arith.remsi %scan3A_51, %jit3A : i32
      %ne3A_66 = arith.constant 0 : i32
      %ne3A_67 = arith.cmpi ne, %rem3A, %ne3A_66 : i32
      %and3A = arith.andi %ne3A, %ne3A_67 : i1
      %sub3A = arith.constant 1 : i32
      %sub3A_68 = arith.subi %div3A, %sub3A : i32
      %select_n3A = arith.select %and3A, %sub3A_68, %div3A : i32
      %jit3A_69 = arith.constant 8 : i32
      %eq3A = arith.constant 0 : i32
      %eq3A_70 = arith.cmpi eq, %jit3A_69, %eq3A : i32
      %jit3A_71 = arith.constant 1 : i32
      %select_n3A_72 = arith.select %eq3A_70, %jit3A_71, %jit3A_69 : i32
      %rem3A_73 = arith.remsi %scan3A_51, %select_n3A_72 : i32
      %ne3A_74 = arith.constant 0 : i32
      %ne3A_75 = arith.cmpi ne, %rem3A_73, %ne3A_74 : i32
      %lt3A = arith.constant 0 : i32
      %lt3A_76 = arith.cmpi slt, %rem3A_73, %lt3A : i32
      %lt3A_77 = arith.constant 0 : i32
      %lt3A_78 = arith.cmpi slt, %select_n3A_72, %lt3A_77 : i32
      %ne3A_79 = arith.xori %lt3A_76, %lt3A_78 : i1
      %and3A_80 = arith.andi %ne3A_79, %ne3A_75 : i1
      %add3A_81 = arith.addi %rem3A_73, %select_n3A_72 : i32
      %select_n3A_82 = arith.select %and3A_80, %add3A_81, %rem3A_73 : i32
      %mul3A_83 = arith.constant 16 : i32
      %mul3A_84 = arith.muli %select_n3A_82, %mul3A_83 : i32
      %swap3A = arith.index_cast %select_n3A : i32 to index
      %swap3A_85 = arith.index_cast %mul3A_84 : i32 to index
      %swap3A_86 = tpu.vector_load %arg9[%swap3A, %swap3A_85] {strides = array<i32>} : memref<64x128xf32, #tpu.memory_space<vmem>>, vector<1x16xf32>,
      %swap3A_87 = vector.shape_cast %swap3A_86 : vector<1x16xf32> to vector<16xf32>
      %swap3A_88 = vector.shape_cast %broadcast_in_dim3A_52 : vector<16xf32> to vector<1x16xf32>
      tpu.vector_store %arg9[%swap3A, %swap3A_85], %swap3A_88 {strides = array<i32>} : memref<64x128xf32, #tpu.memory_space<vmem>>, vector<1x16xf32>,
    }
    %scan3A_7 = arith.constant 512 : i32
    "tpu.region"() ({
      %run_scoped3A = tpu.sem_alloc : memref<!tpu.dma_semaphore, #tpu.memory_space<semaphore_mem>>
      %dma_start3A = arith.constant 0 : i32
      %dma_start3A_51 = arith.constant 0 : i32
      %dma_start3A_52 = tpu.memref_slice %arg4[%add3A, %dma_start3A, %dma_start3A_51] : memref<32x157x128xi32, #tpu.memory_space<hbm>> -> memref<1x157x128xi32, #tpu.memory_space<hbm>>
      %dma_start3A_53 = tpu.memref_squeeze %dma_start3A_52 : memref<1x157x128xi32, #tpu.memory_space<hbm>> -> memref<157x128xi32, #tpu.memory_space<hbm>>
      %dma_start3A_54 = arith.constant 0 : i32
      %dma_start3A_55 = arith.constant 0 : i32
      %dma_start3A_56 = tpu.memref_slice %arg4[%add3A, %dma_start3A_54, %dma_start3A_55] : memref<32x157x128xi32, #tpu.memory_space<hbm>> -> memref<1x157x128xi32, #tpu.memory_space<hbm>>
      %dma_start3A_57 = tpu.memref_squeeze %dma_start3A_56 : memref<1x157x128xi32, #tpu.memory_space<hbm>> -> memref<157x128xi32, #tpu.memory_space<hbm>>
      tpu.enqueue_dma source(%dma_start3A_57 : memref<157x128xi32, #tpu.memory_space<hbm>>) target(%arg7 : memref<157x128xi32, #tpu.memory_space<vmem>>) target_semaphore(%run_scoped3A : memref<!tpu.dma_semaphore, #tpu.memory_space<semaphore_mem>>)
      %dma_wait3A = arith.constant 0 : i32
      %dma_wait3A_58 = arith.constant 0 : i32
      %dma_wait3A_59 = tpu.memref_slice %arg4[%add3A, %dma_wait3A, %dma_wait3A_58] : memref<32x157x128xi32, #tpu.memory_space<hbm>> -> memref<1x157x128xi32, #tpu.memory_space<hbm>>
      %dma_wait3A_60 = tpu.memref_squeeze %dma_wait3A_59 : memref<1x157x128xi32, #tpu.memory_space<hbm>> -> memref<157x128xi32, #tpu.memory_space<hbm>>
      %dma_wait3A_61 = arith.constant 0 : i32
      %dma_wait3A_62 = arith.constant 0 : i32
      %dma_wait3A_63 = tpu.memref_slice %arg4[%add3A, %dma_wait3A_61, %dma_wait3A_62] : memref<32x157x128xi32, #tpu.memory_space<hbm>> -> memref<1x157x128xi32, #tpu.memory_space<hbm>>
      %dma_wait3A_64 = tpu.memref_squeeze %dma_wait3A_63 : memref<1x157x128xi32, #tpu.memory_space<hbm>> -> memref<157x128xi32, #tpu.memory_space<hbm>>
      tpu.wait_dma2 semaphore(%run_scoped3A : memref<!tpu.dma_semaphore, #tpu.memory_space<semaphore_mem>>) src(%dma_wait3A_64 : memref<157x128xi32, #tpu.memory_space<hbm>>) dst(%arg7 : memref<157x128xi32, #tpu.memory_space<vmem>>)
      tpu.yield
    }) : () -> ()
    %add3A_8 = arith.constant 0 : i32
    %add3A_9 = arith.addi %mul3A_2, %add3A_8 : i32
    "tpu.region"() ({
      %run_scoped3A = tpu.sem_alloc : memref<!tpu.dma_semaphore, #tpu.memory_space<semaphore_mem>>
      %dma_start3A = arith.constant 0 : i32
      %dma_start3A_51 = tpu.memref_slice %arg10[%add3A_9, %dma_start3A] : memref<5120x128xf32, #tpu.memory_space<vmem_shared>> -> memref<64x128xf32, #tpu.memory_space<vmem_shared>>
      %dma_start3A_52 = arith.constant 0 : i32
      %dma_start3A_53 = tpu.memref_slice %arg10[%add3A_9, %dma_start3A_52] : memref<5120x128xf32, #tpu.memory_space<vmem_shared>> -> memref<64x128xf32, #tpu.memory_space<vmem_shared>>
      tpu.enqueue_dma source(%arg9 : memref<64x128xf32, #tpu.memory_space<vmem>>) target(%dma_start3A_53 : memref<64x128xf32, #tpu.memory_space<vmem_shared>>) target_semaphore(%run_scoped3A : memref<!tpu.dma_semaphore, #tpu.memory_space<semaphore_mem>>)
      %dma_wait3A = arith.constant 0 : i32
      %dma_wait3A_54 = tpu.memref_slice %arg10[%add3A_9, %dma_wait3A] : memref<5120x128xf32, #tpu.memory_space<vmem_shared>> -> memref<64x128xf32, #tpu.memory_space<vmem_shared>>
      %dma_wait3A_55 = arith.constant 0 : i32
      %dma_wait3A_56 = tpu.memref_slice %arg10[%add3A_9, %dma_wait3A_55] : memref<5120x128xf32, #tpu.memory_space<vmem_shared>> -> memref<64x128xf32, #tpu.memory_space<vmem_shared>>
      tpu.wait_dma2 semaphore(%run_scoped3A : memref<!tpu.dma_semaphore, #tpu.memory_space<semaphore_mem>>) src(%arg9 : memref<64x128xf32, #tpu.memory_space<vmem>>) dst(%dma_wait3A_56 : memref<64x128xf32, #tpu.memory_space<vmem_shared>>)
      tpu.yield
    }) : () -> ()
    %add3A_10 = arith.constant 64 : i32
    %add3A_11 = arith.addi %mul3A_2, %add3A_10 : i32
    "tpu.region"() ({
      %run_scoped3A = tpu.sem_alloc : memref<!tpu.dma_semaphore, #tpu.memory_space<semaphore_mem>>
      %dma_start3A = arith.constant 0 : i32
      %dma_start3A_51 = tpu.memref_slice %arg10[%add3A_11, %dma_start3A] : memref<5120x128xf32, #tpu.memory_space<vmem_shared>> -> memref<64x128xf32, #tpu.memory_space<vmem_shared>>
      %dma_start3A_52 = arith.constant 0 : i32
      %dma_start3A_53 = tpu.memref_slice %arg10[%add3A_11, %dma_start3A_52] : memref<5120x128xf32, #tpu.memory_space<vmem_shared>> -> memref<64x128xf32, #tpu.memory_space<vmem_shared>>
      tpu.enqueue_dma source(%arg9 : memref<64x128xf32, #tpu.memory_space<vmem>>) target(%dma_start3A_53 : memref<64x128xf32, #tpu.memory_space<vmem_shared>>) target_semaphore(%run_scoped3A : memref<!tpu.dma_semaphore, #tpu.memory_space<semaphore_mem>>)
      %dma_wait3A = arith.constant 0 : i32
      %dma_wait3A_54 = tpu.memref_slice %arg10[%add3A_11, %dma_wait3A] : memref<5120x128xf32, #tpu.memory_space<vmem_shared>> -> memref<64x128xf32, #tpu.memory_space<vmem_shared>>
      %dma_wait3A_55 = arith.constant 0 : i32
      %dma_wait3A_56 = tpu.memref_slice %arg10[%add3A_11, %dma_wait3A_55] : memref<5120x128xf32, #tpu.memory_space<vmem_shared>> -> memref<64x128xf32, #tpu.memory_space<vmem_shared>>
      tpu.wait_dma2 semaphore(%run_scoped3A : memref<!tpu.dma_semaphore, #tpu.memory_space<semaphore_mem>>) src(%arg9 : memref<64x128xf32, #tpu.memory_space<vmem>>) dst(%dma_wait3A_56 : memref<64x128xf32, #tpu.memory_space<vmem_shared>>)
      tpu.yield
    }) : () -> ()
    %add3A_12 = arith.constant 128 : i32
    %add3A_13 = arith.addi %mul3A_2, %add3A_12 : i32
    "tpu.region"() ({
      %run_scoped3A = tpu.sem_alloc : memref<!tpu.dma_semaphore, #tpu.memory_space<semaphore_mem>>
      %dma_start3A = arith.constant 0 : i32
      %dma_start3A_51 = tpu.memref_slice %arg10[%add3A_13, %dma_start3A] : memref<5120x128xf32, #tpu.memory_space<vmem_shared>> -> memref<64x128xf32, #tpu.memory_space<vmem_shared>>
      %dma_start3A_52 = arith.constant 0 : i32
      %dma_start3A_53 = tpu.memref_slice %arg10[%add3A_13, %dma_start3A_52] : memref<5120x128xf32, #tpu.memory_space<vmem_shared>> -> memref<64x128xf32, #tpu.memory_space<vmem_shared>>
      tpu.enqueue_dma source(%arg9 : memref<64x128xf32, #tpu.memory_space<vmem>>) target(%dma_start3A_53 : memref<64x128xf32, #tpu.memory_space<vmem_shared>>) target_semaphore(%run_scoped3A : memref<!tpu.dma_semaphore, #tpu.memory_space<semaphore_mem>>)
      %dma_wait3A = arith.constant 0 : i32
      %dma_wait3A_54 = tpu.memref_slice %arg10[%add3A_13, %dma_wait3A] : memref<5120x128xf32, #tpu.memory_space<vmem_shared>> -> memref<64x128xf32, #tpu.memory_space<vmem_shared>>
      %dma_wait3A_55 = arith.constant 0 : i32
      %dma_wait3A_56 = tpu.memref_slice %arg10[%add3A_13, %dma_wait3A_55] : memref<5120x128xf32, #tpu.memory_space<vmem_shared>> -> memref<64x128xf32, #tpu.memory_space<vmem_shared>>
      tpu.wait_dma2 semaphore(%run_scoped3A : memref<!tpu.dma_semaphore, #tpu.memory_space<semaphore_mem>>) src(%arg9 : memref<64x128xf32, #tpu.memory_space<vmem>>) dst(%dma_wait3A_56 : memref<64x128xf32, #tpu.memory_space<vmem_shared>>)
      tpu.yield
    }) : () -> ()
    %add3A_14 = arith.constant 192 : i32
    %add3A_15 = arith.addi %mul3A_2, %add3A_14 : i32
    "tpu.region"() ({
      %run_scoped3A = tpu.sem_alloc : memref<!tpu.dma_semaphore, #tpu.memory_space<semaphore_mem>>
      %dma_start3A = arith.constant 0 : i32
      %dma_start3A_51 = tpu.memref_slice %arg10[%add3A_15, %dma_start3A] : memref<5120x128xf32, #tpu.memory_space<vmem_shared>> -> memref<64x128xf32, #tpu.memory_space<vmem_shared>>
      %dma_start3A_52 = arith.constant 0 : i32
      %dma_start3A_53 = tpu.memref_slice %arg10[%add3A_15, %dma_start3A_52] : memref<5120x128xf32, #tpu.memory_space<vmem_shared>> -> memref<64x128xf32, #tpu.memory_space<vmem_shared>>
      tpu.enqueue_dma source(%arg9 : memref<64x128xf32, #tpu.memory_space<vmem>>) target(%dma_start3A_53 : memref<64x128xf32, #tpu.memory_space<vmem_shared>>) target_semaphore(%run_scoped3A : memref<!tpu.dma_semaphore, #tpu.memory_space<semaphore_mem>>)
      %dma_wait3A = arith.constant 0 : i32
      %dma_wait3A_54 = tpu.memref_slice %arg10[%add3A_15, %dma_wait3A] : memref<5120x128xf32, #tpu.memory_space<vmem_shared>> -> memref<64x128xf32, #tpu.memory_space<vmem_shared>>
      %dma_wait3A_55 = arith.constant 0 : i32
      %dma_wait3A_56 = tpu.memref_slice %arg10[%add3A_15, %dma_wait3A_55] : memref<5120x128xf32, #tpu.memory_space<vmem_shared>> -> memref<64x128xf32, #tpu.memory_space<vmem_shared>>
      tpu.wait_dma2 semaphore(%run_scoped3A : memref<!tpu.dma_semaphore, #tpu.memory_space<semaphore_mem>>) src(%arg9 : memref<64x128xf32, #tpu.memory_space<vmem>>) dst(%dma_wait3A_56 : memref<64x128xf32, #tpu.memory_space<vmem_shared>>)
      tpu.yield
    }) : () -> ()
    %add3A_16 = arith.constant 256 : i32
    %add3A_17 = arith.addi %mul3A_2, %add3A_16 : i32
    "tpu.region"() ({
      %run_scoped3A = tpu.sem_alloc : memref<!tpu.dma_semaphore, #tpu.memory_space<semaphore_mem>>
      %dma_start3A = arith.constant 0 : i32
      %dma_start3A_51 = tpu.memref_slice %arg10[%add3A_17, %dma_start3A] : memref<5120x128xf32, #tpu.memory_space<vmem_shared>> -> memref<64x128xf32, #tpu.memory_space<vmem_shared>>
      %dma_start3A_52 = arith.constant 0 : i32
      %dma_start3A_53 = tpu.memref_slice %arg10[%add3A_17, %dma_start3A_52] : memref<5120x128xf32, #tpu.memory_space<vmem_shared>> -> memref<64x128xf32, #tpu.memory_space<vmem_shared>>
      tpu.enqueue_dma source(%arg9 : memref<64x128xf32, #tpu.memory_space<vmem>>) target(%dma_start3A_53 : memref<64x128xf32, #tpu.memory_space<vmem_shared>>) target_semaphore(%run_scoped3A : memref<!tpu.dma_semaphore, #tpu.memory_space<semaphore_mem>>)
      %dma_wait3A = arith.constant 0 : i32
      %dma_wait3A_54 = tpu.memref_slice %arg10[%add3A_17, %dma_wait3A] : memref<5120x128xf32, #tpu.memory_space<vmem_shared>> -> memref<64x128xf32, #tpu.memory_space<vmem_shared>>
      %dma_wait3A_55 = arith.constant 0 : i32
      %dma_wait3A_56 = tpu.memref_slice %arg10[%add3A_17, %dma_wait3A_55] : memref<5120x128xf32, #tpu.memory_space<vmem_shared>> -> memref<64x128xf32, #tpu.memory_space<vmem_shared>>
      tpu.wait_dma2 semaphore(%run_scoped3A : memref<!tpu.dma_semaphore, #tpu.memory_space<semaphore_mem>>) src(%arg9 : memref<64x128xf32, #tpu.memory_space<vmem>>) dst(%dma_wait3A_56 : memref<64x128xf32, #tpu.memory_space<vmem_shared>>)
      tpu.yield
    }) : () -> ()
    %barrier3A = arith.constant 0 : index
    tpu.barrier barrier_id(%barrier3A)
    %add3A_18 = arith.constant 0 : i32
    %add3A_19 = arith.addi %add3A_18, %add3A : i32
    "tpu.region"() ({
      %run_scoped3A = tpu.sem_alloc : memref<!tpu.dma_semaphore, #tpu.memory_space<semaphore_mem>>
      %dma_start3A = arith.constant 0 : i32
      %dma_start3A_51 = arith.constant 0 : i32
      %dma_start3A_52 = tpu.memref_slice %arg3[%add3A_19, %dma_start3A, %dma_start3A_51] : memref<64x157x128xi32, #tpu.memory_space<hbm>> -> memref<1x157x128xi32, #tpu.memory_space<hbm>>
      %dma_start3A_53 = tpu.memref_squeeze %dma_start3A_52 : memref<1x157x128xi32, #tpu.memory_space<hbm>> -> memref<157x128xi32, #tpu.memory_space<hbm>>
      %dma_start3A_54 = arith.constant 0 : i32
      %dma_start3A_55 = arith.constant 0 : i32
      %dma_start3A_56 = tpu.memref_slice %arg3[%add3A_19, %dma_start3A_54, %dma_start3A_55] : memref<64x157x128xi32, #tpu.memory_space<hbm>> -> memref<1x157x128xi32, #tpu.memory_space<hbm>>
      %dma_start3A_57 = tpu.memref_squeeze %dma_start3A_56 : memref<1x157x128xi32, #tpu.memory_space<hbm>> -> memref<157x128xi32, #tpu.memory_space<hbm>>
      tpu.enqueue_dma source(%dma_start3A_57 : memref<157x128xi32, #tpu.memory_space<hbm>>) target(%arg6 : memref<157x128xi32, #tpu.memory_space<vmem>>) target_semaphore(%run_scoped3A : memref<!tpu.dma_semaphore, #tpu.memory_space<semaphore_mem>>)
      %dma_wait3A = arith.constant 0 : i32
      %dma_wait3A_58 = arith.constant 0 : i32
      %dma_wait3A_59 = tpu.memref_slice %arg3[%add3A_19, %dma_wait3A, %dma_wait3A_58] : memref<64x157x128xi32, #tpu.memory_space<hbm>> -> memref<1x157x128xi32, #tpu.memory_space<hbm>>
      %dma_wait3A_60 = tpu.memref_squeeze %dma_wait3A_59 : memref<1x157x128xi32, #tpu.memory_space<hbm>> -> memref<157x128xi32, #tpu.memory_space<hbm>>
      %dma_wait3A_61 = arith.constant 0 : i32
      %dma_wait3A_62 = arith.constant 0 : i32
      %dma_wait3A_63 = tpu.memref_slice %arg3[%add3A_19, %dma_wait3A_61, %dma_wait3A_62] : memref<64x157x128xi32, #tpu.memory_space<hbm>> -> memref<1x157x128xi32, #tpu.memory_space<hbm>>
      %dma_wait3A_64 = tpu.memref_squeeze %dma_wait3A_63 : memref<1x157x128xi32, #tpu.memory_space<hbm>> -> memref<157x128xi32, #tpu.memory_space<hbm>>
      tpu.wait_dma2 semaphore(%run_scoped3A : memref<!tpu.dma_semaphore, #tpu.memory_space<semaphore_mem>>) src(%dma_wait3A_64 : memref<157x128xi32, #tpu.memory_space<hbm>>) dst(%arg6 : memref<157x128xi32, #tpu.memory_space<vmem>>)
      tpu.yield
    }) : () -> ()
    %scan3A_20 = arith.constant 0 : i32
    %scan3A_21 = arith.constant 0 : i32
    %scan3A_22 = arith.constant 157 : i32
    %scan3A_23 = arith.addi %scan3A_21, %scan3A_22 : i32
    %scan3A_24 = arith.constant 1 : i32
    scf.for %scan3A_51 = %scan3A_21 to %scan3A_23 step %scan3A_24  : i32 {
      %dma_start3A = arith.constant 0 : i32
      %dma_start3A_52 = tpu.memref_slice %arg6[%scan3A_51, %dma_start3A] : memref<157x128xi32, #tpu.memory_space<vmem>> -> memref<1x128xi32, #tpu.memory_space<vmem>>
      %dma_start3A_53 = tpu.memref_squeeze %dma_start3A_52 : memref<1x128xi32, #tpu.memory_space<vmem>> -> memref<128xi32, #tpu.memory_space<vmem>>
      %dma_start3A_54 = arith.constant 0 : i32
      %dma_start3A_55 = arith.constant 0 : i32
      %dma_start3A_56 = tpu.memref_slice %arg2[%dma_start3A_54, %dma_start3A_55] : memref<20000x128xf32, #tpu.memory_space<hbm>> -> memref<20000x128xf32, #tpu.memory_space<hbm>>
      tpu.enqueue_indirect_dma source(%dma_start3A_56 : memref<20000x128xf32, #tpu.memory_space<hbm>>) target(%arg8 : memref<128x128xf32, #tpu.memory_space<vmem>>) offsets(%dma_start3A_53 : memref<128xi32, #tpu.memory_space<vmem>>) semaphore(%arg11 : memref<!tpu.dma_semaphore, #tpu.memory_space<semaphore_mem>>)
      %dma_wait3A = arith.constant 0 : i32
      %dma_wait3A_57 = tpu.memref_slice %arg6[%scan3A_51, %dma_wait3A] : memref<157x128xi32, #tpu.memory_space<vmem>> -> memref<1x128xi32, #tpu.memory_space<vmem>>
      %dma_wait3A_58 = tpu.memref_squeeze %dma_wait3A_57 : memref<1x128xi32, #tpu.memory_space<vmem>> -> memref<128xi32, #tpu.memory_space<vmem>>
      %dma_wait3A_59 = arith.constant 0 : i32
      %dma_wait3A_60 = arith.constant 0 : i32
      %dma_wait3A_61 = tpu.memref_slice %arg2[%dma_wait3A_59, %dma_wait3A_60] : memref<20000x128xf32, #tpu.memory_space<hbm>> -> memref<20000x128xf32, #tpu.memory_space<hbm>>
      tpu.wait_indirect_dma semaphore(%arg11 : memref<!tpu.dma_semaphore, #tpu.memory_space<semaphore_mem>>) src(%dma_wait3A_61 : memref<20000x128xf32, #tpu.memory_space<hbm>>) dst(%arg8 : memref<128x128xf32, #tpu.memory_space<vmem>>)
      "tpu.region"() ({
        %run_scoped3A = tpu.sem_alloc : memref<!tpu.dma_semaphore, #tpu.memory_space<semaphore_mem>>
        %dma_start3A_62 = arith.constant 0 : i32
        %dma_start3A_63 = tpu.memref_slice %arg7[%scan3A_51, %dma_start3A_62] : memref<157x128xi32, #tpu.memory_space<vmem>> -> memref<1x128xi32, #tpu.memory_space<vmem>>
        %dma_start3A_64 = tpu.memref_squeeze %dma_start3A_63 : memref<1x128xi32, #tpu.memory_space<vmem>> -> memref<128xi32, #tpu.memory_space<vmem>>
        %dma_start3A_65 = arith.constant 0 : i32
        %dma_start3A_66 = arith.constant 0 : i32
        %dma_start3A_67 = tpu.memref_slice %arg10[%dma_start3A_65, %dma_start3A_66] : memref<5120x128xf32, #tpu.memory_space<vmem_shared>> -> memref<5120x128xf32, #tpu.memory_space<vmem_shared>>
        tpu.enqueue_indirect_dma source(%arg8 : memref<128x128xf32, #tpu.memory_space<vmem>>) target(%dma_start3A_67 : memref<5120x128xf32, #tpu.memory_space<vmem_shared>>) offsets(%dma_start3A_64 : memref<128xi32, #tpu.memory_space<vmem>>) semaphore(%run_scoped3A : memref<!tpu.dma_semaphore, #tpu.memory_space<semaphore_mem>>) {add = true}
        %dma_wait3A_68 = arith.constant 0 : i32
        %dma_wait3A_69 = tpu.memref_slice %arg7[%scan3A_51, %dma_wait3A_68] : memref<157x128xi32, #tpu.memory_space<vmem>> -> memref<1x128xi32, #tpu.memory_space<vmem>>
        %dma_wait3A_70 = tpu.memref_squeeze %dma_wait3A_69 : memref<1x128xi32, #tpu.memory_space<vmem>> -> memref<128xi32, #tpu.memory_space<vmem>>
        %dma_wait3A_71 = arith.constant 0 : i32
        %dma_wait3A_72 = arith.constant 0 : i32
        %dma_wait3A_73 = tpu.memref_slice %arg10[%dma_wait3A_71, %dma_wait3A_72] : memref<5120x128xf32, #tpu.memory_space<vmem_shared>> -> memref<5120x128xf32, #tpu.memory_space<vmem_shared>>
        tpu.wait_indirect_dma semaphore(%run_scoped3A : memref<!tpu.dma_semaphore, #tpu.memory_space<semaphore_mem>>) src(%arg8 : memref<128x128xf32, #tpu.memory_space<vmem>>) dst(%dma_wait3A_73 : memref<5120x128xf32, #tpu.memory_space<vmem_shared>>)
        tpu.yield
      }) : () -> ()
    }
    %scan3A_25 = arith.constant 157 : i32
    %barrier3A_26 = arith.constant 0 : index
    tpu.barrier barrier_id(%barrier3A_26)
    %add3A_27 = arith.constant 0 : i32
    %add3A_28 = arith.addi %add3A_27, %arg0 : i32
    "tpu.region"() ({
      %run_scoped3A = tpu.sem_alloc : memref<!tpu.dma_semaphore, #tpu.memory_space<semaphore_mem>>
      %dma_start3A = arith.constant 0 : i32
      %dma_start3A_51 = tpu.memref_slice %arg5[%add3A_28, %mul3A_2, %dma_start3A] : memref<4x5120x128xf32, #tpu.memory_space<hbm>> -> memref<1x320x128xf32, #tpu.memory_space<hbm>>
      %dma_start3A_52 = tpu.memref_squeeze %dma_start3A_51 : memref<1x320x128xf32, #tpu.memory_space<hbm>> -> memref<320x128xf32, #tpu.memory_space<hbm>>
      %dma_start3A_53 = arith.constant 0 : i32
      %dma_start3A_54 = tpu.memref_slice %arg10[%mul3A_2, %dma_start3A_53] : memref<5120x128xf32, #tpu.memory_space<vmem_shared>> -> memref<320x128xf32, #tpu.memory_space<vmem_shared>>
      tpu.enqueue_dma source(%dma_start3A_54 : memref<320x128xf32, #tpu.memory_space<vmem_shared>>) target(%dma_start3A_52 : memref<320x128xf32, #tpu.memory_space<hbm>>) target_semaphore(%run_scoped3A : memref<!tpu.dma_semaphore, #tpu.memory_space<semaphore_mem>>)
      %dma_wait3A = arith.constant 0 : i32
      %dma_wait3A_55 = tpu.memref_slice %arg5[%add3A_28, %mul3A_2, %dma_wait3A] : memref<4x5120x128xf32, #tpu.memory_space<hbm>> -> memref<1x320x128xf32, #tpu.memory_space<hbm>>
      %dma_wait3A_56 = tpu.memref_squeeze %dma_wait3A_55 : memref<1x320x128xf32, #tpu.memory_space<hbm>> -> memref<320x128xf32, #tpu.memory_space<hbm>>
      %dma_wait3A_57 = arith.constant 0 : i32
      %dma_wait3A_58 = tpu.memref_slice %arg10[%mul3A_2, %dma_wait3A_57] : memref<5120x128xf32, #tpu.memory_space<vmem_shared>> -> memref<320x128xf32, #tpu.memory_space<vmem_shared>>
      tpu.wait_dma2 semaphore(%run_scoped3A : memref<!tpu.dma_semaphore, #tpu.memory_space<semaphore_mem>>) src(%dma_wait3A_58 : memref<320x128xf32, #tpu.memory_space<vmem_shared>>) dst(%dma_wait3A_56 : memref<320x128xf32, #tpu.memory_space<hbm>>)
      tpu.yield
    }) : () -> ()
    %add3A_29 = arith.constant 0 : i32
    %add3A_30 = arith.addi %mul3A_2, %add3A_29 : i32
    "tpu.region"() ({
      %run_scoped3A = tpu.sem_alloc : memref<!tpu.dma_semaphore, #tpu.memory_space<semaphore_mem>>
      %dma_start3A = arith.constant 0 : i32
      %dma_start3A_51 = tpu.memref_slice %arg10[%add3A_30, %dma_start3A] : memref<5120x128xf32, #tpu.memory_space<vmem_shared>> -> memref<64x128xf32, #tpu.memory_space<vmem_shared>>
      %dma_start3A_52 = arith.constant 0 : i32
      %dma_start3A_53 = tpu.memref_slice %arg10[%add3A_30, %dma_start3A_52] : memref<5120x128xf32, #tpu.memory_space<vmem_shared>> -> memref<64x128xf32, #tpu.memory_space<vmem_shared>>
      tpu.enqueue_dma source(%arg9 : memref<64x128xf32, #tpu.memory_space<vmem>>) target(%dma_start3A_53 : memref<64x128xf32, #tpu.memory_space<vmem_shared>>) target_semaphore(%run_scoped3A : memref<!tpu.dma_semaphore, #tpu.memory_space<semaphore_mem>>)
      %dma_wait3A = arith.constant 0 : i32
      %dma_wait3A_54 = tpu.memref_slice %arg10[%add3A_30, %dma_wait3A] : memref<5120x128xf32, #tpu.memory_space<vmem_shared>> -> memref<64x128xf32, #tpu.memory_space<vmem_shared>>
      %dma_wait3A_55 = arith.constant 0 : i32
      %dma_wait3A_56 = tpu.memref_slice %arg10[%add3A_30, %dma_wait3A_55] : memref<5120x128xf32, #tpu.memory_space<vmem_shared>> -> memref<64x128xf32, #tpu.memory_space<vmem_shared>>
      tpu.wait_dma2 semaphore(%run_scoped3A : memref<!tpu.dma_semaphore, #tpu.memory_space<semaphore_mem>>) src(%arg9 : memref<64x128xf32, #tpu.memory_space<vmem>>) dst(%dma_wait3A_56 : memref<64x128xf32, #tpu.memory_space<vmem_shared>>)
      tpu.yield
    }) : () -> ()
    %add3A_31 = arith.constant 64 : i32
    %add3A_32 = arith.addi %mul3A_2, %add3A_31 : i32
    "tpu.region"() ({
      %run_scoped3A = tpu.sem_alloc : memref<!tpu.dma_semaphore, #tpu.memory_space<semaphore_mem>>
      %dma_start3A = arith.constant 0 : i32
      %dma_start3A_51 = tpu.memref_slice %arg10[%add3A_32, %dma_start3A] : memref<5120x128xf32, #tpu.memory_space<vmem_shared>> -> memref<64x128xf32, #tpu.memory_space<vmem_shared>>
      %dma_start3A_52 = arith.constant 0 : i32
      %dma_start3A_53 = tpu.memref_slice %arg10[%add3A_32, %dma_start3A_52] : memref<5120x128xf32, #tpu.memory_space<vmem_shared>> -> memref<64x128xf32, #tpu.memory_space<vmem_shared>>
      tpu.enqueue_dma source(%arg9 : memref<64x128xf32, #tpu.memory_space<vmem>>) target(%dma_start3A_53 : memref<64x128xf32, #tpu.memory_space<vmem_shared>>) target_semaphore(%run_scoped3A : memref<!tpu.dma_semaphore, #tpu.memory_space<semaphore_mem>>)
      %dma_wait3A = arith.constant 0 : i32
      %dma_wait3A_54 = tpu.memref_slice %arg10[%add3A_32, %dma_wait3A] : memref<5120x128xf32, #tpu.memory_space<vmem_shared>> -> memref<64x128xf32, #tpu.memory_space<vmem_shared>>
      %dma_wait3A_55 = arith.constant 0 : i32
      %dma_wait3A_56 = tpu.memref_slice %arg10[%add3A_32, %dma_wait3A_55] : memref<5120x128xf32, #tpu.memory_space<vmem_shared>> -> memref<64x128xf32, #tpu.memory_space<vmem_shared>>
      tpu.wait_dma2 semaphore(%run_scoped3A : memref<!tpu.dma_semaphore, #tpu.memory_space<semaphore_mem>>) src(%arg9 : memref<64x128xf32, #tpu.memory_space<vmem>>) dst(%dma_wait3A_56 : memref<64x128xf32, #tpu.memory_space<vmem_shared>>)
      tpu.yield
    }) : () -> ()
    %add3A_33 = arith.constant 128 : i32
    %add3A_34 = arith.addi %mul3A_2, %add3A_33 : i32
    "tpu.region"() ({
      %run_scoped3A = tpu.sem_alloc : memref<!tpu.dma_semaphore, #tpu.memory_space<semaphore_mem>>
      %dma_start3A = arith.constant 0 : i32
      %dma_start3A_51 = tpu.memref_slice %arg10[%add3A_34, %dma_start3A] : memref<5120x128xf32, #tpu.memory_space<vmem_shared>> -> memref<64x128xf32, #tpu.memory_space<vmem_shared>>
      %dma_start3A_52 = arith.constant 0 : i32
      %dma_start3A_53 = tpu.memref_slice %arg10[%add3A_34, %dma_start3A_52] : memref<5120x128xf32, #tpu.memory_space<vmem_shared>> -> memref<64x128xf32, #tpu.memory_space<vmem_shared>>
      tpu.enqueue_dma source(%arg9 : memref<64x128xf32, #tpu.memory_space<vmem>>) target(%dma_start3A_53 : memref<64x128xf32, #tpu.memory_space<vmem_shared>>) target_semaphore(%run_scoped3A : memref<!tpu.dma_semaphore, #tpu.memory_space<semaphore_mem>>)
      %dma_wait3A = arith.constant 0 : i32
      %dma_wait3A_54 = tpu.memref_slice %arg10[%add3A_34, %dma_wait3A] : memref<5120x128xf32, #tpu.memory_space<vmem_shared>> -> memref<64x128xf32, #tpu.memory_space<vmem_shared>>
      %dma_wait3A_55 = arith.constant 0 : i32
      %dma_wait3A_56 = tpu.memref_slice %arg10[%add3A_34, %dma_wait3A_55] : memref<5120x128xf32, #tpu.memory_space<vmem_shared>> -> memref<64x128xf32, #tpu.memory_space<vmem_shared>>
      tpu.wait_dma2 semaphore(%run_scoped3A : memref<!tpu.dma_semaphore, #tpu.memory_space<semaphore_mem>>) src(%arg9 : memref<64x128xf32, #tpu.memory_space<vmem>>) dst(%dma_wait3A_56 : memref<64x128xf32, #tpu.memory_space<vmem_shared>>)
      tpu.yield
    }) : () -> ()
    %add3A_35 = arith.constant 192 : i32
    %add3A_36 = arith.addi %mul3A_2, %add3A_35 : i32
    "tpu.region"() ({
      %run_scoped3A = tpu.sem_alloc : memref<!tpu.dma_semaphore, #tpu.memory_space<semaphore_mem>>
      %dma_start3A = arith.constant 0 : i32
      %dma_start3A_51 = tpu.memref_slice %arg10[%add3A_36, %dma_start3A] : memref<5120x128xf32, #tpu.memory_space<vmem_shared>> -> memref<64x128xf32, #tpu.memory_space<vmem_shared>>
      %dma_start3A_52 = arith.constant 0 : i32
      %dma_start3A_53 = tpu.memref_slice %arg10[%add3A_36, %dma_start3A_52] : memref<5120x128xf32, #tpu.memory_space<vmem_shared>> -> memref<64x128xf32, #tpu.memory_space<vmem_shared>>
      tpu.enqueue_dma source(%arg9 : memref<64x128xf32, #tpu.memory_space<vmem>>) target(%dma_start3A_53 : memref<64x128xf32, #tpu.memory_space<vmem_shared>>) target_semaphore(%run_scoped3A : memref<!tpu.dma_semaphore, #tpu.memory_space<semaphore_mem>>)
      %dma_wait3A = arith.constant 0 : i32
      %dma_wait3A_54 = tpu.memref_slice %arg10[%add3A_36, %dma_wait3A] : memref<5120x128xf32, #tpu.memory_space<vmem_shared>> -> memref<64x128xf32, #tpu.memory_space<vmem_shared>>
      %dma_wait3A_55 = arith.constant 0 : i32
      %dma_wait3A_56 = tpu.memref_slice %arg10[%add3A_36, %dma_wait3A_55] : memref<5120x128xf32, #tpu.memory_space<vmem_shared>> -> memref<64x128xf32, #tpu.memory_space<vmem_shared>>
      tpu.wait_dma2 semaphore(%run_scoped3A : memref<!tpu.dma_semaphore, #tpu.memory_space<semaphore_mem>>) src(%arg9 : memref<64x128xf32, #tpu.memory_space<vmem>>) dst(%dma_wait3A_56 : memref<64x128xf32, #tpu.memory_space<vmem_shared>>)
      tpu.yield
    }) : () -> ()
    %add3A_37 = arith.constant 256 : i32
    %add3A_38 = arith.addi %mul3A_2, %add3A_37 : i32
    "tpu.region"() ({
      %run_scoped3A = tpu.sem_alloc : memref<!tpu.dma_semaphore, #tpu.memory_space<semaphore_mem>>
      %dma_start3A = arith.constant 0 : i32
      %dma_start3A_51 = tpu.memref_slice %arg10[%add3A_38, %dma_start3A] : memref<5120x128xf32, #tpu.memory_space<vmem_shared>> -> memref<64x128xf32, #tpu.memory_space<vmem_shared>>
      %dma_start3A_52 = arith.constant 0 : i32
      %dma_start3A_53 = tpu.memref_slice %arg10[%add3A_38, %dma_start3A_52] : memref<5120x128xf32, #tpu.memory_space<vmem_shared>> -> memref<64x128xf32, #tpu.memory_space<vmem_shared>>
      tpu.enqueue_dma source(%arg9 : memref<64x128xf32, #tpu.memory_space<vmem>>) target(%dma_start3A_53 : memref<64x128xf32, #tpu.memory_space<vmem_shared>>) target_semaphore(%run_scoped3A : memref<!tpu.dma_semaphore, #tpu.memory_space<semaphore_mem>>)
      %dma_wait3A = arith.constant 0 : i32
      %dma_wait3A_54 = tpu.memref_slice %arg10[%add3A_38, %dma_wait3A] : memref<5120x128xf32, #tpu.memory_space<vmem_shared>> -> memref<64x128xf32, #tpu.memory_space<vmem_shared>>
      %dma_wait3A_55 = arith.constant 0 : i32
      %dma_wait3A_56 = tpu.memref_slice %arg10[%add3A_38, %dma_wait3A_55] : memref<5120x128xf32, #tpu.memory_space<vmem_shared>> -> memref<64x128xf32, #tpu.memory_space<vmem_shared>>
      tpu.wait_dma2 semaphore(%run_scoped3A : memref<!tpu.dma_semaphore, #tpu.memory_space<semaphore_mem>>) src(%arg9 : memref<64x128xf32, #tpu.memory_space<vmem>>) dst(%dma_wait3A_56 : memref<64x128xf32, #tpu.memory_space<vmem_shared>>)
      tpu.yield
    }) : () -> ()
    %barrier3A_39 = arith.constant 0 : index
    tpu.barrier barrier_id(%barrier3A_39)
    %add3A_40 = arith.constant 32 : i32
    %add3A_41 = arith.addi %add3A_40, %add3A : i32
    "tpu.region"() ({
      %run_scoped3A = tpu.sem_alloc : memref<!tpu.dma_semaphore, #tpu.memory_space<semaphore_mem>>
      %dma_start3A = arith.constant 0 : i32
      %dma_start3A_51 = arith.constant 0 : i32
      %dma_start3A_52 = tpu.memref_slice %arg3[%add3A_41, %dma_start3A, %dma_start3A_51] : memref<64x157x128xi32, #tpu.memory_space<hbm>> -> memref<1x157x128xi32, #tpu.memory_space<hbm>>
      %dma_start3A_53 = tpu.memref_squeeze %dma_start3A_52 : memref<1x157x128xi32, #tpu.memory_space<hbm>> -> memref<157x128xi32, #tpu.memory_space<hbm>>
      %dma_start3A_54 = arith.constant 0 : i32
      %dma_start3A_55 = arith.constant 0 : i32
      %dma_start3A_56 = tpu.memref_slice %arg3[%add3A_41, %dma_start3A_54, %dma_start3A_55] : memref<64x157x128xi32, #tpu.memory_space<hbm>> -> memref<1x157x128xi32, #tpu.memory_space<hbm>>
      %dma_start3A_57 = tpu.memref_squeeze %dma_start3A_56 : memref<1x157x128xi32, #tpu.memory_space<hbm>> -> memref<157x128xi32, #tpu.memory_space<hbm>>
      tpu.enqueue_dma source(%dma_start3A_57 : memref<157x128xi32, #tpu.memory_space<hbm>>) target(%arg6 : memref<157x128xi32, #tpu.memory_space<vmem>>) target_semaphore(%run_scoped3A : memref<!tpu.dma_semaphore, #tpu.memory_space<semaphore_mem>>)
      %dma_wait3A = arith.constant 0 : i32
      %dma_wait3A_58 = arith.constant 0 : i32
      %dma_wait3A_59 = tpu.memref_slice %arg3[%add3A_41, %dma_wait3A, %dma_wait3A_58] : memref<64x157x128xi32, #tpu.memory_space<hbm>> -> memref<1x157x128xi32, #tpu.memory_space<hbm>>
      %dma_wait3A_60 = tpu.memref_squeeze %dma_wait3A_59 : memref<1x157x128xi32, #tpu.memory_space<hbm>> -> memref<157x128xi32, #tpu.memory_space<hbm>>
      %dma_wait3A_61 = arith.constant 0 : i32
      %dma_wait3A_62 = arith.constant 0 : i32
      %dma_wait3A_63 = tpu.memref_slice %arg3[%add3A_41, %dma_wait3A_61, %dma_wait3A_62] : memref<64x157x128xi32, #tpu.memory_space<hbm>> -> memref<1x157x128xi32, #tpu.memory_space<hbm>>
      %dma_wait3A_64 = tpu.memref_squeeze %dma_wait3A_63 : memref<1x157x128xi32, #tpu.memory_space<hbm>> -> memref<157x128xi32, #tpu.memory_space<hbm>>
      tpu.wait_dma2 semaphore(%run_scoped3A : memref<!tpu.dma_semaphore, #tpu.memory_space<semaphore_mem>>) src(%dma_wait3A_64 : memref<157x128xi32, #tpu.memory_space<hbm>>) dst(%arg6 : memref<157x128xi32, #tpu.memory_space<vmem>>)
      tpu.yield
    }) : () -> ()
    %scan3A_42 = arith.constant 0 : i32
    %scan3A_43 = arith.constant 0 : i32
    %scan3A_44 = arith.constant 157 : i32
    %scan3A_45 = arith.addi %scan3A_43, %scan3A_44 : i32
    %scan3A_46 = arith.constant 1 : i32
    scf.for %scan3A_51 = %scan3A_43 to %scan3A_45 step %scan3A_46  : i32 {
      %dma_start3A = arith.constant 0 : i32
      %dma_start3A_52 = tpu.memref_slice %arg6[%scan3A_51, %dma_start3A] : memref<157x128xi32, #tpu.memory_space<vmem>> -> memref<1x128xi32, #tpu.memory_space<vmem>>
      %dma_start3A_53 = tpu.memref_squeeze %dma_start3A_52 : memref<1x128xi32, #tpu.memory_space<vmem>> -> memref<128xi32, #tpu.memory_space<vmem>>
      %dma_start3A_54 = arith.constant 0 : i32
      %dma_start3A_55 = arith.constant 0 : i32
      %dma_start3A_56 = tpu.memref_slice %arg2[%dma_start3A_54, %dma_start3A_55] : memref<20000x128xf32, #tpu.memory_space<hbm>> -> memref<20000x128xf32, #tpu.memory_space<hbm>>
      tpu.enqueue_indirect_dma source(%dma_start3A_56 : memref<20000x128xf32, #tpu.memory_space<hbm>>) target(%arg8 : memref<128x128xf32, #tpu.memory_space<vmem>>) offsets(%dma_start3A_53 : memref<128xi32, #tpu.memory_space<vmem>>) semaphore(%arg11 : memref<!tpu.dma_semaphore, #tpu.memory_space<semaphore_mem>>)
      %dma_wait3A = arith.constant 0 : i32
      %dma_wait3A_57 = tpu.memref_slice %arg6[%scan3A_51, %dma_wait3A] : memref<157x128xi32, #tpu.memory_space<vmem>> -> memref<1x128xi32, #tpu.memory_space<vmem>>
      %dma_wait3A_58 = tpu.memref_squeeze %dma_wait3A_57 : memref<1x128xi32, #tpu.memory_space<vmem>> -> memref<128xi32, #tpu.memory_space<vmem>>
      %dma_wait3A_59 = arith.constant 0 : i32
      %dma_wait3A_60 = arith.constant 0 : i32
      %dma_wait3A_61 = tpu.memref_slice %arg2[%dma_wait3A_59, %dma_wait3A_60] : memref<20000x128xf32, #tpu.memory_space<hbm>> -> memref<20000x128xf32, #tpu.memory_space<hbm>>
      tpu.wait_indirect_dma semaphore(%arg11 : memref<!tpu.dma_semaphore, #tpu.memory_space<semaphore_mem>>) src(%dma_wait3A_61 : memref<20000x128xf32, #tpu.memory_space<hbm>>) dst(%arg8 : memref<128x128xf32, #tpu.memory_space<vmem>>)
      "tpu.region"() ({
        %run_scoped3A = tpu.sem_alloc : memref<!tpu.dma_semaphore, #tpu.memory_space<semaphore_mem>>
        %dma_start3A_62 = arith.constant 0 : i32
        %dma_start3A_63 = tpu.memref_slice %arg7[%scan3A_51, %dma_start3A_62] : memref<157x128xi32, #tpu.memory_space<vmem>> -> memref<1x128xi32, #tpu.memory_space<vmem>>
        %dma_start3A_64 = tpu.memref_squeeze %dma_start3A_63 : memref<1x128xi32, #tpu.memory_space<vmem>> -> memref<128xi32, #tpu.memory_space<vmem>>
        %dma_start3A_65 = arith.constant 0 : i32
        %dma_start3A_66 = arith.constant 0 : i32
        %dma_start3A_67 = tpu.memref_slice %arg10[%dma_start3A_65, %dma_start3A_66] : memref<5120x128xf32, #tpu.memory_space<vmem_shared>> -> memref<5120x128xf32, #tpu.memory_space<vmem_shared>>
        tpu.enqueue_indirect_dma source(%arg8 : memref<128x128xf32, #tpu.memory_space<vmem>>) target(%dma_start3A_67 : memref<5120x128xf32, #tpu.memory_space<vmem_shared>>) offsets(%dma_start3A_64 : memref<128xi32, #tpu.memory_space<vmem>>) semaphore(%run_scoped3A : memref<!tpu.dma_semaphore, #tpu.memory_space<semaphore_mem>>) {add = true}
        %dma_wait3A_68 = arith.constant 0 : i32
        %dma_wait3A_69 = tpu.memref_slice %arg7[%scan3A_51, %dma_wait3A_68] : memref<157x128xi32, #tpu.memory_space<vmem>> -> memref<1x128xi32, #tpu.memory_space<vmem>>
        %dma_wait3A_70 = tpu.memref_squeeze %dma_wait3A_69 : memref<1x128xi32, #tpu.memory_space<vmem>> -> memref<128xi32, #tpu.memory_space<vmem>>
        %dma_wait3A_71 = arith.constant 0 : i32
        %dma_wait3A_72 = arith.constant 0 : i32
        %dma_wait3A_73 = tpu.memref_slice %arg10[%dma_wait3A_71, %dma_wait3A_72] : memref<5120x128xf32, #tpu.memory_space<vmem_shared>> -> memref<5120x128xf32, #tpu.memory_space<vmem_shared>>
        tpu.wait_indirect_dma semaphore(%run_scoped3A : memref<!tpu.dma_semaphore, #tpu.memory_space<semaphore_mem>>) src(%arg8 : memref<128x128xf32, #tpu.memory_space<vmem>>) dst(%dma_wait3A_73 : memref<5120x128xf32, #tpu.memory_space<vmem_shared>>)
        tpu.yield
      }) : () -> ()
    }
    %scan3A_47 = arith.constant 157 : i32
    %barrier3A_48 = arith.constant 0 : index
    tpu.barrier barrier_id(%barrier3A_48)
    %add3A_49 = arith.constant 2 : i32
    %add3A_50 = arith.addi %add3A_49, %arg0 : i32
    "tpu.region"() ({
      %run_scoped3A = tpu.sem_alloc : memref<!tpu.dma_semaphore, #tpu.memory_space<semaphore_mem>>
      %dma_start3A = arith.constant 0 : i32
      %dma_start3A_51 = tpu.memref_slice %arg5[%add3A_50, %mul3A_2, %dma_start3A] : memref<4x5120x128xf32, #tpu.memory_space<hbm>> -> memref<1x320x128xf32, #tpu.memory_space<hbm>>
      %dma_start3A_52 = tpu.memref_squeeze %dma_start3A_51 : memref<1x320x128xf32, #tpu.memory_space<hbm>> -> memref<320x128xf32, #tpu.memory_space<hbm>>
      %dma_start3A_53 = arith.constant 0 : i32
      %dma_start3A_54 = tpu.memref_slice %arg10[%mul3A_2, %dma_start3A_53] : memref<5120x128xf32, #tpu.memory_space<vmem_shared>> -> memref<320x128xf32, #tpu.memory_space<vmem_shared>>
      tpu.enqueue_dma source(%dma_start3A_54 : memref<320x128xf32, #tpu.memory_space<vmem_shared>>) target(%dma_start3A_52 : memref<320x128xf32, #tpu.memory_space<hbm>>) target_semaphore(%run_scoped3A : memref<!tpu.dma_semaphore, #tpu.memory_space<semaphore_mem>>)
      %dma_wait3A = arith.constant 0 : i32
      %dma_wait3A_55 = tpu.memref_slice %arg5[%add3A_50, %mul3A_2, %dma_wait3A] : memref<4x5120x128xf32, #tpu.memory_space<hbm>> -> memref<1x320x128xf32, #tpu.memory_space<hbm>>
      %dma_wait3A_56 = tpu.memref_squeeze %dma_wait3A_55 : memref<1x320x128xf32, #tpu.memory_space<hbm>> -> memref<320x128xf32, #tpu.memory_space<hbm>>
      %dma_wait3A_57 = arith.constant 0 : i32
      %dma_wait3A_58 = tpu.memref_slice %arg10[%mul3A_2, %dma_wait3A_57] : memref<5120x128xf32, #tpu.memory_space<vmem_shared>> -> memref<320x128xf32, #tpu.memory_space<vmem_shared>>
      tpu.wait_dma2 semaphore(%run_scoped3A : memref<!tpu.dma_semaphore, #tpu.memory_space<semaphore_mem>>) src(%dma_wait3A_58 : memref<320x128xf32, #tpu.memory_space<vmem_shared>>) dst(%dma_wait3A_56 : memref<320x128xf32, #tpu.memory_space<hbm>>)
      tpu.yield
    }) : () -> ()
    return
  }
}

module attributes {stable_mosaic.version = 14 : i64} {
  func.func @_tc1_body(%arg0: i32, %arg1: memref<1000x128xf32, #tpu.memory_space<vmem>>, %arg2: memref<1x1000x128xf32, #tpu.memory_space<vmem>>, %arg3: memref<1x1000x128xf32, #tpu.memory_space<vmem>>, %arg4: memref<128x256xf32, #tpu.memory_space<vmem>>, %arg5: memref<1x256xf32, #tpu.memory_space<vmem>>, %arg6: memref<128x256xf32, #tpu.memory_space<vmem>>, %arg7: memref<2x1000x128xf32, #tpu.memory_space<vmem>>) attributes {dimension_semantics = [#tpu.dimension_semantics<arbitrary>], iteration_bounds = array<i64: 10>, scalar_prefetch = 0 : i64, scratch_operands = 0 : i64, tpu.core_type = #tpu.core_type<tc>, window_params = [{transform_indices = @transform_0, window_bounds = array<i64: 1000, 128>}, {transform_indices = @transform_1, window_bounds = array<i64: 1, 1000, 128>}, {transform_indices = @transform_2, window_bounds = array<i64: 1, 1000, 128>}, {pipeline_mode = #tpu.pipeline_mode<synchronous>, transform_indices = @transform_3, window_bounds = array<i64: 128, 256>}, {pipeline_mode = #tpu.pipeline_mode<synchronous>, transform_indices = @transform_4, window_bounds = array<i64: 1, 256>}, {pipeline_mode = #tpu.pipeline_mode<synchronous>, transform_indices = @transform_5, window_bounds = array<i64: 128, 256>}, {transform_indices = @transform_6, window_bounds = array<i64: 2, 1000, 128>}]} {
    %get3A = arith.constant 0 : index
    %get3A_0 = arith.constant 0 : index
    %get3A_1 = arith.constant 0 : index
    %get3A_2 = vector.load %arg2[%get3A, %get3A_0, %get3A_1] : memref<1x1000x128xf32, #tpu.memory_space<vmem>>, vector<1x1000x128xf32>
    %get3A_3 = vector.shape_cast %get3A_2 : vector<1x1000x128xf32> to vector<1000x128xf32>
    %get3A_4 = arith.constant 0 : index
    %get3A_5 = arith.constant 0 : index
    %get3A_6 = arith.constant 0 : index
    %get3A_7 = vector.load %arg3[%get3A_4, %get3A_5, %get3A_6] : memref<1x1000x128xf32, #tpu.memory_space<vmem>>, vector<1x1000x1xf32>
    %get3A_8 = vector.shape_cast %get3A_7 : vector<1x1000x1xf32> to vector<1000x1xf32>
    %max3A = arith.constant 1.000000e+00 : f32
    %max3A_9 = vector.broadcast %max3A : f32 to vector<1000x1xf32>
    %max3A_10 = arith.maximumf %get3A_8, %max3A_9 : vector<1000x1xf32>
    %div3A = arith.constant 1.000000e+00 : f32
    %div3A_11 = vector.broadcast %div3A : f32 to vector<1000x1xf32>
    %div3A_12 = arith.divf %div3A_11, %max3A_10 : vector<1000x1xf32>
    %mul3A = vector.broadcast %div3A_12 : vector<1000x1xf32> to vector<1000x128xf32>
    %mul3A_13 = arith.mulf %get3A_3, %mul3A : vector<1000x128xf32>
    %get3A_14 = arith.constant 0 : index
    %get3A_15 = arith.constant 0 : index
    %get3A_16 = vector.load %arg4[%get3A_14, %get3A_15] : memref<128x256xf32, #tpu.memory_space<vmem>>, vector<128x256xf32>
    %dot_general3A = arith.constant dense<0.000000e+00> : vector<1000x256xf32>
    %dot_general3A_17 = tpu.matmul %mul3A_13, %get3A_16, %dot_general3A {dimension_numbers = #tpu.dot_dimension_numbers<[1], [0], [0], [1], [0, 0, 1, 1], [], []>, transpose_lhs_hint = false} : vector<1000x128xf32>, vector<128x256xf32>, vector<1000x256xf32> -> vector<1000x256xf32>
    %get3A_18 = arith.constant 0 : index
    %get3A_19 = arith.constant 0 : index
    %get3A_20 = vector.load %arg5[%get3A_18, %get3A_19] : memref<1x256xf32, #tpu.memory_space<vmem>>, vector<1x256xf32>
    %add3A = vector.broadcast %get3A_20 : vector<1x256xf32> to vector<1000x256xf32>
    %add3A_21 = arith.addf %dot_general3A_17, %add3A : vector<1000x256xf32>
    %get3A_22 = arith.constant 0 : index
    %get3A_23 = arith.constant 0 : index
    %get3A_24 = vector.load %arg1[%get3A_22, %get3A_23] : memref<1000x128xf32, #tpu.memory_space<vmem>>, vector<1000x128xf32>
    %get3A_25 = arith.constant 0 : index
    %get3A_26 = arith.constant 0 : index
    %get3A_27 = vector.load %arg6[%get3A_25, %get3A_26] : memref<128x256xf32, #tpu.memory_space<vmem>>, vector<128x256xf32>
    %dot_general3A_28 = arith.constant dense<0.000000e+00> : vector<1000x256xf32>
    %dot_general3A_29 = tpu.matmul %get3A_24, %get3A_27, %dot_general3A_28 {dimension_numbers = #tpu.dot_dimension_numbers<[1], [0], [0], [1], [0, 0, 1, 1], [], []>, transpose_lhs_hint = false} : vector<1000x128xf32>, vector<128x256xf32>, vector<1000x256xf32> -> vector<1000x256xf32>
    %add3A_30 = arith.addf %add3A_21, %dot_general3A_29 : vector<1000x256xf32>
    %max3A_31 = arith.constant 0.000000e+00 : f32
    %max3A_32 = vector.broadcast %max3A_31 : f32 to vector<1000x256xf32>
    %max3A_33 = arith.maximumf %add3A_30, %max3A_32 : vector<1000x256xf32>
    %slice3A = vector.extract_strided_slice %max3A_33 {offsets = [0, 0], sizes = [1000, 128], strides = [1, 1]} : vector<1000x256xf32> to vector<1000x128xf32>
    %swap3A = arith.constant 0 : index
    %swap3A_34 = arith.constant 0 : index
    %swap3A_35 = arith.constant 0 : index
    %swap3A_36 = vector.load %arg7[%swap3A, %swap3A_34, %swap3A_35] : memref<2x1000x128xf32, #tpu.memory_space<vmem>>, vector<1x1000x128xf32>
    %swap3A_37 = vector.shape_cast %swap3A_36 : vector<1x1000x128xf32> to vector<1000x128xf32>
    %swap3A_38 = vector.shape_cast %slice3A : vector<1000x128xf32> to vector<1x1000x128xf32>
    tpu.vector_store %arg7[%swap3A, %swap3A_34, %swap3A_35], %swap3A_38 {strides = array<i32>} : memref<2x1000x128xf32, #tpu.memory_space<vmem>>, vector<1x1000x128xf32>,
    %slice3A_39 = vector.extract_strided_slice %max3A_33 {offsets = [0, 128], sizes = [1000, 128], strides = [1, 1]} : vector<1000x256xf32> to vector<1000x128xf32>
    %swap3A_40 = arith.constant 1 : index
    %swap3A_41 = arith.constant 0 : index
    %swap3A_42 = arith.constant 0 : index
    %swap3A_43 = vector.load %arg7[%swap3A_40, %swap3A_41, %swap3A_42] : memref<2x1000x128xf32, #tpu.memory_space<vmem>>, vector<1x1000x128xf32>
    %swap3A_44 = vector.shape_cast %swap3A_43 : vector<1x1000x128xf32> to vector<1000x128xf32>
    %swap3A_45 = vector.shape_cast %slice3A_39 : vector<1000x128xf32> to vector<1x1000x128xf32>
    tpu.vector_store %arg7[%swap3A_40, %swap3A_41, %swap3A_42], %swap3A_45 {strides = array<i32>} : memref<2x1000x128xf32, #tpu.memory_space<vmem>>, vector<1x1000x128xf32>,
    return
  }
  func.func @transform_0(%arg0: i32) -> (i32, i32) {
    %c0_i32 = arith.constant 0 : i32
    %c0_i32_0 = arith.constant 0 : i32
    return %arg0, %c0_i32 : i32, i32
  }
  func.func @transform_1(%arg0: i32) -> (i32, i32, i32) {
    %jit3A = arith.constant 5 : i32
    %div3A = arith.divsi %arg0, %jit3A : i32
    %sign3A = arith.constant 0 : i32
    %sign3A_0 = arith.cmpi sgt, %arg0, %sign3A : i32
    %sign3A_1 = arith.extui %sign3A_0 : i1 to i32
    %sign3A_2 = arith.constant 0 : i32
    %sign3A_3 = arith.cmpi slt, %arg0, %sign3A_2 : i32
    %sign3A_4 = arith.extui %sign3A_3 : i1 to i32
    %sign3A_5 = arith.subi %sign3A_1, %sign3A_4 : i32
    %sign3A_6 = arith.constant 0 : i32
    %sign3A_7 = arith.cmpi sgt, %jit3A, %sign3A_6 : i32
    %sign3A_8 = arith.extui %sign3A_7 : i1 to i32
    %sign3A_9 = arith.constant 0 : i32
    %sign3A_10 = arith.cmpi slt, %jit3A, %sign3A_9 : i32
    %sign3A_11 = arith.extui %sign3A_10 : i1 to i32
    %sign3A_12 = arith.subi %sign3A_8, %sign3A_11 : i32
    %ne3A = arith.cmpi ne, %sign3A_5, %sign3A_12 : i32
    %rem3A = arith.remsi %arg0, %jit3A : i32
    %ne3A_13 = arith.constant 0 : i32
    %ne3A_14 = arith.cmpi ne, %rem3A, %ne3A_13 : i32
    %and3A = arith.andi %ne3A, %ne3A_14 : i1
    %sub3A = arith.constant 1 : i32
    %sub3A_15 = arith.subi %div3A, %sub3A : i32
    %select_n3A = arith.select %and3A, %sub3A_15, %div3A : i32
    %add3A = arith.constant 0 : i32
    %add3A_16 = arith.addi %add3A, %select_n3A : i32
    %jit3A_17 = arith.constant 5 : i32
    %eq3A = arith.constant 0 : i32
    %eq3A_18 = arith.cmpi eq, %jit3A_17, %eq3A : i32
    %jit3A_19 = arith.constant 1 : i32
    %select_n3A_20 = arith.select %eq3A_18, %jit3A_19, %jit3A_17 : i32
    %rem3A_21 = arith.remsi %arg0, %select_n3A_20 : i32
    %ne3A_22 = arith.constant 0 : i32
    %ne3A_23 = arith.cmpi ne, %rem3A_21, %ne3A_22 : i32
    %lt3A = arith.constant 0 : i32
    %lt3A_24 = arith.cmpi slt, %rem3A_21, %lt3A : i32
    %lt3A_25 = arith.constant 0 : i32
    %lt3A_26 = arith.cmpi slt, %select_n3A_20, %lt3A_25 : i32
    %ne3A_27 = arith.xori %lt3A_24, %lt3A_26 : i1
    %and3A_28 = arith.andi %ne3A_27, %ne3A_23 : i1
    %add3A_29 = arith.addi %rem3A_21, %select_n3A_20 : i32
    %select_n3A_30 = arith.select %and3A_28, %add3A_29, %rem3A_21 : i32
    %c0_i32 = arith.constant 0 : i32
    %c0_i32_31 = arith.constant 0 : i32
    return %add3A_16, %select_n3A_30, %c0_i32 : i32, i32, i32
  }
  func.func @transform_2(%arg0: i32) -> (i32, i32, i32) {
    %jit3A = arith.constant 5 : i32
    %div3A = arith.divsi %arg0, %jit3A : i32
    %sign3A = arith.constant 0 : i32
    %sign3A_0 = arith.cmpi sgt, %arg0, %sign3A : i32
    %sign3A_1 = arith.extui %sign3A_0 : i1 to i32
    %sign3A_2 = arith.constant 0 : i32
    %sign3A_3 = arith.cmpi slt, %arg0, %sign3A_2 : i32
    %sign3A_4 = arith.extui %sign3A_3 : i1 to i32
    %sign3A_5 = arith.subi %sign3A_1, %sign3A_4 : i32
    %sign3A_6 = arith.constant 0 : i32
    %sign3A_7 = arith.cmpi sgt, %jit3A, %sign3A_6 : i32
    %sign3A_8 = arith.extui %sign3A_7 : i1 to i32
    %sign3A_9 = arith.constant 0 : i32
    %sign3A_10 = arith.cmpi slt, %jit3A, %sign3A_9 : i32
    %sign3A_11 = arith.extui %sign3A_10 : i1 to i32
    %sign3A_12 = arith.subi %sign3A_8, %sign3A_11 : i32
    %ne3A = arith.cmpi ne, %sign3A_5, %sign3A_12 : i32
    %rem3A = arith.remsi %arg0, %jit3A : i32
    %ne3A_13 = arith.constant 0 : i32
    %ne3A_14 = arith.cmpi ne, %rem3A, %ne3A_13 : i32
    %and3A = arith.andi %ne3A, %ne3A_14 : i1
    %sub3A = arith.constant 1 : i32
    %sub3A_15 = arith.subi %div3A, %sub3A : i32
    %select_n3A = arith.select %and3A, %sub3A_15, %div3A : i32
    %add3A = arith.constant 2 : i32
    %add3A_16 = arith.addi %add3A, %select_n3A : i32
    %jit3A_17 = arith.constant 5 : i32
    %eq3A = arith.constant 0 : i32
    %eq3A_18 = arith.cmpi eq, %jit3A_17, %eq3A : i32
    %jit3A_19 = arith.constant 1 : i32
    %select_n3A_20 = arith.select %eq3A_18, %jit3A_19, %jit3A_17 : i32
    %rem3A_21 = arith.remsi %arg0, %select_n3A_20 : i32
    %ne3A_22 = arith.constant 0 : i32
    %ne3A_23 = arith.cmpi ne, %rem3A_21, %ne3A_22 : i32
    %lt3A = arith.constant 0 : i32
    %lt3A_24 = arith.cmpi slt, %rem3A_21, %lt3A : i32
    %lt3A_25 = arith.constant 0 : i32
    %lt3A_26 = arith.cmpi slt, %select_n3A_20, %lt3A_25 : i32
    %ne3A_27 = arith.xori %lt3A_24, %lt3A_26 : i1
    %and3A_28 = arith.andi %ne3A_27, %ne3A_23 : i1
    %add3A_29 = arith.addi %rem3A_21, %select_n3A_20 : i32
    %select_n3A_30 = arith.select %and3A_28, %add3A_29, %rem3A_21 : i32
    %c0_i32 = arith.constant 0 : i32
    %c0_i32_31 = arith.constant 0 : i32
    return %add3A_16, %select_n3A_30, %c0_i32 : i32, i32, i32
  }
  func.func @transform_3(%arg0: i32) -> (i32, i32) {
    %c0_i32 = arith.constant 0 : i32
    %c0_i32_0 = arith.constant 0 : i32
    %c0_i32_1 = arith.constant 0 : i32
    return %c0_i32, %c0_i32_0 : i32, i32
  }
  func.func @transform_4(%arg0: i32) -> (i32, i32) {
    %c0_i32 = arith.constant 0 : i32
    %c0_i32_0 = arith.constant 0 : i32
    %c0_i32_1 = arith.constant 0 : i32
    return %c0_i32, %c0_i32_0 : i32, i32
  }
  func.func @transform_5(%arg0: i32) -> (i32, i32) {
    %c0_i32 = arith.constant 0 : i32
    %c0_i32_0 = arith.constant 0 : i32
    %c0_i32_1 = arith.constant 0 : i32
    return %c0_i32, %c0_i32_0 : i32, i32
  }
  func.func @transform_6(%arg0: i32) -> (i32, i32, i32) {
    %c0_i32 = arith.constant 0 : i32
    %c0_i32_0 = arith.constant 0 : i32
    %c0_i32_1 = arith.constant 0 : i32
    return %c0_i32, %arg0, %c0_i32_0 : i32, i32, i32
  }
}

module attributes {stable_mosaic.version = 14 : i64} {
  func.func @_tc2_body(%arg0: i32, %arg1: memref<1x1000x128xf32, #tpu.memory_space<vmem>>, %arg2: memref<1x1000x128xf32, #tpu.memory_space<vmem>>, %arg3: memref<1x1000x128xf32, #tpu.memory_space<vmem>>, %arg4: memref<2x1000x128xf32, #tpu.memory_space<vmem>>, %arg5: memref<256x256xf32, #tpu.memory_space<vmem>>, %arg6: memref<1x256xf32, #tpu.memory_space<vmem>>, %arg7: memref<256x256xf32, #tpu.memory_space<vmem>>, %arg8: memref<256x128xf32, #tpu.memory_space<vmem>>, %arg9: memref<1x128xf32, #tpu.memory_space<vmem>>, %arg10: memref<1000x128xf32, #tpu.memory_space<vmem>>) attributes {dimension_semantics = [#tpu.dimension_semantics<arbitrary>], iteration_bounds = array<i64: 10>, scalar_prefetch = 0 : i64, scratch_operands = 0 : i64, tpu.core_type = #tpu.core_type<tc>, window_params = [{transform_indices = @transform_0, window_bounds = array<i64: 1, 1000, 128>}, {transform_indices = @transform_1, window_bounds = array<i64: 1, 1000, 128>}, {transform_indices = @transform_2, window_bounds = array<i64: 1, 1000, 128>}, {transform_indices = @transform_3, window_bounds = array<i64: 2, 1000, 128>}, {pipeline_mode = #tpu.pipeline_mode<synchronous>, transform_indices = @transform_4, window_bounds = array<i64: 256, 256>}, {pipeline_mode = #tpu.pipeline_mode<synchronous>, transform_indices = @transform_5, window_bounds = array<i64: 1, 256>}, {pipeline_mode = #tpu.pipeline_mode<synchronous>, transform_indices = @transform_6, window_bounds = array<i64: 256, 256>}, {pipeline_mode = #tpu.pipeline_mode<synchronous>, transform_indices = @transform_7, window_bounds = array<i64: 256, 128>}, {pipeline_mode = #tpu.pipeline_mode<synchronous>, transform_indices = @transform_8, window_bounds = array<i64: 1, 128>}, {transform_indices = @transform_9, window_bounds = array<i64: 1000, 128>}]} {
    %get3A = arith.constant 0 : index
    %get3A_0 = arith.constant 0 : index
    %get3A_1 = arith.constant 0 : index
    %get3A_2 = vector.load %arg3[%get3A, %get3A_0, %get3A_1] : memref<1x1000x128xf32, #tpu.memory_space<vmem>>, vector<1x1000x1xf32>
    %get3A_3 = vector.shape_cast %get3A_2 : vector<1x1000x1xf32> to vector<1000x1xf32>
    %max3A = arith.constant 1.000000e+00 : f32
    %max3A_4 = vector.broadcast %max3A : f32 to vector<1000x1xf32>
    %max3A_5 = arith.maximumf %get3A_3, %max3A_4 : vector<1000x1xf32>
    %div3A = arith.constant 1.000000e+00 : f32
    %div3A_6 = vector.broadcast %div3A : f32 to vector<1000x1xf32>
    %div3A_7 = arith.divf %div3A_6, %max3A_5 : vector<1000x1xf32>
    %get3A_8 = arith.constant 0 : index
    %get3A_9 = arith.constant 0 : index
    %get3A_10 = arith.constant 0 : index
    %get3A_11 = vector.load %arg1[%get3A_8, %get3A_9, %get3A_10] : memref<1x1000x128xf32, #tpu.memory_space<vmem>>, vector<1x1000x128xf32>
    %get3A_12 = vector.shape_cast %get3A_11 : vector<1x1000x128xf32> to vector<1000x128xf32>
    %mul3A = vector.broadcast %div3A_7 : vector<1000x1xf32> to vector<1000x128xf32>
    %mul3A_13 = arith.mulf %get3A_12, %mul3A : vector<1000x128xf32>
    %get3A_14 = arith.constant 0 : index
    %get3A_15 = arith.constant 0 : index
    %get3A_16 = vector.load %arg5[%get3A_14, %get3A_15] : memref<256x256xf32, #tpu.memory_space<vmem>>, vector<128x256xf32>
    %dot_general3A = arith.constant dense<0.000000e+00> : vector<1000x256xf32>
    %dot_general3A_17 = tpu.matmul %mul3A_13, %get3A_16, %dot_general3A {dimension_numbers = #tpu.dot_dimension_numbers<[1], [0], [0], [1], [0, 0, 1, 1], [], []>, transpose_lhs_hint = false} : vector<1000x128xf32>, vector<128x256xf32>, vector<1000x256xf32> -> vector<1000x256xf32>
    %get3A_18 = arith.constant 0 : index
    %get3A_19 = arith.constant 0 : index
    %get3A_20 = arith.constant 0 : index
    %get3A_21 = vector.load %arg2[%get3A_18, %get3A_19, %get3A_20] : memref<1x1000x128xf32, #tpu.memory_space<vmem>>, vector<1x1000x128xf32>
    %get3A_22 = vector.shape_cast %get3A_21 : vector<1x1000x128xf32> to vector<1000x128xf32>
    %mul3A_23 = vector.broadcast %div3A_7 : vector<1000x1xf32> to vector<1000x128xf32>
    %mul3A_24 = arith.mulf %get3A_22, %mul3A_23 : vector<1000x128xf32>
    %get3A_25 = arith.constant 128 : index
    %get3A_26 = arith.constant 0 : index
    %get3A_27 = vector.load %arg5[%get3A_25, %get3A_26] : memref<256x256xf32, #tpu.memory_space<vmem>>, vector<128x256xf32>
    %dot_general3A_28 = arith.constant dense<0.000000e+00> : vector<1000x256xf32>
    %dot_general3A_29 = tpu.matmul %mul3A_24, %get3A_27, %dot_general3A_28 {dimension_numbers = #tpu.dot_dimension_numbers<[1], [0], [0], [1], [0, 0, 1, 1], [], []>, transpose_lhs_hint = false} : vector<1000x128xf32>, vector<128x256xf32>, vector<1000x256xf32> -> vector<1000x256xf32>
    %add3A = arith.addf %dot_general3A_17, %dot_general3A_29 : vector<1000x256xf32>
    %get3A_30 = arith.constant 0 : index
    %get3A_31 = arith.constant 0 : index
    %get3A_32 = vector.load %arg6[%get3A_30, %get3A_31] : memref<1x256xf32, #tpu.memory_space<vmem>>, vector<1x256xf32>
    %add3A_33 = vector.broadcast %get3A_32 : vector<1x256xf32> to vector<1000x256xf32>
    %add3A_34 = arith.addf %add3A, %add3A_33 : vector<1000x256xf32>
    %get3A_35 = arith.constant 0 : index
    %get3A_36 = arith.constant 0 : index
    %get3A_37 = arith.constant 0 : index
    %get3A_38 = vector.load %arg4[%get3A_35, %get3A_36, %get3A_37] : memref<2x1000x128xf32, #tpu.memory_space<vmem>>, vector<1x1000x128xf32>
    %get3A_39 = vector.shape_cast %get3A_38 : vector<1x1000x128xf32> to vector<1000x128xf32>
    %get3A_40 = arith.constant 0 : index
    %get3A_41 = arith.constant 0 : index
    %get3A_42 = vector.load %arg7[%get3A_40, %get3A_41] : memref<256x256xf32, #tpu.memory_space<vmem>>, vector<128x256xf32>
    %dot_general3A_43 = arith.constant dense<0.000000e+00> : vector<1000x256xf32>
    %dot_general3A_44 = tpu.matmul %get3A_39, %get3A_42, %dot_general3A_43 {dimension_numbers = #tpu.dot_dimension_numbers<[1], [0], [0], [1], [0, 0, 1, 1], [], []>, transpose_lhs_hint = false} : vector<1000x128xf32>, vector<128x256xf32>, vector<1000x256xf32> -> vector<1000x256xf32>
    %add3A_45 = arith.addf %add3A_34, %dot_general3A_44 : vector<1000x256xf32>
    %get3A_46 = arith.constant 1 : index
    %get3A_47 = arith.constant 0 : index
    %get3A_48 = arith.constant 0 : index
    %get3A_49 = vector.load %arg4[%get3A_46, %get3A_47, %get3A_48] : memref<2x1000x128xf32, #tpu.memory_space<vmem>>, vector<1x1000x128xf32>
    %get3A_50 = vector.shape_cast %get3A_49 : vector<1x1000x128xf32> to vector<1000x128xf32>
    %get3A_51 = arith.constant 128 : index
    %get3A_52 = arith.constant 0 : index
    %get3A_53 = vector.load %arg7[%get3A_51, %get3A_52] : memref<256x256xf32, #tpu.memory_space<vmem>>, vector<128x256xf32>
    %dot_general3A_54 = arith.constant dense<0.000000e+00> : vector<1000x256xf32>
    %dot_general3A_55 = tpu.matmul %get3A_50, %get3A_53, %dot_general3A_54 {dimension_numbers = #tpu.dot_dimension_numbers<[1], [0], [0], [1], [0, 0, 1, 1], [], []>, transpose_lhs_hint = false} : vector<1000x128xf32>, vector<128x256xf32>, vector<1000x256xf32> -> vector<1000x256xf32>
    %add3A_56 = arith.addf %add3A_45, %dot_general3A_55 : vector<1000x256xf32>
    %max3A_57 = arith.constant 0.000000e+00 : f32
    %max3A_58 = vector.broadcast %max3A_57 : f32 to vector<1000x256xf32>
    %max3A_59 = arith.maximumf %add3A_56, %max3A_58 : vector<1000x256xf32>
    %get3A_60 = arith.constant 0 : index
    %get3A_61 = arith.constant 0 : index
    %get3A_62 = vector.load %arg8[%get3A_60, %get3A_61] : memref<256x128xf32, #tpu.memory_space<vmem>>, vector<256x128xf32>
    %dot_general3A_63 = arith.constant dense<0.000000e+00> : vector<1000x128xf32>
    %dot_general3A_64 = tpu.matmul %max3A_59, %get3A_62, %dot_general3A_63 {dimension_numbers = #tpu.dot_dimension_numbers<[1], [0], [0], [1], [0, 0, 1, 1], [], []>, transpose_lhs_hint = false} : vector<1000x256xf32>, vector<256x128xf32>, vector<1000x128xf32> -> vector<1000x128xf32>
    %get3A_65 = arith.constant 0 : index
    %get3A_66 = arith.constant 0 : index
    %get3A_67 = vector.load %arg9[%get3A_65, %get3A_66] : memref<1x128xf32, #tpu.memory_space<vmem>>, vector<1x128xf32>
    %add3A_68 = vector.broadcast %get3A_67 : vector<1x128xf32> to vector<1000x128xf32>
    %add3A_69 = arith.addf %dot_general3A_64, %add3A_68 : vector<1000x128xf32>
    %swap3A = arith.constant 0 : index
    %swap3A_70 = arith.constant 0 : index
    %swap3A_71 = vector.load %arg10[%swap3A, %swap3A_70] : memref<1000x128xf32, #tpu.memory_space<vmem>>, vector<1000x128xf32>
    tpu.vector_store %arg10[%swap3A, %swap3A_70], %add3A_69 {strides = array<i32>} : memref<1000x128xf32, #tpu.memory_space<vmem>>, vector<1000x128xf32>,
    return
  }
  func.func @transform_0(%arg0: i32) -> (i32, i32, i32) {
    %jit3A = arith.constant 5 : i32
    %div3A = arith.divsi %arg0, %jit3A : i32
    %sign3A = arith.constant 0 : i32
    %sign3A_0 = arith.cmpi sgt, %arg0, %sign3A : i32
    %sign3A_1 = arith.extui %sign3A_0 : i1 to i32
    %sign3A_2 = arith.constant 0 : i32
    %sign3A_3 = arith.cmpi slt, %arg0, %sign3A_2 : i32
    %sign3A_4 = arith.extui %sign3A_3 : i1 to i32
    %sign3A_5 = arith.subi %sign3A_1, %sign3A_4 : i32
    %sign3A_6 = arith.constant 0 : i32
    %sign3A_7 = arith.cmpi sgt, %jit3A, %sign3A_6 : i32
    %sign3A_8 = arith.extui %sign3A_7 : i1 to i32
    %sign3A_9 = arith.constant 0 : i32
    %sign3A_10 = arith.cmpi slt, %jit3A, %sign3A_9 : i32
    %sign3A_11 = arith.extui %sign3A_10 : i1 to i32
    %sign3A_12 = arith.subi %sign3A_8, %sign3A_11 : i32
    %ne3A = arith.cmpi ne, %sign3A_5, %sign3A_12 : i32
    %rem3A = arith.remsi %arg0, %jit3A : i32
    %ne3A_13 = arith.constant 0 : i32
    %ne3A_14 = arith.cmpi ne, %rem3A, %ne3A_13 : i32
    %and3A = arith.andi %ne3A, %ne3A_14 : i1
    %sub3A = arith.constant 1 : i32
    %sub3A_15 = arith.subi %div3A, %sub3A : i32
    %select_n3A = arith.select %and3A, %sub3A_15, %div3A : i32
    %add3A = arith.constant 0 : i32
    %add3A_16 = arith.addi %add3A, %select_n3A : i32
    %jit3A_17 = arith.constant 5 : i32
    %eq3A = arith.constant 0 : i32
    %eq3A_18 = arith.cmpi eq, %jit3A_17, %eq3A : i32
    %jit3A_19 = arith.constant 1 : i32
    %select_n3A_20 = arith.select %eq3A_18, %jit3A_19, %jit3A_17 : i32
    %rem3A_21 = arith.remsi %arg0, %select_n3A_20 : i32
    %ne3A_22 = arith.constant 0 : i32
    %ne3A_23 = arith.cmpi ne, %rem3A_21, %ne3A_22 : i32
    %lt3A = arith.constant 0 : i32
    %lt3A_24 = arith.cmpi slt, %rem3A_21, %lt3A : i32
    %lt3A_25 = arith.constant 0 : i32
    %lt3A_26 = arith.cmpi slt, %select_n3A_20, %lt3A_25 : i32
    %ne3A_27 = arith.xori %lt3A_24, %lt3A_26 : i1
    %and3A_28 = arith.andi %ne3A_27, %ne3A_23 : i1
    %add3A_29 = arith.addi %rem3A_21, %select_n3A_20 : i32
    %select_n3A_30 = arith.select %and3A_28, %add3A_29, %rem3A_21 : i32
    %c0_i32 = arith.constant 0 : i32
    %c0_i32_31 = arith.constant 0 : i32
    return %add3A_16, %select_n3A_30, %c0_i32 : i32, i32, i32
  }
  func.func @transform_1(%arg0: i32) -> (i32, i32, i32) {
    %jit3A = arith.constant 5 : i32
    %div3A = arith.divsi %arg0, %jit3A : i32
    %sign3A = arith.constant 0 : i32
    %sign3A_0 = arith.cmpi sgt, %arg0, %sign3A : i32
    %sign3A_1 = arith.extui %sign3A_0 : i1 to i32
    %sign3A_2 = arith.constant 0 : i32
    %sign3A_3 = arith.cmpi slt, %arg0, %sign3A_2 : i32
    %sign3A_4 = arith.extui %sign3A_3 : i1 to i32
    %sign3A_5 = arith.subi %sign3A_1, %sign3A_4 : i32
    %sign3A_6 = arith.constant 0 : i32
    %sign3A_7 = arith.cmpi sgt, %jit3A, %sign3A_6 : i32
    %sign3A_8 = arith.extui %sign3A_7 : i1 to i32
    %sign3A_9 = arith.constant 0 : i32
    %sign3A_10 = arith.cmpi slt, %jit3A, %sign3A_9 : i32
    %sign3A_11 = arith.extui %sign3A_10 : i1 to i32
    %sign3A_12 = arith.subi %sign3A_8, %sign3A_11 : i32
    %ne3A = arith.cmpi ne, %sign3A_5, %sign3A_12 : i32
    %rem3A = arith.remsi %arg0, %jit3A : i32
    %ne3A_13 = arith.constant 0 : i32
    %ne3A_14 = arith.cmpi ne, %rem3A, %ne3A_13 : i32
    %and3A = arith.andi %ne3A, %ne3A_14 : i1
    %sub3A = arith.constant 1 : i32
    %sub3A_15 = arith.subi %div3A, %sub3A : i32
    %select_n3A = arith.select %and3A, %sub3A_15, %div3A : i32
    %add3A = arith.constant 2 : i32
    %add3A_16 = arith.addi %add3A, %select_n3A : i32
    %jit3A_17 = arith.constant 5 : i32
    %eq3A = arith.constant 0 : i32
    %eq3A_18 = arith.cmpi eq, %jit3A_17, %eq3A : i32
    %jit3A_19 = arith.constant 1 : i32
    %select_n3A_20 = arith.select %eq3A_18, %jit3A_19, %jit3A_17 : i32
    %rem3A_21 = arith.remsi %arg0, %select_n3A_20 : i32
    %ne3A_22 = arith.constant 0 : i32
    %ne3A_23 = arith.cmpi ne, %rem3A_21, %ne3A_22 : i32
    %lt3A = arith.constant 0 : i32
    %lt3A_24 = arith.cmpi slt, %rem3A_21, %lt3A : i32
    %lt3A_25 = arith.constant 0 : i32
    %lt3A_26 = arith.cmpi slt, %select_n3A_20, %lt3A_25 : i32
    %ne3A_27 = arith.xori %lt3A_24, %lt3A_26 : i1
    %and3A_28 = arith.andi %ne3A_27, %ne3A_23 : i1
    %add3A_29 = arith.addi %rem3A_21, %select_n3A_20 : i32
    %select_n3A_30 = arith.select %and3A_28, %add3A_29, %rem3A_21 : i32
    %c0_i32 = arith.constant 0 : i32
    %c0_i32_31 = arith.constant 0 : i32
    return %add3A_16, %select_n3A_30, %c0_i32 : i32, i32, i32
  }
  func.func @transform_2(%arg0: i32) -> (i32, i32, i32) {
    %jit3A = arith.constant 5 : i32
    %div3A = arith.divsi %arg0, %jit3A : i32
    %sign3A = arith.constant 0 : i32
    %sign3A_0 = arith.cmpi sgt, %arg0, %sign3A : i32
    %sign3A_1 = arith.extui %sign3A_0 : i1 to i32
    %sign3A_2 = arith.constant 0 : i32
    %sign3A_3 = arith.cmpi slt, %arg0, %sign3A_2 : i32
    %sign3A_4 = arith.extui %sign3A_3 : i1 to i32
    %sign3A_5 = arith.subi %sign3A_1, %sign3A_4 : i32
    %sign3A_6 = arith.constant 0 : i32
    %sign3A_7 = arith.cmpi sgt, %jit3A, %sign3A_6 : i32
    %sign3A_8 = arith.extui %sign3A_7 : i1 to i32
    %sign3A_9 = arith.constant 0 : i32
    %sign3A_10 = arith.cmpi slt, %jit3A, %sign3A_9 : i32
    %sign3A_11 = arith.extui %sign3A_10 : i1 to i32
    %sign3A_12 = arith.subi %sign3A_8, %sign3A_11 : i32
    %ne3A = arith.cmpi ne, %sign3A_5, %sign3A_12 : i32
    %rem3A = arith.remsi %arg0, %jit3A : i32
    %ne3A_13 = arith.constant 0 : i32
    %ne3A_14 = arith.cmpi ne, %rem3A, %ne3A_13 : i32
    %and3A = arith.andi %ne3A, %ne3A_14 : i1
    %sub3A = arith.constant 1 : i32
    %sub3A_15 = arith.subi %div3A, %sub3A : i32
    %select_n3A = arith.select %and3A, %sub3A_15, %div3A : i32
    %add3A = arith.constant 2 : i32
    %add3A_16 = arith.addi %add3A, %select_n3A : i32
    %jit3A_17 = arith.constant 5 : i32
    %eq3A = arith.constant 0 : i32
    %eq3A_18 = arith.cmpi eq, %jit3A_17, %eq3A : i32
    %jit3A_19 = arith.constant 1 : i32
    %select_n3A_20 = arith.select %eq3A_18, %jit3A_19, %jit3A_17 : i32
    %rem3A_21 = arith.remsi %arg0, %select_n3A_20 : i32
    %ne3A_22 = arith.constant 0 : i32
    %ne3A_23 = arith.cmpi ne, %rem3A_21, %ne3A_22 : i32
    %lt3A = arith.constant 0 : i32
    %lt3A_24 = arith.cmpi slt, %rem3A_21, %lt3A : i32
    %lt3A_25 = arith.constant 0 : i32
    %lt3A_26 = arith.cmpi slt, %select_n3A_20, %lt3A_25 : i32
    %ne3A_27 = arith.xori %lt3A_24, %lt3A_26 : i1
    %and3A_28 = arith.andi %ne3A_27, %ne3A_23 : i1
    %add3A_29 = arith.addi %rem3A_21, %select_n3A_20 : i32
    %select_n3A_30 = arith.select %and3A_28, %add3A_29, %rem3A_21 : i32
    %c0_i32 = arith.constant 0 : i32
    %c0_i32_31 = arith.constant 0 : i32
    return %add3A_16, %select_n3A_30, %c0_i32 : i32, i32, i32
  }
  func.func @transform_3(%arg0: i32) -> (i32, i32, i32) {
    %c0_i32 = arith.constant 0 : i32
    %c0_i32_0 = arith.constant 0 : i32
    %c0_i32_1 = arith.constant 0 : i32
    return %c0_i32, %arg0, %c0_i32_0 : i32, i32, i32
  }
  func.func @transform_4(%arg0: i32) -> (i32, i32) {
    %c0_i32 = arith.constant 0 : i32
    %c0_i32_0 = arith.constant 0 : i32
    %c0_i32_1 = arith.constant 0 : i32
    return %c0_i32, %c0_i32_0 : i32, i32
  }
  func.func @transform_5(%arg0: i32) -> (i32, i32) {
    %c0_i32 = arith.constant 0 : i32
    %c0_i32_0 = arith.constant 0 : i32
    %c0_i32_1 = arith.constant 0 : i32
    return %c0_i32, %c0_i32_0 : i32, i32
  }
  func.func @transform_6(%arg0: i32) -> (i32, i32) {
    %c0_i32 = arith.constant 0 : i32
    %c0_i32_0 = arith.constant 0 : i32
    %c0_i32_1 = arith.constant 0 : i32
    return %c0_i32, %c0_i32_0 : i32, i32
  }
  func.func @transform_7(%arg0: i32) -> (i32, i32) {
    %c0_i32 = arith.constant 0 : i32
    %c0_i32_0 = arith.constant 0 : i32
    %c0_i32_1 = arith.constant 0 : i32
    return %c0_i32, %c0_i32_0 : i32, i32
  }
  func.func @transform_8(%arg0: i32) -> (i32, i32) {
    %c0_i32 = arith.constant 0 : i32
    %c0_i32_0 = arith.constant 0 : i32
    %c0_i32_1 = arith.constant 0 : i32
    return %c0_i32, %c0_i32_0 : i32, i32
  }
  func.func @transform_9(%arg0: i32) -> (i32, i32) {
    %c0_i32 = arith.constant 0 : i32
    %c0_i32_0 = arith.constant 0 : i32
    return %arg0, %c0_i32 : i32, i32
  }
}

module attributes {stable_mosaic.version = 14 : i64} {
  func.func @_tc3_body(%arg0: i32, %arg1: memref<1x1000x128xf32, #tpu.memory_space<vmem>>, %arg2: memref<1x1000x128xf32, #tpu.memory_space<vmem>>, %arg3: memref<1000x128xf32, #tpu.memory_space<vmem>>, %arg4: memref<1000x64xf32, #tpu.memory_space<vmem>>) attributes {dimension_semantics = [#tpu.dimension_semantics<arbitrary>], iteration_bounds = array<i64: 10>, scalar_prefetch = 0 : i64, scratch_operands = 0 : i64, tpu.core_type = #tpu.core_type<tc>, window_params = [{transform_indices = @transform_0, window_bounds = array<i64: 1, 1000, 128>}, {transform_indices = @transform_1, window_bounds = array<i64: 1, 1000, 128>}, {transform_indices = @transform_2, window_bounds = array<i64: 1000, 128>}, {transform_indices = @transform_3, window_bounds = array<i64: 1000, 64>}]} {
    %get3A = arith.constant 0 : index
    %get3A_0 = arith.constant 0 : index
    %get3A_1 = arith.constant 0 : index
    %get3A_2 = vector.load %arg1[%get3A, %get3A_0, %get3A_1] : memref<1x1000x128xf32, #tpu.memory_space<vmem>>, vector<1x1000x64xf32>
    %get3A_3 = vector.shape_cast %get3A_2 : vector<1x1000x64xf32> to vector<1000x64xf32>
    %get3A_4 = arith.constant 0 : index
    %get3A_5 = arith.constant 0 : index
    %get3A_6 = arith.constant 0 : index
    %get3A_7 = vector.load %arg2[%get3A_4, %get3A_5, %get3A_6] : memref<1x1000x128xf32, #tpu.memory_space<vmem>>, vector<1x1000x1xf32>
    %get3A_8 = vector.shape_cast %get3A_7 : vector<1x1000x1xf32> to vector<1000x1xf32>
    %max3A = arith.constant 1.000000e+00 : f32
    %max3A_9 = vector.broadcast %max3A : f32 to vector<1000x1xf32>
    %max3A_10 = arith.maximumf %get3A_8, %max3A_9 : vector<1000x1xf32>
    %div3A = arith.constant 1.000000e+00 : f32
    %div3A_11 = vector.broadcast %div3A : f32 to vector<1000x1xf32>
    %div3A_12 = arith.divf %div3A_11, %max3A_10 : vector<1000x1xf32>
    %mul3A = vector.broadcast %div3A_12 : vector<1000x1xf32> to vector<1000x64xf32>
    %mul3A_13 = arith.mulf %get3A_3, %mul3A : vector<1000x64xf32>
    %get3A_14 = arith.constant 0 : index
    %get3A_15 = arith.constant 64 : index
    %get3A_16 = vector.load %arg3[%get3A_14, %get3A_15] : memref<1000x128xf32, #tpu.memory_space<vmem>>, vector<1000x64xf32>
    %add3A = arith.addf %mul3A_13, %get3A_16 : vector<1000x64xf32>
    %swap3A = arith.constant 0 : index
    %swap3A_17 = arith.constant 0 : index
    %swap3A_18 = vector.load %arg4[%swap3A, %swap3A_17] : memref<1000x64xf32, #tpu.memory_space<vmem>>, vector<1000x64xf32>
    tpu.vector_store %arg4[%swap3A, %swap3A_17], %add3A {strides = array<i32>} : memref<1000x64xf32, #tpu.memory_space<vmem>>, vector<1000x64xf32>,
    return
  }
  func.func @transform_0(%arg0: i32) -> (i32, i32, i32) {
    %jit3A = arith.constant 5 : i32
    %div3A = arith.divsi %arg0, %jit3A : i32
    %sign3A = arith.constant 0 : i32
    %sign3A_0 = arith.cmpi sgt, %arg0, %sign3A : i32
    %sign3A_1 = arith.extui %sign3A_0 : i1 to i32
    %sign3A_2 = arith.constant 0 : i32
    %sign3A_3 = arith.cmpi slt, %arg0, %sign3A_2 : i32
    %sign3A_4 = arith.extui %sign3A_3 : i1 to i32
    %sign3A_5 = arith.subi %sign3A_1, %sign3A_4 : i32
    %sign3A_6 = arith.constant 0 : i32
    %sign3A_7 = arith.cmpi sgt, %jit3A, %sign3A_6 : i32
    %sign3A_8 = arith.extui %sign3A_7 : i1 to i32
    %sign3A_9 = arith.constant 0 : i32
    %sign3A_10 = arith.cmpi slt, %jit3A, %sign3A_9 : i32
    %sign3A_11 = arith.extui %sign3A_10 : i1 to i32
    %sign3A_12 = arith.subi %sign3A_8, %sign3A_11 : i32
    %ne3A = arith.cmpi ne, %sign3A_5, %sign3A_12 : i32
    %rem3A = arith.remsi %arg0, %jit3A : i32
    %ne3A_13 = arith.constant 0 : i32
    %ne3A_14 = arith.cmpi ne, %rem3A, %ne3A_13 : i32
    %and3A = arith.andi %ne3A, %ne3A_14 : i1
    %sub3A = arith.constant 1 : i32
    %sub3A_15 = arith.subi %div3A, %sub3A : i32
    %select_n3A = arith.select %and3A, %sub3A_15, %div3A : i32
    %add3A = arith.constant 0 : i32
    %add3A_16 = arith.addi %add3A, %select_n3A : i32
    %jit3A_17 = arith.constant 5 : i32
    %eq3A = arith.constant 0 : i32
    %eq3A_18 = arith.cmpi eq, %jit3A_17, %eq3A : i32
    %jit3A_19 = arith.constant 1 : i32
    %select_n3A_20 = arith.select %eq3A_18, %jit3A_19, %jit3A_17 : i32
    %rem3A_21 = arith.remsi %arg0, %select_n3A_20 : i32
    %ne3A_22 = arith.constant 0 : i32
    %ne3A_23 = arith.cmpi ne, %rem3A_21, %ne3A_22 : i32
    %lt3A = arith.constant 0 : i32
    %lt3A_24 = arith.cmpi slt, %rem3A_21, %lt3A : i32
    %lt3A_25 = arith.constant 0 : i32
    %lt3A_26 = arith.cmpi slt, %select_n3A_20, %lt3A_25 : i32
    %ne3A_27 = arith.xori %lt3A_24, %lt3A_26 : i1
    %and3A_28 = arith.andi %ne3A_27, %ne3A_23 : i1
    %add3A_29 = arith.addi %rem3A_21, %select_n3A_20 : i32
    %select_n3A_30 = arith.select %and3A_28, %add3A_29, %rem3A_21 : i32
    %c0_i32 = arith.constant 0 : i32
    %c0_i32_31 = arith.constant 0 : i32
    return %add3A_16, %select_n3A_30, %c0_i32 : i32, i32, i32
  }
  func.func @transform_1(%arg0: i32) -> (i32, i32, i32) {
    %jit3A = arith.constant 5 : i32
    %div3A = arith.divsi %arg0, %jit3A : i32
    %sign3A = arith.constant 0 : i32
    %sign3A_0 = arith.cmpi sgt, %arg0, %sign3A : i32
    %sign3A_1 = arith.extui %sign3A_0 : i1 to i32
    %sign3A_2 = arith.constant 0 : i32
    %sign3A_3 = arith.cmpi slt, %arg0, %sign3A_2 : i32
    %sign3A_4 = arith.extui %sign3A_3 : i1 to i32
    %sign3A_5 = arith.subi %sign3A_1, %sign3A_4 : i32
    %sign3A_6 = arith.constant 0 : i32
    %sign3A_7 = arith.cmpi sgt, %jit3A, %sign3A_6 : i32
    %sign3A_8 = arith.extui %sign3A_7 : i1 to i32
    %sign3A_9 = arith.constant 0 : i32
    %sign3A_10 = arith.cmpi slt, %jit3A, %sign3A_9 : i32
    %sign3A_11 = arith.extui %sign3A_10 : i1 to i32
    %sign3A_12 = arith.subi %sign3A_8, %sign3A_11 : i32
    %ne3A = arith.cmpi ne, %sign3A_5, %sign3A_12 : i32
    %rem3A = arith.remsi %arg0, %jit3A : i32
    %ne3A_13 = arith.constant 0 : i32
    %ne3A_14 = arith.cmpi ne, %rem3A, %ne3A_13 : i32
    %and3A = arith.andi %ne3A, %ne3A_14 : i1
    %sub3A = arith.constant 1 : i32
    %sub3A_15 = arith.subi %div3A, %sub3A : i32
    %select_n3A = arith.select %and3A, %sub3A_15, %div3A : i32
    %add3A = arith.constant 2 : i32
    %add3A_16 = arith.addi %add3A, %select_n3A : i32
    %jit3A_17 = arith.constant 5 : i32
    %eq3A = arith.constant 0 : i32
    %eq3A_18 = arith.cmpi eq, %jit3A_17, %eq3A : i32
    %jit3A_19 = arith.constant 1 : i32
    %select_n3A_20 = arith.select %eq3A_18, %jit3A_19, %jit3A_17 : i32
    %rem3A_21 = arith.remsi %arg0, %select_n3A_20 : i32
    %ne3A_22 = arith.constant 0 : i32
    %ne3A_23 = arith.cmpi ne, %rem3A_21, %ne3A_22 : i32
    %lt3A = arith.constant 0 : i32
    %lt3A_24 = arith.cmpi slt, %rem3A_21, %lt3A : i32
    %lt3A_25 = arith.constant 0 : i32
    %lt3A_26 = arith.cmpi slt, %select_n3A_20, %lt3A_25 : i32
    %ne3A_27 = arith.xori %lt3A_24, %lt3A_26 : i1
    %and3A_28 = arith.andi %ne3A_27, %ne3A_23 : i1
    %add3A_29 = arith.addi %rem3A_21, %select_n3A_20 : i32
    %select_n3A_30 = arith.select %and3A_28, %add3A_29, %rem3A_21 : i32
    %c0_i32 = arith.constant 0 : i32
    %c0_i32_31 = arith.constant 0 : i32
    return %add3A_16, %select_n3A_30, %c0_i32 : i32, i32, i32
  }
  func.func @transform_2(%arg0: i32) -> (i32, i32) {
    %c0_i32 = arith.constant 0 : i32
    %c0_i32_0 = arith.constant 0 : i32
    return %arg0, %c0_i32 : i32, i32
  }
  func.func @transform_3(%arg0: i32) -> (i32, i32) {
    %c0_i32 = arith.constant 0 : i32
    %c0_i32_0 = arith.constant 0 : i32
    return %arg0, %c0_i32 : i32, i32
  }
}

</mosaic_0001>

<sc_bundles>
// kernel: kernel.11.cloned.1.call-start
scs
__scs_entry_jumppad:
0x0: {  	(pc) =	sbr.rel $0x88, $3  }
0x1: {  	(tag) =	ssettag $0x0;
	lr =	simm.s32 $0x1  }
0x2: {  	[smem:$0x3F96] =	sst lr;
	_ =	strace $0xD0000000  }
0x3: {  	_ = 	snop  }
0x4: {  	_ = 	snop  }
0x5: {  	_ = 	snop  }
0x6: {  	_ = 	snop  }
0x7: {  	_ = 	snop  }
__scs_overlays_trampoline_lowered:
0x8: {  	[smem:$0x3FA5] =	sst s0  }
0x9: {  	[smem:$0x3FA6] =	sst s1  }
0xa: {  	[smem:$0x3FA7] =	sst s2  }
0xb: {  	[smem:$0x3FA8] =	sst s3  }
0xc: {  	[smem:$0x3FA9] =	sst s4  }
0xd: {  	[smem:$0x3FAA] =	sst s5  }
0xe: {  	[smem:$0x3FAB] =	sst s6  }
0xf: {  	[smem:$0x3FAC] =	sst s7  }
0x10: {  	[smem:$0x3FAD] =	sst s8  }
0x11: {  	[smem:$0x3FAE] =	sst s9;
	s0 =	simm.s32 @!p0 $0x0  }
0x12: {  	s1 =	sld [smem:$0x3F94];
	s0 =	simm.s32 @p0 $0x1  }
0x13: {  	[smem:$0x3FAF] =	sst s0;
	s0 =	simm.s32 @!p1 $0x0  }
0x14: {  	s2 =	sld [smem:$0x3F93];
	s0 =	simm.s32 @p1 $0x1  }
0x15: {  	[smem:$0x3FB0] =	sst s0;
	s0 =	simm.s32 @!p2 $0x0  }
0x16: {  	s3 =	sld [smem:$0x3FDB];
	s0 =	simm.s32 @p2 $0x1  }
0x17: {  	s4 =	simm.s32 $0x1BF5;
	[smem:$0x3FB2] =	sst s0  }
0x18: {  	s0 =	sld [smem:$0x3F95];
	_ =	swait.ge [sflag:s4], $0x0  }
0x19: {  	s7 =	sld [smem:$0x3F96]  }
0x1a: {  	s8 =	sadd.s32 $0xFFFFE003, lr  }
0x1b: {  	s9 =	sadd.s32 $0xFFFFFEF7, lr;
	s5 =	simm.s32 $0xFFFFFFFF;
	p2 =	slt.u32 s8, $0xFFFFF086  }
0x1c: {  	p1 =	slt.u32 s9, $0xF7A;
	s5 =	simm.s32 @!p2 $0x0  }
0x1d: {  	s5 =	simm.s32 @p1 $0x1;
	p0 =	seq.s32 s7, s2  }
0x1e: {  	s7 =	smul.u32 @!p0 $0xF7A, s2;
	p2 =	seq.s32 @!p0 s5, $0x0  }
0x1f: {  	s9 =	smul.u32 $0xF7A, s1;
	s8 =	simm.s32 @!p0 $0x1BF5;
	p2 =	por !p2, p0  }
0x20: {  	[sflag:s8] =	ssyncset.s32 @!p0 $0xFFFFF086;
	s6 =	sadd.s32 @!p0 s3, s7;
	s7 =	simm.s32 @!p0 $0x108  }
0x21: {  	s3 =	sadd.s32 s3, s9;
	s6 =	sadd.s32 @!p0 $0x88, s6;
	s7 =	simm.s32 @p2 $0x1082  }
0x22: {  	[simem:s7], [sflag:s8] =	dma.local @!p0 [hbm:s6], $0xF7A  }
0x23: {  	s9 =	sor.u32 $0xD0000000, s2;
	s6 =	simm.s32 $0x108;
	_ =	swait.ge @!p0 [sflag:s8], $0x0  }
0x24: {  	s3 =	sadd.s32 $0x88, s3;
	s6 =	simm.s32 @!p1 $0x1082;
	[sflag:s4] =	ssyncset.s32 $0xFFFFF086  }
0x25: {  	[simem:s6], [sflag:s4] =	dma.local [hbm:s3], $0xF7A  }
0x26: {  	[smem:$0x3F96] =	sst s1;
	(tag) =	ssettag s2;
	_ =	strace s9  }
0x27: {  	s1 =	sld [smem:$0x3FA6]  }
0x28: {  	s2 =	sld [smem:$0x3FA7]  }
0x29: {  	s4 =	sld [smem:$0x3FA9]  }
0x2a: {  	p0 =	seq.s32 s5, $0x0;
	s5 =	sld [smem:$0x3FAA]  }
0x2b: {  	s6 =	sld [smem:$0x3FAB]  }
0x2c: {  	s7 =	sld [smem:$0x3FAC]  }
0x2d: {  	s3 =	simm.s32 $0x108;
	s8 =	sld [smem:$0x3FAD]  }
0x2e: {  	s3 =	simm.s32 @!p0 $0x1082;
	s9 =	sld [smem:$0x3FAE]  }
0x2f: {  	lr =	sadd.s32 s0, s3;
	s0 =	sld [smem:$0x3FA5]  }
0x30: {  	s3 =	sld [smem:$0x3FA8]  }
0x31: {  	[smem:$0x3FB1] =	sst s10  }
0x32: {  	s10 =	sld [smem:$0x3FAF];
	_ =	sdelay $0x3  }
0x33: {  	p0 =	seq.s32 s10, $0x1;
	s10 =	sld [smem:$0x3FB1];
	_ =	sdelay $0x3  }
0x34: {  	[smem:$0x3FB1] =	sst s10  }
0x35: {  	s10 =	sld [smem:$0x3FB0];
	_ =	sdelay $0x3  }
0x36: {  	p1 =	seq.s32 s10, $0x1;
	s10 =	sld [smem:$0x3FB1];
	_ =	sdelay $0x3  }
0x37: {  	[smem:$0x3FB1] =	sst s10  }
0x38: {  	s10 =	sld [smem:$0x3FB2]  }
0x39: {  	_ = 	snop;
	(pc) =	sbr.ind lr, $3  }
0x3a: {  	_ = 	snop  }
0x3b: {  	_ = 	snop  }
0x3c: {  	p2 =	seq.s32 s10, $0x1;
	s10 =	sld [smem:$0x3FB1]  }
0x3d: {  	_ =	shalt  }
0x3e: {  	_ =	shalt  }
0x3f: {  	_ =	shalt  }
0x40: {  	_ =	shalt  }
0x41: {  	_ =	shalt  }
0x42: {  	_ =	shalt  }
0x43: {  	_ =	shalt  }
0x44: {  	_ =	shalt  }
0x45: {  	_ =	shalt  }
0x46: {  	_ =	shalt  }
0x47: {  	_ =	shalt  }
0x48: {  	_ =	shalt  }
0x49: {  	_ =	shalt  }
0x4a: {  	_ =	shalt  }
0x4b: {  	_ =	shalt  }
0x4c: {  	_ =	shalt  }
0x4d: {  	_ =	shalt  }
0x4e: {  	_ =	shalt  }
0x4f: {  	_ =	shalt  }
0x50: {  	_ =	shalt  }
0x51: {  	_ =	shalt  }
0x52: {  	_ =	shalt  }
0x53: {  	_ =	shalt  }
0x54: {  	_ =	shalt  }
0x55: {  	_ =	shalt  }
0x56: {  	_ =	shalt  }
0x57: {  	_ =	shalt  }
0x58: {  	_ =	shalt  }
0x59: {  	_ =	shalt  }
0x5a: {  	_ =	shalt  }
0x5b: {  	_ =	shalt  }
0x5c: {  	_ =	shalt  }
0x5d: {  	_ =	shalt  }
0x5e: {  	_ =	shalt  }
0x5f: {  	_ =	shalt  }
0x60: {  	_ =	shalt  }
0x61: {  	_ =	shalt  }
0x62: {  	_ =	shalt  }
0x63: {  	_ =	shalt  }
0x64: {  	_ =	shalt  }
0x65: {  	_ =	shalt  }
0x66: {  	_ =	shalt  }
0x67: {  	_ =	shalt  }
0x68: {  	_ =	shalt  }
0x69: {  	_ =	shalt  }
0x6a: {  	_ =	shalt  }
0x6b: {  	_ =	shalt  }
0x6c: {  	_ =	shalt  }
0x6d: {  	_ =	shalt  }
0x6e: {  	_ =	shalt  }
0x6f: {  	_ =	shalt  }
0x70: {  	_ =	shalt  }
0x71: {  	_ =	shalt  }
0x72: {  	_ =	shalt  }
0x73: {  	_ =	shalt  }
0x74: {  	_ =	shalt  }
0x75: {  	_ =	shalt  }
0x76: {  	_ =	shalt  }
0x77: {  	_ =	shalt  }
0x78: {  	_ =	shalt  }
0x79: {  	_ =	shalt  }
0x7a: {  	_ =	shalt  }
0x7b: {  	_ =	shalt  }
0x7c: {  	_ =	shalt  }
0x7d: {  	_ =	shalt  }
0x7e: {  	_ =	shalt  }
0x7f: {  	_ =	shalt  }
0x80: {  	_ =	shalt  }
0x81: {  	_ =	shalt  }
0x82: {  	_ =	shalt  }
0x83: {  	_ =	shalt  }
0x84: {  	_ =	shalt  }
0x85: {  	_ =	shalt  }
0x86: {  	_ =	shalt  }
0x87: {  	_ =	shalt  }
.Lfunc_end0:
.L_simem_size_0:
called_computation.1_lowered:
.L_overlay_start_0:
0x88: {  	s2 =	sld [smem:$0x3FD9]  }
0x89: {  	s3 =	sld [smem:$0x3FFE];
	_ =	sdelay $0x1  }
0x8a: {  	s1 =	srdreg.scid  }
0x8b: {  	s0 =	sand.u32 $0x1, s1  }
0x8c: {  	s16 =	sshll.u32 s0, $0xA;
	s2 =	sadd.s32 s3, s2  }
0x8d: {  	s2 =	sadd.s32 s2, s16  }
0x8e: {  	[smem:$0x3FBD] =	sst s2  }
0x8f: {  	_ = 	snop  }
0x90: {  	(tm) =	ssettm $0x1  }
0x91: {  	s17 =	sld [smem:$0x3FFB];
	_ =	sdelay $0x3  }
0x92: {  	_ =	strace s17  }
0x93: {  	s2 =	sld [smem:$0x3FFC];
	_ =	sdelay $0x3  }
0x94: {  	_ =	strace s2  }
0x95: {  	s2 =	sld [smem:$0x3FFD];
	_ =	sdelay $0x3  }
0x96: {  	_ =	strace s2  }
0x97: {  	_ =	strace $0x8FFFFFFF  }
0x98: {  	s18 =	sld [smem:$0x3FDB];
	_ =	sdelay $0x1  }
0x99: {  	s19 =	simm.s32 $_scs_section_size  }
0x9a: {  	s4 =	simm.s32 $_size__tile_overlayer_lowered;
	s5 =	simm.s32 $_tile_overlayer_lowered  }
0x9b: {  	s22 =	simm.s32 $0x1BFF;
	s21 =	sshll.u32 s5, $0x1;
	s2 =	sadd.s32 s19, s18  }
0x9c: {  	s6 =	simm.s32 $0x0;
	s20 =	sshll.u32 s4, $0x1;
	s4 =	sadd.s32 s21, s2  }
0x9d: {  	[timem:s6], [sflag:s22] =	dma.local [hbm:s4], s20  }
0x9e: {  	_ =	swait.ge [sflag:s22], s20  }
0x9f: {  	s3 =	ssub.s32 $0x0, s20;
	[sflag:s22] =	ssyncset.done $0x0  }
0xa0: {  	[sflag:s22] =	ssyncadd.s32 s3;
	_ =	sdelay $0x1  }
0xa1: {  	s23 =	simm.s32 $0x1B8B  }
0xa2: {  	_ =	swait.ge [sflag:s23], $0x1  }
0xa3: {  	[sflag:s23] =	ssyncset.done $0x0  }
0xa4: {  	s25 =	simm.s32 $0x1B8E;
	s24 =	sld [smem:$0x3FFE];
	[sflag:s23] =	ssyncadd.s32 $0xFFFFFFFF  }
0xa5: {  	s26 =	simm.s32 $execute0_lowered;
	[smem:$0x3FD2] =	sst s25  }
0xa6: {  	s4 =	sshll.u32 s26, $0x1;
	_ =	strace $0x80000049;
	[dreg:$0x1] =	wrdreg $0xFFFFFFFF  }
0xa7: {  	s28 =	simm.s32 $_size_execute0_lowered;
	s2 =	sadd.s32 s2, s4;
	[dreg:$0x0] =	wrdreg $0x0  }
0xa8: {  	s4 =	sshll.u32 s28, $0x1;
	[dreg:$0x2] =	wrdreg s2  }
0xa9: {  	[dreg:$0x3] =	wrdreg s4  }
0xaa: {  	[dreg:$0x4] =	wrdreg $0xC0  }
0xab: {  	_ =	task [dreg:s6], $0x5FFFF  }
0xac: {  	[dreg:$0x1] =	wrdreg $0xFFFFFFFF  }
0xad: {  	[dreg:$0x0] =	wrdreg $0x60  }
0xae: {  	[dreg:$0x2] =	wrdreg s24  }
0xaf: {  	[dreg:$0x3] =	wrdreg $0x100000  }
0xb0: {  	[dreg:$0x4] =	wrdreg $0x9  }
0xb1: {  	_ =	task.clear_ibuf [dreg:s6], $0x5FFFF;
	_ =	strace $0x90000049  }
0xb2: {  	s29 =	simm.s32 $0x9;
	_ =	strace $0x8000004B  }
0xb3: {  	_ =	swait.ge [sflag:s29], $0x1  }
0xb4: {  	[sflag:s29] =	ssyncadd.s32 $0xFFFFFFFF  }
0xb5: {  	_ =	strace $0x9000004B  }
0xb6: {  	_ =	sfence  }
0xb7: {  	s30 =	sld [smem:$0x0];
	_ =	sdelay $0x2  }
0xb8: {  	s31 =	sshll.u32 s1, $0xD;
	s1 =	sshrl.u32 s1, $0x2  }
0xb9: {  	s3 =	sand.u32 $0x4000, s31;
	s1 =	sadd.s32 s1, s30  }
0xba: {  	s0 =	sor.u32 s3, s0;
	s1 =	sshll.u32 s1, $0x11  }
0xbb: {  	s0 =	sor.u32 s1, s0  }
0xbc: {  	s0 =	sadd.s32 $0x8F2B, s0  }
0xbd: {  	[sflag:s0] =	ssyncadd.remote.s32 $0x1  }
0xbe: {  	_ =	sfence.sel $0xFFFF  }
0xbf: {  	[dreg:$0x0] =	wrdreg $0xFFFFFFFF;
	(pc) =	sbr.abs _section_cstart, $3  }
0xc0: {  	[dreg:$0x1] =	wrdreg $0xFFFFFFFF  }
0xc1: {  	_ =	task.clear_ibuf [dreg:s6], $0x2FFFF;
	_ =	strace $0x9FFFFFFF  }
0xc2: {  	(tm) =	ssettm $0x7FFFFFFF  }
0xc3: {  	_ =	shalt  }
tec
execute0_lowered:
.L_overlay_start_1:
0x0: {  	(tag) =	ssettag $0x1  }
0x1: {  	s5 =	rddreg [dreg:$0x0]  }
0x2: {  	s2 =	rddreg [dreg:$0x1]  }
0x3: {  	s0 =	rddreg [dreg:$0x2];
	s4 =	srdreg.scid  }
0x4: {  	s1 =	stileid.u32;
	s3 =	simm.s32 $0x0;
	s16 =	simm.s32 $0x5000  }
0x5: {  	s17 =	simm.s32 $0x2;
	s18 =	simm.s32 $0xE000;
	s19 =	simm.s32 $0x80  }
0x6: {  	s20 =	simm.s32 $0xA000;
	s21 =	simm.s32 $0x1;
	s22 =	simm.s32 $0x0  }
0x7: {  	s6 =	sand.u32 $0x1, s4;
	s7 =	smul.u32 $0xA000, s1;
	[smem:$0x7FF] =	sst s3  }
0x8: {  	s12 =	sadd.s32 $0x7B600, s5;
	s29 =	smul.u32 $0x28000, s1;
	s4 =	sshll.u32 s6, $0x4  }
0x9: {  	s8 =	smul.u32 $0xA0000, s6;
	_ =	strace $0x8000004A;
	s30 =	ssub.s32 $0x2, s6  }
0xa: {  	s9 =	sor.u32 s1, s4;
	s4 =	sadd.s32 $0xA3600, s5;
	s6 =	sshrl.u32 s30, $0x1  }
0xb: {  	s31 =	sshrl.u32 s29, $0x2;
	s11 =	smul.u32 $0xA00, s9;
	s7 =	sadd.s32 s7, s8  }
0xc: {  	s9 =	smul.u32 $0x5000, s9;
	s15 =	ssub.s32 s30, s6;
	s6 =	sadd.s32 s31, s2  }
0xd: {  	s7 =	sshrl.u32 s7, $0x3;
	s8 =	sadd.s32 $0x4000, s6;
	s15 =	smax.u32 s15, $0x1  }
0xe: {  	s10 =	sadd.s32 s11, s5;
	s14 =	sadd.s32 s7, s5;
	s7 =	sadd.s32 $0x2000, s6  }
0xf: {  	s13 =	sshrl.u32 s9, $0x3;
	s9 =	sadd.s32 $0x6000, s6;
	s11 =	sadd.s32 s12, s11  }
0x10: {  	s5 =	sadd.s32 $0x17600, s10;
	s10 =	sadd.s32 $0x8000, s6;
	s13 =	sadd.s32 s12, s13  }
0x11: {  	v0 =	vimm.f32 $0.0e+00;
	s12 =	sadd.s32 $0xF1800, s14;
	s14 =	sadd.s32 $0x119800, s14;
	s13 =	sadd.s32 $0x14000, s13  }
.LBB2_1:
0x12: {  	s23 =	sand.u32 $0x7E00, s3  }
0x13: {  	s24 =	sand.u32 $0x70, s3;
	s25 =	sshrl.u32 s23, $0x2  }
0x14: {  	s23 =	simm.s32 $0x40;
	s25 =	sor.u32 s24, s25;
	s24 =	simm.s32 $0x0  }
.LBB2_2:
0x15: {  	p0 =	sne.s32 s23, $0x7FC0  }
0x16: {  	[tilespmem:s25+$0xE000] =	vst v0;
	s24 =	sadd.s32 $0x10, s24;
	s25 =	smov.u32 s23;
	s23 =	sadd.s32 $0x40, s23  }
.Ltmp0:
0x17: {  	(pc) =	sbr.rel @p0 .LBB2_2-.Ltmp0, $4  }
0x18: {  	_ = 	snop  }
0x19: {  	s25 =	sand.u32 $0x7E00, s25  }
0x1a: {  	s26 =	sand.u32 $0x70, s24;
	s25 =	sshrl.u32 s25, $0x2  }
0x1b: {  	s25 =	sor.u32 s26, s25  }
0x1c: {  	[tilespmem:s25+$0xE000] =	vst v0;
	s23 =	simm.s32 $0x0  }
0x1d: {  	[tilespmem:s16], [sflag:$0x2] =	stream.linear.gather [hbm4b:s5+s23], $0x4E80, $0x38;
	[tilespmem:$0x1A000] =	vst v63  }
0x1e: {  	_ =	swait.ge [sflag:s17], $0x4E80  }
0x1f: {  	[sflag:s17] =	ssyncset.done $0x0  }
0x20: {  	[sflag:s17] =	ssyncadd.s32 $0xFFFFB180  }
0x21: {  	[spmem:s6] =	stream.linear.scatter [tilespmem:s18], [sflag:$0x2], $0x2000, $0x38;
	[tilespmem:$0x1A000] =	vst v63  }
0x22: {  	_ =	swait.ge [sflag:s17], $0x2000  }
0x23: {  	[sflag:s17] =	ssyncset.done $0x0  }
0x24: {  	[sflag:s17] =	ssyncadd.s32 $0xFFFFE000  }
0x25: {  	[spmem:s7] =	stream.linear.scatter [tilespmem:s18], [sflag:$0x2], $0x2000, $0x38;
	[tilespmem:$0x1A000] =	vst v63  }
0x26: {  	_ =	swait.ge [sflag:s17], $0x2000  }
0x27: {  	[sflag:s17] =	ssyncset.done $0x0  }
0x28: {  	[sflag:s17] =	ssyncadd.s32 $0xFFFFE000  }
0x29: {  	[spmem:s8] =	stream.linear.scatter [tilespmem:s18], [sflag:$0x2], $0x2000, $0x38;
	[tilespmem:$0x1A000] =	vst v63  }
0x2a: {  	_ =	swait.ge [sflag:s17], $0x2000  }
0x2b: {  	[sflag:s17] =	ssyncset.done $0x0  }
0x2c: {  	[sflag:s17] =	ssyncadd.s32 $0xFFFFE000  }
0x2d: {  	[spmem:s9] =	stream.linear.scatter [tilespmem:s18], [sflag:$0x2], $0x2000, $0x38;
	[tilespmem:$0x1A000] =	vst v63  }
0x2e: {  	_ =	swait.ge [sflag:s17], $0x2000  }
0x2f: {  	[sflag:s17] =	ssyncset.done $0x0  }
0x30: {  	[sflag:s17] =	ssyncadd.s32 $0xFFFFE000  }
0x31: {  	[spmem:s10] =	stream.linear.scatter [tilespmem:s18], [sflag:$0x2], $0x2000, $0x38;
	[tilespmem:$0x1A000] =	vst v63  }
0x32: {  	_ =	swait.ge [sflag:s17], $0x2000  }
0x33: {  	[sflag:s17] =	ssyncset.done $0x0  }
0x34: {  	[sflag:s17] =	ssyncadd.s32 $0xFFFFE000  }
0x35: {  	[bflag:$0x0] =	sbarrier.arrive $0xFFFF  }
0x36: {  	[tilespmem:s23], [sflag:$0x2] =	stream.linear.gather [hbm4b:s11+s23], $0x4E80, $0x38;
	[tilespmem:$0x1A000] =	vst v63  }
0x37: {  	_ =	swait.ge [sflag:s17], $0x4E80  }
0x38: {  	[sflag:s17] =	ssyncset.done $0x0  }
0x39: {  	s30 =	simm.s32 $0x0;
	[sflag:s17] =	ssyncadd.s32 $0xFFFFB180  }
0x3a: {  	[tilespmem:s20], [sflag:$0x1] =	stream.indirect.gather [hbm4b:s4+s19], $0x80, s30, s19, $0xb8;
	[tilespmem:$0x1A000] =	vst v63  }
0x3b: {  	_ =	swait.ge [sflag:s21], $0x4000  }
0x3c: {  	[sflag:s21] =	ssyncset.done $0x0  }
0x3d: {  	s31 =	simm.s32 $0x5000;
	[sflag:s21] =	ssyncadd.s32 $0xFFFFC000  }
0x3e: {  	[spmem:s2] =	stream.indirect.scatter.add.f32 [tilespmem:s20], [sflag:$0x2], $0x80, s31, s19, $0xb8;
	[tilespmem:$0x1A000] =	vst v63  }
0x3f: {  	_ =	swait.ge [sflag:s17], $0x4000  }
0x40: {  	s24 =	simm.s32 $0x400;
	s23 =	simm.s32 $0x200;
	[sflag:s17] =	ssyncset.done $0x0  }
.LBB2_4:
0x41: {  	s25 =	sshra.s32 s23, $0x2  }
0x42: {  	[sflag:s17] =	ssyncadd.s32 $0xFFFFC000;
	s23 =	smov.u32 s24;
	s26 =	sadd.s32 $0x200, s24  }
0x43: {  	[tilespmem:s20], [sflag:$0x1] =	stream.indirect.gather [hbm4b:s4+s19], $0x80, s25, s19, $0xb8;
	[tilespmem:$0x1A000] =	vst v63  }
0x44: {  	p0 =	sne.s32 s24, $0x13800;
	_ =	swait.ge [sflag:s21], $0x4000  }
.Ltmp1:
0x45: {  	[sflag:s21] =	ssyncset.done $0x0;
	(pc) =	sbr.rel @p0 .LBB2_4-.Ltmp1, $4  }
0x46: {  	s24 =	sadd.s32 $0x5000, s25;
	[sflag:s21] =	ssyncadd.s32 $0xFFFFC000  }
0x47: {  	[spmem:s2] =	stream.indirect.scatter.add.f32 [tilespmem:s20], [sflag:$0x2], $0x80, s24, s19, $0xb8;
	[tilespmem:$0x1A000] =	vst v63  }
0x48: {  	_ =	swait.ge [sflag:s17], $0x4000  }
0x49: {  	s24 =	smov.u32 s26;
	[sflag:s17] =	ssyncset.done $0x0  }
0x4a: {  	s23 =	sshra.s32 s23, $0x2;
	[sflag:s17] =	ssyncadd.s32 $0xFFFFC000  }
0x4b: {  	[tilespmem:s20], [sflag:$0x1] =	stream.indirect.gather [hbm4b:s4+s19], $0x80, s23, s19, $0xb8;
	[tilespmem:$0x1A000] =	vst v63  }
0x4c: {  	_ =	swait.ge [sflag:s21], $0x4000  }
0x4d: {  	[sflag:s21] =	ssyncset.done $0x0  }
0x4e: {  	s23 =	sadd.s32 $0x5000, s23;
	[sflag:s21] =	ssyncadd.s32 $0xFFFFC000  }
0x4f: {  	[spmem:s2] =	stream.indirect.scatter.add.f32 [tilespmem:s20], [sflag:$0x2], $0x80, s23, s19, $0xb8;
	[tilespmem:$0x1A000] =	vst v63  }
0x50: {  	_ =	swait.ge [sflag:s17], $0x4000  }
0x51: {  	[sflag:s17] =	ssyncset.done $0x0  }
0x52: {  	s29 =	sshll.u32 s1, $0x6;
	[sflag:s17] =	ssyncadd.s32 $0xFFFFC000  }
0x53: {  	s24 =	sshrl.u32 s6, $0x3;
	s23 =	sor.u32 $0x1C02, s29;
	[bflag:$0x0] =	sbarrier.arrive $0xFFFF  }
0x54: {  	[hbm:s12], [sflag:s23] =	dma.local [spmem:s24], $0x1400  }
0x55: {  	_ =	swait.ge [sflag:s17], $0x1400  }
0x56: {  	[sflag:s17] =	ssyncset.done $0x0  }
0x57: {  	[sflag:s17] =	ssyncadd.s32 $0xFFFFEC00  }
0x58: {  	[spmem:s6] =	stream.linear.scatter [tilespmem:s18], [sflag:$0x2], $0x2000, $0x38;
	[tilespmem:$0x1A000] =	vst v63  }
0x59: {  	_ =	swait.ge [sflag:s17], $0x2000  }
0x5a: {  	[sflag:s17] =	ssyncset.done $0x0  }
0x5b: {  	[sflag:s17] =	ssyncadd.s32 $0xFFFFE000  }
0x5c: {  	[spmem:s7] =	stream.linear.scatter [tilespmem:s18], [sflag:$0x2], $0x2000, $0x38;
	[tilespmem:$0x1A000] =	vst v63  }
0x5d: {  	_ =	swait.ge [sflag:s17], $0x2000  }
0x5e: {  	[sflag:s17] =	ssyncset.done $0x0  }
0x5f: {  	[sflag:s17] =	ssyncadd.s32 $0xFFFFE000  }
0x60: {  	[spmem:s8] =	stream.linear.scatter [tilespmem:s18], [sflag:$0x2], $0x2000, $0x38;
	[tilespmem:$0x1A000] =	vst v63  }
0x61: {  	_ =	swait.ge [sflag:s17], $0x2000  }
0x62: {  	[sflag:s17] =	ssyncset.done $0x0  }
0x63: {  	[sflag:s17] =	ssyncadd.s32 $0xFFFFE000  }
0x64: {  	[spmem:s9] =	stream.linear.scatter [tilespmem:s18], [sflag:$0x2], $0x2000, $0x38;
	[tilespmem:$0x1A000] =	vst v63  }
0x65: {  	_ =	swait.ge [sflag:s17], $0x2000  }
0x66: {  	[sflag:s17] =	ssyncset.done $0x0  }
0x67: {  	[sflag:s17] =	ssyncadd.s32 $0xFFFFE000  }
0x68: {  	[spmem:s10] =	stream.linear.scatter [tilespmem:s18], [sflag:$0x2], $0x2000, $0x38;
	[tilespmem:$0x1A000] =	vst v63  }
0x69: {  	_ =	swait.ge [sflag:s17], $0x2000  }
0x6a: {  	[sflag:s17] =	ssyncset.done $0x0  }
0x6b: {  	[sflag:s17] =	ssyncadd.s32 $0xFFFFE000  }
0x6c: {  	s25 =	simm.s32 $0x0;
	[bflag:$0x0] =	sbarrier.arrive $0xFFFF  }
0x6d: {  	[tilespmem:s25], [sflag:$0x2] =	stream.linear.gather [hbm4b:s13+s25], $0x4E80, $0x38;
	[tilespmem:$0x1A000] =	vst v63  }
0x6e: {  	_ =	swait.ge [sflag:s17], $0x4E80  }
0x6f: {  	[sflag:s17] =	ssyncset.done $0x0  }
0x70: {  	s30 =	simm.s32 $0x0;
	[sflag:s17] =	ssyncadd.s32 $0xFFFFB180  }
0x71: {  	[tilespmem:s20], [sflag:$0x1] =	stream.indirect.gather [hbm4b:s4+s19], $0x80, s30, s19, $0xb8;
	[tilespmem:$0x1A000] =	vst v63  }
0x72: {  	_ =	swait.ge [sflag:s21], $0x4000  }
0x73: {  	[sflag:s21] =	ssyncset.done $0x0  }
0x74: {  	s31 =	simm.s32 $0x5000;
	[sflag:s21] =	ssyncadd.s32 $0xFFFFC000  }
0x75: {  	[spmem:s2] =	stream.indirect.scatter.add.f32 [tilespmem:s20], [sflag:$0x2], $0x80, s31, s19, $0xb8;
	[tilespmem:$0x1A000] =	vst v63  }
0x76: {  	_ =	swait.ge [sflag:s17], $0x4000  }
0x77: {  	s26 =	simm.s32 $0x400;
	s25 =	simm.s32 $0x200;
	[sflag:s17] =	ssyncset.done $0x0  }
.LBB2_6:
0x78: {  	s28 =	sshra.s32 s25, $0x2  }
0x79: {  	[sflag:s17] =	ssyncadd.s32 $0xFFFFC000;
	s25 =	smov.u32 s26;
	s29 =	sadd.s32 $0x200, s26  }
0x7a: {  	[tilespmem:s20], [sflag:$0x1] =	stream.indirect.gather [hbm4b:s4+s19], $0x80, s28, s19, $0xb8;
	[tilespmem:$0x1A000] =	vst v63  }
0x7b: {  	p0 =	sne.s32 s26, $0x13800;
	_ =	swait.ge [sflag:s21], $0x4000  }
.Ltmp2:
0x7c: {  	[sflag:s21] =	ssyncset.done $0x0;
	(pc) =	sbr.rel @p0 .LBB2_6-.Ltmp2, $4  }
0x7d: {  	s26 =	sadd.s32 $0x5000, s28;
	[sflag:s21] =	ssyncadd.s32 $0xFFFFC000  }
0x7e: {  	[spmem:s2] =	stream.indirect.scatter.add.f32 [tilespmem:s20], [sflag:$0x2], $0x80, s26, s19, $0xb8;
	[tilespmem:$0x1A000] =	vst v63  }
0x7f: {  	_ =	swait.ge [sflag:s17], $0x4000  }
0x80: {  	s26 =	smov.u32 s29;
	[sflag:s17] =	ssyncset.done $0x0  }
0x81: {  	s25 =	sshra.s32 s25, $0x2;
	[sflag:s17] =	ssyncadd.s32 $0xFFFFC000  }
0x82: {  	[tilespmem:s20], [sflag:$0x1] =	stream.indirect.gather [hbm4b:s4+s19], $0x80, s25, s19, $0xb8;
	[tilespmem:$0x1A000] =	vst v63  }
0x83: {  	_ =	swait.ge [sflag:s21], $0x4000  }
0x84: {  	[sflag:s21] =	ssyncset.done $0x0  }
0x85: {  	s25 =	sadd.s32 $0x5000, s25;
	[sflag:s21] =	ssyncadd.s32 $0xFFFFC000  }
0x86: {  	[spmem:s2] =	stream.indirect.scatter.add.f32 [tilespmem:s20], [sflag:$0x2], $0x80, s25, s19, $0xb8;
	[tilespmem:$0x1A000] =	vst v63  }
0x87: {  	_ =	swait.ge [sflag:s17], $0x4000  }
0x88: {  	s22 =	sadd.s32 $0x1, s22;
	[sflag:s17] =	ssyncset.done $0x0  }
0x89: {  	p0 =	sne.s32 s22, s15;
	[sflag:s17] =	ssyncadd.s32 $0xFFFFC000  }
.Ltmp3:
0x8a: {  	[bflag:$0x0] =	sbarrier.arrive $0xFFFF;
	(pc) =	sbr.rel @p0 .LBB2_1-.Ltmp3, $4  }
0x8b: {  	[hbm:s14], [sflag:s23] =	dma.local [spmem:s24], $0x1400  }
0x8c: {  	_ =	swait.ge [sflag:s17], $0x1400  }
0x8d: {  	[sflag:s17] =	ssyncset.done $0x0  }
0x8e: {  	[sflag:s17] =	ssyncadd.s32 $0xFFFFEC00  }
0x8f: {  	_ =	sfence.sel $0x180000  }
0x90: {  	[bflag:$0x0] =	sbarrier.arrive $0xFFFF  }
0x91: {  	p0 =	sne.s32 s1, $0x0;
	_ =	strace $0x9000004A  }
0x92: {  	s0 =	sadd.s32 @!p0 $0x100000, s0;
	[bflag:$0x2] =	sbarrier.arrive $0xFFFF  }
0x93: {  	[sflag:s0] =	ssyncadd.tile.s32 @!p0 $0x1;
	_ =	shalt  }
.Lfunc_end2:
_tile_overlayer_lowered:
.L_overlay_start_2:
0x94: {  	(tag) =	ssettag $0x2  }
0x95: {  	s0 =	rddreg [dreg:$0x0];
	s2 =	stileid.u32  }
0x96: {  	s1 =	rddreg [dreg:$0x1];
	p0 =	sne.s32 s2, $0x0  }
0x97: {  	s3 =	rddreg [dreg:$0x2];
	[bflag:$0x3] =	sbarrier.arrive $0xFFFF;
	s2 =	simm.s32 @!p0 $0x1C02  }
0x98: {  	[timem:s3], [sflag:s2] =	dma.local @!p0 [hbm:s0], s1  }
0x99: {  	s0 =	simm.s32 @!p0 $0x2  }
0x9a: {  	_ =	swait.ge @!p0 [sflag:s0], s1  }
0x9b: {  	s1 =	ssub.s32 @!p0 $0x0, s1;
	[sflag:s0] =	ssyncset.done @!p0 $0x0  }
0x9c: {  	[sflag:s0] =	ssyncadd.s32 @!p0 s1  }
0x9d: {  	[bflag:$0x3] =	sbarrier.arrive $0xFFFF  }
0x9e: {  	_ =	shalt  }

// kernel: kernel.14.cloned.1.call-start
scs
__scs_entry_jumppad:
0x0: {  	(pc) =	sbr.rel $0x88, $3  }
0x1: {  	(tag) =	ssettag $0x0;
	lr =	simm.s32 $0x1  }
0x2: {  	[smem:$0x3F96] =	sst lr;
	_ =	strace $0xD0000000  }
0x3: {  	_ = 	snop  }
0x4: {  	_ = 	snop  }
0x5: {  	_ = 	snop  }
0x6: {  	_ = 	snop  }
0x7: {  	_ = 	snop  }
__scs_overlays_trampoline_lowered:
0x8: {  	[smem:$0x3FA5] =	sst s0  }
0x9: {  	[smem:$0x3FA6] =	sst s1  }
0xa: {  	[smem:$0x3FA7] =	sst s2  }
0xb: {  	[smem:$0x3FA8] =	sst s3  }
0xc: {  	[smem:$0x3FA9] =	sst s4  }
0xd: {  	[smem:$0x3FAA] =	sst s5  }
0xe: {  	[smem:$0x3FAB] =	sst s6  }
0xf: {  	[smem:$0x3FAC] =	sst s7  }
0x10: {  	[smem:$0x3FAD] =	sst s8  }
0x11: {  	[smem:$0x3FAE] =	sst s9;
	s0 =	simm.s32 @!p0 $0x0  }
0x12: {  	s1 =	sld [smem:$0x3F94];
	s0 =	simm.s32 @p0 $0x1  }
0x13: {  	[smem:$0x3FAF] =	sst s0;
	s0 =	simm.s32 @!p1 $0x0  }
0x14: {  	s2 =	sld [smem:$0x3F93];
	s0 =	simm.s32 @p1 $0x1  }
0x15: {  	[smem:$0x3FB0] =	sst s0;
	s0 =	simm.s32 @!p2 $0x0  }
0x16: {  	s3 =	sld [smem:$0x3FDB];
	s0 =	simm.s32 @p2 $0x1  }
0x17: {  	s4 =	simm.s32 $0x1BF5;
	[smem:$0x3FB2] =	sst s0  }
0x18: {  	s0 =	sld [smem:$0x3F95];
	_ =	swait.ge [sflag:s4], $0x0  }
0x19: {  	s7 =	sld [smem:$0x3F96]  }
0x1a: {  	s8 =	sadd.s32 $0xFFFFE003, lr  }
0x1b: {  	s9 =	sadd.s32 $0xFFFFFEF7, lr;
	s5 =	simm.s32 $0xFFFFFFFF;
	p2 =	slt.u32 s8, $0xFFFFF086  }
0x1c: {  	p1 =	slt.u32 s9, $0xF7A;
	s5 =	simm.s32 @!p2 $0x0  }
0x1d: {  	s5 =	simm.s32 @p1 $0x1;
	p0 =	seq.s32 s7, s2  }
0x1e: {  	s7 =	smul.u32 @!p0 $0xF7A, s2;
	p2 =	seq.s32 @!p0 s5, $0x0  }
0x1f: {  	s9 =	smul.u32 $0xF7A, s1;
	s8 =	simm.s32 @!p0 $0x1BF5;
	p2 =	por !p2, p0  }
0x20: {  	[sflag:s8] =	ssyncset.s32 @!p0 $0xFFFFF086;
	s6 =	sadd.s32 @!p0 s3, s7;
	s7 =	simm.s32 @!p0 $0x108  }
0x21: {  	s3 =	sadd.s32 s3, s9;
	s6 =	sadd.s32 @!p0 $0x88, s6;
	s7 =	simm.s32 @p2 $0x1082  }
0x22: {  	[simem:s7], [sflag:s8] =	dma.local @!p0 [hbm:s6], $0xF7A  }
0x23: {  	s9 =	sor.u32 $0xD0000000, s2;
	s6 =	simm.s32 $0x108;
	_ =	swait.ge @!p0 [sflag:s8], $0x0  }
0x24: {  	s3 =	sadd.s32 $0x88, s3;
	s6 =	simm.s32 @!p1 $0x1082;
	[sflag:s4] =	ssyncset.s32 $0xFFFFF086  }
0x25: {  	[simem:s6], [sflag:s4] =	dma.local [hbm:s3], $0xF7A  }
0x26: {  	[smem:$0x3F96] =	sst s1;
	(tag) =	ssettag s2;
	_ =	strace s9  }
0x27: {  	s1 =	sld [smem:$0x3FA6]  }
0x28: {  	s2 =	sld [smem:$0x3FA7]  }
0x29: {  	s4 =	sld [smem:$0x3FA9]  }
0x2a: {  	p0 =	seq.s32 s5, $0x0;
	s5 =	sld [smem:$0x3FAA]  }
0x2b: {  	s6 =	sld [smem:$0x3FAB]  }
0x2c: {  	s7 =	sld [smem:$0x3FAC]  }
0x2d: {  	s3 =	simm.s32 $0x108;
	s8 =	sld [smem:$0x3FAD]  }
0x2e: {  	s3 =	simm.s32 @!p0 $0x1082;
	s9 =	sld [smem:$0x3FAE]  }
0x2f: {  	lr =	sadd.s32 s0, s3;
	s0 =	sld [smem:$0x3FA5]  }
0x30: {  	s3 =	sld [smem:$0x3FA8]  }
0x31: {  	[smem:$0x3FB1] =	sst s10  }
0x32: {  	s10 =	sld [smem:$0x3FAF];
	_ =	sdelay $0x3  }
0x33: {  	p0 =	seq.s32 s10, $0x1;
	s10 =	sld [smem:$0x3FB1];
	_ =	sdelay $0x3  }
0x34: {  	[smem:$0x3FB1] =	sst s10  }
0x35: {  	s10 =	sld [smem:$0x3FB0];
	_ =	sdelay $0x3  }
0x36: {  	p1 =	seq.s32 s10, $0x1;
	s10 =	sld [smem:$0x3FB1];
	_ =	sdelay $0x3  }
0x37: {  	[smem:$0x3FB1] =	sst s10  }
0x38: {  	s10 =	sld [smem:$0x3FB2]  }
0x39: {  	_ = 	snop;
	(pc) =	sbr.ind lr, $3  }
0x3a: {  	_ = 	snop  }
0x3b: {  	_ = 	snop  }
0x3c: {  	p2 =	seq.s32 s10, $0x1;
	s10 =	sld [smem:$0x3FB1]  }
0x3d: {  	_ =	shalt  }
0x3e: {  	_ =	shalt  }
0x3f: {  	_ =	shalt  }
0x40: {  	_ =	shalt  }
0x41: {  	_ =	shalt  }
0x42: {  	_ =	shalt  }
0x43: {  	_ =	shalt  }
0x44: {  	_ =	shalt  }
0x45: {  	_ =	shalt  }
0x46: {  	_ =	shalt  }
0x47: {  	_ =	shalt  }
0x48: {  	_ =	shalt  }
0x49: {  	_ =	shalt  }
0x4a: {  	_ =	shalt  }
0x4b: {  	_ =	shalt  }
0x4c: {  	_ =	shalt  }
0x4d: {  	_ =	shalt  }
0x4e: {  	_ =	shalt  }
0x4f: {  	_ =	shalt  }
0x50: {  	_ =	shalt  }
0x51: {  	_ =	shalt  }
0x52: {  	_ =	shalt  }
0x53: {  	_ =	shalt  }
0x54: {  	_ =	shalt  }
0x55: {  	_ =	shalt  }
0x56: {  	_ =	shalt  }
0x57: {  	_ =	shalt  }
0x58: {  	_ =	shalt  }
0x59: {  	_ =	shalt  }
0x5a: {  	_ =	shalt  }
0x5b: {  	_ =	shalt  }
0x5c: {  	_ =	shalt  }
0x5d: {  	_ =	shalt  }
0x5e: {  	_ =	shalt  }
0x5f: {  	_ =	shalt  }
0x60: {  	_ =	shalt  }
0x61: {  	_ =	shalt  }
0x62: {  	_ =	shalt  }
0x63: {  	_ =	shalt  }
0x64: {  	_ =	shalt  }
0x65: {  	_ =	shalt  }
0x66: {  	_ =	shalt  }
0x67: {  	_ =	shalt  }
0x68: {  	_ =	shalt  }
0x69: {  	_ =	shalt  }
0x6a: {  	_ =	shalt  }
0x6b: {  	_ =	shalt  }
0x6c: {  	_ =	shalt  }
0x6d: {  	_ =	shalt  }
0x6e: {  	_ =	shalt  }
0x6f: {  	_ =	shalt  }
0x70: {  	_ =	shalt  }
0x71: {  	_ =	shalt  }
0x72: {  	_ =	shalt  }
0x73: {  	_ =	shalt  }
0x74: {  	_ =	shalt  }
0x75: {  	_ =	shalt  }
0x76: {  	_ =	shalt  }
0x77: {  	_ =	shalt  }
0x78: {  	_ =	shalt  }
0x79: {  	_ =	shalt  }
0x7a: {  	_ =	shalt  }
0x7b: {  	_ =	shalt  }
0x7c: {  	_ =	shalt  }
0x7d: {  	_ =	shalt  }
0x7e: {  	_ =	shalt  }
0x7f: {  	_ =	shalt  }
0x80: {  	_ =	shalt  }
0x81: {  	_ =	shalt  }
0x82: {  	_ =	shalt  }
0x83: {  	_ =	shalt  }
0x84: {  	_ =	shalt  }
0x85: {  	_ =	shalt  }
0x86: {  	_ =	shalt  }
0x87: {  	_ =	shalt  }
.Lfunc_end0:
.L_simem_size_0:
called_computation.2_lowered:
.L_overlay_start_0:
0x88: {  	s2 =	sld [smem:$0x3FD9]  }
0x89: {  	s3 =	sld [smem:$0x3FFE];
	_ =	sdelay $0x1  }
0x8a: {  	s1 =	srdreg.scid  }
0x8b: {  	s0 =	sand.u32 $0x1, s1  }
0x8c: {  	s16 =	sshll.u32 s0, $0xA;
	s2 =	sadd.s32 s3, s2  }
0x8d: {  	s2 =	sadd.s32 s2, s16  }
0x8e: {  	[smem:$0x3FBD] =	sst s2  }
0x8f: {  	_ = 	snop  }
0x90: {  	(tm) =	ssettm $0x1  }
0x91: {  	s17 =	sld [smem:$0x3FFB];
	_ =	sdelay $0x3  }
0x92: {  	_ =	strace s17  }
0x93: {  	s2 =	sld [smem:$0x3FFC];
	_ =	sdelay $0x3  }
0x94: {  	_ =	strace s2  }
0x95: {  	s2 =	sld [smem:$0x3FFD];
	_ =	sdelay $0x3  }
0x96: {  	_ =	strace s2  }
0x97: {  	_ =	strace $0x8FFFFFFF  }
0x98: {  	s18 =	sld [smem:$0x3FDB];
	_ =	sdelay $0x1  }
0x99: {  	s19 =	simm.s32 $_scs_section_size  }
0x9a: {  	s4 =	simm.s32 $_size__tile_overlayer_lowered;
	s5 =	simm.s32 $_tile_overlayer_lowered  }
0x9b: {  	s22 =	simm.s32 $0x1BFF;
	s21 =	sshll.u32 s5, $0x1;
	s2 =	sadd.s32 s19, s18  }
0x9c: {  	s6 =	simm.s32 $0x0;
	s20 =	sshll.u32 s4, $0x1;
	s4 =	sadd.s32 s21, s2  }
0x9d: {  	[timem:s6], [sflag:s22] =	dma.local [hbm:s4], s20  }
0x9e: {  	_ =	swait.ge [sflag:s22], s20  }
0x9f: {  	s3 =	ssub.s32 $0x0, s20;
	[sflag:s22] =	ssyncset.done $0x0  }
0xa0: {  	[sflag:s22] =	ssyncadd.s32 s3;
	_ =	sdelay $0x1  }
0xa1: {  	s23 =	simm.s32 $0x1B8B  }
0xa2: {  	_ =	swait.ge [sflag:s23], $0x1  }
0xa3: {  	[sflag:s23] =	ssyncset.done $0x0  }
0xa4: {  	s25 =	simm.s32 $0x1B8E;
	s24 =	sld [smem:$0x3FFE];
	[sflag:s23] =	ssyncadd.s32 $0xFFFFFFFF  }
0xa5: {  	s26 =	simm.s32 $execute0_lowered;
	[smem:$0x3FD2] =	sst s25  }
0xa6: {  	s4 =	sshll.u32 s26, $0x1;
	_ =	strace $0x8000004C;
	[dreg:$0x1] =	wrdreg $0xFFFFFFFF  }
0xa7: {  	s28 =	simm.s32 $_size_execute0_lowered;
	s2 =	sadd.s32 s2, s4;
	[dreg:$0x0] =	wrdreg $0x0  }
0xa8: {  	s4 =	sshll.u32 s28, $0x1;
	[dreg:$0x2] =	wrdreg s2  }
0xa9: {  	[dreg:$0x3] =	wrdreg s4  }
0xaa: {  	[dreg:$0x4] =	wrdreg $0xC0  }
0xab: {  	_ =	task [dreg:s6], $0x5FFFF  }
0xac: {  	[dreg:$0x1] =	wrdreg $0xFFFFFFFF  }
0xad: {  	[dreg:$0x0] =	wrdreg $0x60  }
0xae: {  	[dreg:$0x2] =	wrdreg s24  }
0xaf: {  	[dreg:$0x3] =	wrdreg $0x100000  }
0xb0: {  	[dreg:$0x4] =	wrdreg $0x9  }
0xb1: {  	_ =	task.clear_ibuf [dreg:s6], $0x5FFFF;
	_ =	strace $0x9000004C  }
0xb2: {  	s29 =	simm.s32 $0x9;
	_ =	strace $0x8000004E  }
0xb3: {  	_ =	swait.ge [sflag:s29], $0x1  }
0xb4: {  	[sflag:s29] =	ssyncadd.s32 $0xFFFFFFFF  }
0xb5: {  	_ =	strace $0x9000004E  }
0xb6: {  	_ =	sfence  }
0xb7: {  	s30 =	sld [smem:$0x0];
	_ =	sdelay $0x2  }
0xb8: {  	s31 =	sshll.u32 s1, $0xD;
	s1 =	sshrl.u32 s1, $0x2  }
0xb9: {  	s3 =	sand.u32 $0x4000, s31;
	s1 =	sadd.s32 s1, s30  }
0xba: {  	s0 =	sor.u32 s3, s0;
	s1 =	sshll.u32 s1, $0x11  }
0xbb: {  	s0 =	sor.u32 s1, s0  }
0xbc: {  	s0 =	sadd.s32 $0x8F2B, s0  }
0xbd: {  	[sflag:s0] =	ssyncadd.remote.s32 $0x1  }
0xbe: {  	_ =	sfence.sel $0xFFFF  }
0xbf: {  	[dreg:$0x0] =	wrdreg $0xFFFFFFFF;
	(pc) =	sbr.abs _section_cstart, $3  }
0xc0: {  	[dreg:$0x1] =	wrdreg $0xFFFFFFFF  }
0xc1: {  	_ =	task.clear_ibuf [dreg:s6], $0x2FFFF;
	_ =	strace $0x9FFFFFFF  }
0xc2: {  	(tm) =	ssettm $0x7FFFFFFF  }
0xc3: {  	_ =	shalt  }
tec
execute0_lowered:
.L_overlay_start_1:
0x0: {  	(tag) =	ssettag $0x1  }
0x1: {  	s6 =	rddreg [dreg:$0x0]  }
0x2: {  	s0 =	srdreg.scid;
	s2 =	rddreg [dreg:$0x1]  }
0x3: {  	s3 =	simm.s32 $0x0;
	s14 =	simm.s32 $0x5000;
	s15 =	simm.s32 $0x2  }
0x4: {  	s16 =	simm.s32 $0xE000;
	s17 =	simm.s32 $0x80;
	s18 =	simm.s32 $0xA000  }
0x5: {  	s19 =	simm.s32 $0x1;
	s5 =	sand.u32 $0x1, s0;
	s0 =	stileid.u32  }
0x6: {  	s21 =	simm.s32 $0x0;
	[smem:$0x7FF] =	sst s3;
	s8 =	smul.u32 $0xA0000, s5  }
0x7: {  	s4 =	sadd.s32 $0x7B600, s6;
	s1 =	sshll.u32 s5, $0x4;
	s9 =	smul.u32 $0xA000, s0  }
0x8: {  	s10 =	smul.u32 $0x28000, s0;
	s29 =	ssub.s32 $0x2, s5;
	s20 =	sshll.u32 s0, $0x6  }
0x9: {  	s1 =	sor.u32 s0, s1;
	s31 =	sshrl.u32 s29, $0x1;
	s20 =	sor.u32 $0x1C02, s20  }
0xa: {  	s7 =	smul.u32 $0xA00, s1;
	s1 =	rddreg [dreg:$0x2];
	_ =	strace $0x8000004D  }
0xb: {  	s28 =	sadd.s32 s9, s8;
	s30 =	sshrl.u32 s10, $0x2;
	s13 =	ssub.s32 s29, s31  }
0xc: {  	s5 =	sadd.s32 s30, s2;
	s13 =	smax.u32 s13, $0x1;
	s11 =	sadd.s32 s7, s6  }
0xd: {  	s7 =	sshrl.u32 s28, $0x3;
	s8 =	sadd.s32 $0x4000, s5;
	s9 =	sadd.s32 $0x6000, s5  }
0xe: {  	s10 =	sadd.s32 $0x8000, s5;
	s12 =	sadd.s32 s7, s6;
	s6 =	sadd.s32 $0x17600, s11  }
0xf: {  	v0 =	vimm.f32 $0.0e+00;
	s7 =	sadd.s32 $0x2000, s5;
	s11 =	sadd.s32 $0x3600, s11;
	s12 =	sadd.s32 $0xA2800, s12  }
.LBB2_1:
0x10: {  	s22 =	sand.u32 $0x7E00, s3  }
0x11: {  	s23 =	sand.u32 $0x70, s3;
	s24 =	sshrl.u32 s22, $0x2  }
0x12: {  	s22 =	simm.s32 $0x40;
	s24 =	sor.u32 s23, s24;
	s23 =	simm.s32 $0x0  }
.LBB2_2:
0x13: {  	p0 =	sne.s32 s22, $0x7FC0  }
0x14: {  	[tilespmem:s24+$0xE000] =	vst v0;
	s23 =	sadd.s32 $0x10, s23;
	s24 =	smov.u32 s22;
	s22 =	sadd.s32 $0x40, s22  }
.Ltmp0:
0x15: {  	(pc) =	sbr.rel @p0 .LBB2_2-.Ltmp0, $4  }
0x16: {  	_ = 	snop  }
0x17: {  	s24 =	sand.u32 $0x7E00, s24  }
0x18: {  	s25 =	sand.u32 $0x70, s23;
	s24 =	sshrl.u32 s24, $0x2  }
0x19: {  	s24 =	sor.u32 s25, s24  }
0x1a: {  	[tilespmem:s24+$0xE000] =	vst v0;
	s22 =	simm.s32 $0x0  }
0x1b: {  	[tilespmem:s14], [sflag:$0x2] =	stream.linear.gather [hbm4b:s6+s22], $0x4E80, $0x38;
	[tilespmem:$0x1A000] =	vst v63  }
0x1c: {  	_ =	swait.ge [sflag:s15], $0x4E80  }
0x1d: {  	[sflag:s15] =	ssyncset.done $0x0  }
0x1e: {  	[sflag:s15] =	ssyncadd.s32 $0xFFFFB180  }
0x1f: {  	[spmem:s5] =	stream.linear.scatter [tilespmem:s16], [sflag:$0x2], $0x2000, $0x38;
	[tilespmem:$0x1A000] =	vst v63  }
0x20: {  	_ =	swait.ge [sflag:s15], $0x2000  }
0x21: {  	[sflag:s15] =	ssyncset.done $0x0  }
0x22: {  	[sflag:s15] =	ssyncadd.s32 $0xFFFFE000  }
0x23: {  	[spmem:s7] =	stream.linear.scatter [tilespmem:s16], [sflag:$0x2], $0x2000, $0x38;
	[tilespmem:$0x1A000] =	vst v63  }
0x24: {  	_ =	swait.ge [sflag:s15], $0x2000  }
0x25: {  	[sflag:s15] =	ssyncset.done $0x0  }
0x26: {  	[sflag:s15] =	ssyncadd.s32 $0xFFFFE000  }
0x27: {  	[spmem:s8] =	stream.linear.scatter [tilespmem:s16], [sflag:$0x2], $0x2000, $0x38;
	[tilespmem:$0x1A000] =	vst v63  }
0x28: {  	_ =	swait.ge [sflag:s15], $0x2000  }
0x29: {  	[sflag:s15] =	ssyncset.done $0x0  }
0x2a: {  	[sflag:s15] =	ssyncadd.s32 $0xFFFFE000  }
0x2b: {  	[spmem:s9] =	stream.linear.scatter [tilespmem:s16], [sflag:$0x2], $0x2000, $0x38;
	[tilespmem:$0x1A000] =	vst v63  }
0x2c: {  	_ =	swait.ge [sflag:s15], $0x2000  }
0x2d: {  	[sflag:s15] =	ssyncset.done $0x0  }
0x2e: {  	[sflag:s15] =	ssyncadd.s32 $0xFFFFE000  }
0x2f: {  	[spmem:s10] =	stream.linear.scatter [tilespmem:s16], [sflag:$0x2], $0x2000, $0x38;
	[tilespmem:$0x1A000] =	vst v63  }
0x30: {  	_ =	swait.ge [sflag:s15], $0x2000  }
0x31: {  	[sflag:s15] =	ssyncset.done $0x0  }
0x32: {  	[sflag:s15] =	ssyncadd.s32 $0xFFFFE000  }
0x33: {  	[bflag:$0x0] =	sbarrier.arrive $0xFFFF  }
0x34: {  	[tilespmem:s22], [sflag:$0x2] =	stream.linear.gather [hbm4b:s11+s22], $0x4E80, $0x38;
	[tilespmem:$0x1A000] =	vst v63  }
0x35: {  	_ =	swait.ge [sflag:s15], $0x4E80  }
0x36: {  	[sflag:s15] =	ssyncset.done $0x0  }
0x37: {  	s30 =	simm.s32 $0x0;
	[sflag:s15] =	ssyncadd.s32 $0xFFFFB180  }
0x38: {  	[tilespmem:s18], [sflag:$0x1] =	stream.indirect.gather [hbm4b:s4+s17], $0x80, s30, s17, $0xb8;
	[tilespmem:$0x1A000] =	vst v63  }
0x39: {  	_ =	swait.ge [sflag:s19], $0x4000  }
0x3a: {  	[sflag:s19] =	ssyncset.done $0x0  }
0x3b: {  	s31 =	simm.s32 $0x5000;
	[sflag:s19] =	ssyncadd.s32 $0xFFFFC000  }
0x3c: {  	[spmem:s2] =	stream.indirect.scatter.add.f32 [tilespmem:s18], [sflag:$0x2], $0x80, s31, s17, $0xb8;
	[tilespmem:$0x1A000] =	vst v63  }
0x3d: {  	_ =	swait.ge [sflag:s15], $0x4000  }
0x3e: {  	s23 =	simm.s32 $0x400;
	s22 =	simm.s32 $0x200;
	[sflag:s15] =	ssyncset.done $0x0  }
.LBB2_4:
0x3f: {  	s24 =	sshra.s32 s22, $0x2  }
0x40: {  	[sflag:s15] =	ssyncadd.s32 $0xFFFFC000;
	s22 =	smov.u32 s23;
	s25 =	sadd.s32 $0x200, s23  }
0x41: {  	[tilespmem:s18], [sflag:$0x1] =	stream.indirect.gather [hbm4b:s4+s17], $0x80, s24, s17, $0xb8;
	[tilespmem:$0x1A000] =	vst v63  }
0x42: {  	p0 =	sne.s32 s23, $0x13800;
	_ =	swait.ge [sflag:s19], $0x4000  }
.Ltmp1:
0x43: {  	[sflag:s19] =	ssyncset.done $0x0;
	(pc) =	sbr.rel @p0 .LBB2_4-.Ltmp1, $4  }
0x44: {  	s23 =	sadd.s32 $0x5000, s24;
	[sflag:s19] =	ssyncadd.s32 $0xFFFFC000  }
0x45: {  	[spmem:s2] =	stream.indirect.scatter.add.f32 [tilespmem:s18], [sflag:$0x2], $0x80, s23, s17, $0xb8;
	[tilespmem:$0x1A000] =	vst v63  }
0x46: {  	_ =	swait.ge [sflag:s15], $0x4000  }
0x47: {  	s23 =	smov.u32 s25;
	[sflag:s15] =	ssyncset.done $0x0  }
0x48: {  	s22 =	sshra.s32 s22, $0x2;
	[sflag:s15] =	ssyncadd.s32 $0xFFFFC000  }
0x49: {  	[tilespmem:s18], [sflag:$0x1] =	stream.indirect.gather [hbm4b:s4+s17], $0x80, s22, s17, $0xb8;
	[tilespmem:$0x1A000] =	vst v63  }
0x4a: {  	_ =	swait.ge [sflag:s19], $0x4000  }
0x4b: {  	[sflag:s19] =	ssyncset.done $0x0  }
0x4c: {  	s22 =	sadd.s32 $0x5000, s22;
	[sflag:s19] =	ssyncadd.s32 $0xFFFFC000  }
0x4d: {  	[spmem:s2] =	stream.indirect.scatter.add.f32 [tilespmem:s18], [sflag:$0x2], $0x80, s22, s17, $0xb8;
	[tilespmem:$0x1A000] =	vst v63  }
0x4e: {  	_ =	swait.ge [sflag:s15], $0x4000  }
0x4f: {  	s21 =	sadd.s32 $0x1, s21;
	[sflag:s15] =	ssyncset.done $0x0  }
0x50: {  	p0 =	sne.s32 s21, s13;
	[sflag:s15] =	ssyncadd.s32 $0xFFFFC000  }
.Ltmp2:
0x51: {  	s31 =	sshrl.u32 s5, $0x3;
	[bflag:$0x0] =	sbarrier.arrive $0xFFFF;
	(pc) =	sbr.rel @p0 .LBB2_1-.Ltmp2, $4  }
0x52: {  	[hbm:s12], [sflag:s20] =	dma.local [spmem:s31], $0x1400  }
0x53: {  	_ =	swait.ge [sflag:s15], $0x1400  }
0x54: {  	[sflag:s15] =	ssyncset.done $0x0  }
0x55: {  	[sflag:s15] =	ssyncadd.s32 $0xFFFFEC00  }
0x56: {  	_ =	sfence.sel $0x180000  }
0x57: {  	[bflag:$0x0] =	sbarrier.arrive $0xFFFF  }
0x58: {  	p0 =	sne.s32 s0, $0x0;
	_ =	strace $0x9000004D  }
0x59: {  	s0 =	sadd.s32 @!p0 $0x100000, s1;
	[bflag:$0x2] =	sbarrier.arrive $0xFFFF  }
0x5a: {  	[sflag:s0] =	ssyncadd.tile.s32 @!p0 $0x1;
	_ =	shalt  }
.Lfunc_end2:
_tile_overlayer_lowered:
.L_overlay_start_2:
0x5b: {  	(tag) =	ssettag $0x2  }
0x5c: {  	s0 =	rddreg [dreg:$0x0];
	s2 =	stileid.u32  }
0x5d: {  	s1 =	rddreg [dreg:$0x1];
	p0 =	sne.s32 s2, $0x0  }
0x5e: {  	s3 =	rddreg [dreg:$0x2];
	[bflag:$0x3] =	sbarrier.arrive $0xFFFF;
	s2 =	simm.s32 @!p0 $0x1C02  }
0x5f: {  	[timem:s3], [sflag:s2] =	dma.local @!p0 [hbm:s0], s1  }
0x60: {  	s0 =	simm.s32 @!p0 $0x2  }
0x61: {  	_ =	swait.ge @!p0 [sflag:s0], s1  }
0x62: {  	s1 =	ssub.s32 @!p0 $0x0, s1;
	[sflag:s0] =	ssyncset.done @!p0 $0x0  }
0x63: {  	[sflag:s0] =	ssyncadd.s32 @!p0 s1  }
0x64: {  	[bflag:$0x3] =	sbarrier.arrive $0xFFFF  }
0x65: {  	_ =	shalt  }

// kernel: kernel.8.cloned.1.call-start
scs
__scs_entry_jumppad:
0x0: {  	(pc) =	sbr.rel $0x88, $3  }
0x1: {  	(tag) =	ssettag $0x0;
	lr =	simm.s32 $0x1  }
0x2: {  	[smem:$0x3F96] =	sst lr;
	_ =	strace $0xD0000000  }
0x3: {  	_ = 	snop  }
0x4: {  	_ = 	snop  }
0x5: {  	_ = 	snop  }
0x6: {  	_ = 	snop  }
0x7: {  	_ = 	snop  }
__scs_overlays_trampoline_lowered:
0x8: {  	[smem:$0x3FA5] =	sst s0  }
0x9: {  	[smem:$0x3FA6] =	sst s1  }
0xa: {  	[smem:$0x3FA7] =	sst s2  }
0xb: {  	[smem:$0x3FA8] =	sst s3  }
0xc: {  	[smem:$0x3FA9] =	sst s4  }
0xd: {  	[smem:$0x3FAA] =	sst s5  }
0xe: {  	[smem:$0x3FAB] =	sst s6  }
0xf: {  	[smem:$0x3FAC] =	sst s7  }
0x10: {  	[smem:$0x3FAD] =	sst s8  }
0x11: {  	[smem:$0x3FAE] =	sst s9;
	s0 =	simm.s32 @!p0 $0x0  }
0x12: {  	s1 =	sld [smem:$0x3F94];
	s0 =	simm.s32 @p0 $0x1  }
0x13: {  	[smem:$0x3FAF] =	sst s0;
	s0 =	simm.s32 @!p1 $0x0  }
0x14: {  	s2 =	sld [smem:$0x3F93];
	s0 =	simm.s32 @p1 $0x1  }
0x15: {  	[smem:$0x3FB0] =	sst s0;
	s0 =	simm.s32 @!p2 $0x0  }
0x16: {  	s3 =	sld [smem:$0x3FDB];
	s0 =	simm.s32 @p2 $0x1  }
0x17: {  	s4 =	simm.s32 $0x1BF5;
	[smem:$0x3FB2] =	sst s0  }
0x18: {  	s0 =	sld [smem:$0x3F95];
	_ =	swait.ge [sflag:s4], $0x0  }
0x19: {  	s7 =	sld [smem:$0x3F96]  }
0x1a: {  	s8 =	sadd.s32 $0xFFFFE003, lr  }
0x1b: {  	s9 =	sadd.s32 $0xFFFFFEF7, lr;
	s5 =	simm.s32 $0xFFFFFFFF;
	p2 =	slt.u32 s8, $0xFFFFF086  }
0x1c: {  	p1 =	slt.u32 s9, $0xF7A;
	s5 =	simm.s32 @!p2 $0x0  }
0x1d: {  	s5 =	simm.s32 @p1 $0x1;
	p0 =	seq.s32 s7, s2  }
0x1e: {  	s7 =	smul.u32 @!p0 $0xF7A, s2;
	p2 =	seq.s32 @!p0 s5, $0x0  }
0x1f: {  	s9 =	smul.u32 $0xF7A, s1;
	s8 =	simm.s32 @!p0 $0x1BF5;
	p2 =	por !p2, p0  }
0x20: {  	[sflag:s8] =	ssyncset.s32 @!p0 $0xFFFFF086;
	s6 =	sadd.s32 @!p0 s3, s7;
	s7 =	simm.s32 @!p0 $0x108  }
0x21: {  	s3 =	sadd.s32 s3, s9;
	s6 =	sadd.s32 @!p0 $0x88, s6;
	s7 =	simm.s32 @p2 $0x1082  }
0x22: {  	[simem:s7], [sflag:s8] =	dma.local @!p0 [hbm:s6], $0xF7A  }
0x23: {  	s9 =	sor.u32 $0xD0000000, s2;
	s6 =	simm.s32 $0x108;
	_ =	swait.ge @!p0 [sflag:s8], $0x0  }
0x24: {  	s3 =	sadd.s32 $0x88, s3;
	s6 =	simm.s32 @!p1 $0x1082;
	[sflag:s4] =	ssyncset.s32 $0xFFFFF086  }
0x25: {  	[simem:s6], [sflag:s4] =	dma.local [hbm:s3], $0xF7A  }
0x26: {  	[smem:$0x3F96] =	sst s1;
	(tag) =	ssettag s2;
	_ =	strace s9  }
0x27: {  	s1 =	sld [smem:$0x3FA6]  }
0x28: {  	s2 =	sld [smem:$0x3FA7]  }
0x29: {  	s4 =	sld [smem:$0x3FA9]  }
0x2a: {  	p0 =	seq.s32 s5, $0x0;
	s5 =	sld [smem:$0x3FAA]  }
0x2b: {  	s6 =	sld [smem:$0x3FAB]  }
0x2c: {  	s7 =	sld [smem:$0x3FAC]  }
0x2d: {  	s3 =	simm.s32 $0x108;
	s8 =	sld [smem:$0x3FAD]  }
0x2e: {  	s3 =	simm.s32 @!p0 $0x1082;
	s9 =	sld [smem:$0x3FAE]  }
0x2f: {  	lr =	sadd.s32 s0, s3;
	s0 =	sld [smem:$0x3FA5]  }
0x30: {  	s3 =	sld [smem:$0x3FA8]  }
0x31: {  	[smem:$0x3FB1] =	sst s10  }
0x32: {  	s10 =	sld [smem:$0x3FAF];
	_ =	sdelay $0x3  }
0x33: {  	p0 =	seq.s32 s10, $0x1;
	s10 =	sld [smem:$0x3FB1];
	_ =	sdelay $0x3  }
0x34: {  	[smem:$0x3FB1] =	sst s10  }
0x35: {  	s10 =	sld [smem:$0x3FB0];
	_ =	sdelay $0x3  }
0x36: {  	p1 =	seq.s32 s10, $0x1;
	s10 =	sld [smem:$0x3FB1];
	_ =	sdelay $0x3  }
0x37: {  	[smem:$0x3FB1] =	sst s10  }
0x38: {  	s10 =	sld [smem:$0x3FB2]  }
0x39: {  	_ = 	snop;
	(pc) =	sbr.ind lr, $3  }
0x3a: {  	_ = 	snop  }
0x3b: {  	_ = 	snop  }
0x3c: {  	p2 =	seq.s32 s10, $0x1;
	s10 =	sld [smem:$0x3FB1]  }
0x3d: {  	_ =	shalt  }
0x3e: {  	_ =	shalt  }
0x3f: {  	_ =	shalt  }
0x40: {  	_ =	shalt  }
0x41: {  	_ =	shalt  }
0x42: {  	_ =	shalt  }
0x43: {  	_ =	shalt  }
0x44: {  	_ =	shalt  }
0x45: {  	_ =	shalt  }
0x46: {  	_ =	shalt  }
0x47: {  	_ =	shalt  }
0x48: {  	_ =	shalt  }
0x49: {  	_ =	shalt  }
0x4a: {  	_ =	shalt  }
0x4b: {  	_ =	shalt  }
0x4c: {  	_ =	shalt  }
0x4d: {  	_ =	shalt  }
0x4e: {  	_ =	shalt  }
0x4f: {  	_ =	shalt  }
0x50: {  	_ =	shalt  }
0x51: {  	_ =	shalt  }
0x52: {  	_ =	shalt  }
0x53: {  	_ =	shalt  }
0x54: {  	_ =	shalt  }
0x55: {  	_ =	shalt  }
0x56: {  	_ =	shalt  }
0x57: {  	_ =	shalt  }
0x58: {  	_ =	shalt  }
0x59: {  	_ =	shalt  }
0x5a: {  	_ =	shalt  }
0x5b: {  	_ =	shalt  }
0x5c: {  	_ =	shalt  }
0x5d: {  	_ =	shalt  }
0x5e: {  	_ =	shalt  }
0x5f: {  	_ =	shalt  }
0x60: {  	_ =	shalt  }
0x61: {  	_ =	shalt  }
0x62: {  	_ =	shalt  }
0x63: {  	_ =	shalt  }
0x64: {  	_ =	shalt  }
0x65: {  	_ =	shalt  }
0x66: {  	_ =	shalt  }
0x67: {  	_ =	shalt  }
0x68: {  	_ =	shalt  }
0x69: {  	_ =	shalt  }
0x6a: {  	_ =	shalt  }
0x6b: {  	_ =	shalt  }
0x6c: {  	_ =	shalt  }
0x6d: {  	_ =	shalt  }
0x6e: {  	_ =	shalt  }
0x6f: {  	_ =	shalt  }
0x70: {  	_ =	shalt  }
0x71: {  	_ =	shalt  }
0x72: {  	_ =	shalt  }
0x73: {  	_ =	shalt  }
0x74: {  	_ =	shalt  }
0x75: {  	_ =	shalt  }
0x76: {  	_ =	shalt  }
0x77: {  	_ =	shalt  }
0x78: {  	_ =	shalt  }
0x79: {  	_ =	shalt  }
0x7a: {  	_ =	shalt  }
0x7b: {  	_ =	shalt  }
0x7c: {  	_ =	shalt  }
0x7d: {  	_ =	shalt  }
0x7e: {  	_ =	shalt  }
0x7f: {  	_ =	shalt  }
0x80: {  	_ =	shalt  }
0x81: {  	_ =	shalt  }
0x82: {  	_ =	shalt  }
0x83: {  	_ =	shalt  }
0x84: {  	_ =	shalt  }
0x85: {  	_ =	shalt  }
0x86: {  	_ =	shalt  }
0x87: {  	_ =	shalt  }
.Lfunc_end0:
.L_simem_size_0:
called_computation_lowered:
.L_overlay_start_0:
0x88: {  	s2 =	sld [smem:$0x3FD9]  }
0x89: {  	s3 =	sld [smem:$0x3FFE];
	_ =	sdelay $0x1  }
0x8a: {  	s1 =	srdreg.scid  }
0x8b: {  	s0 =	sand.u32 $0x1, s1  }
0x8c: {  	s17 =	sshll.u32 s0, $0xA;
	s2 =	sadd.s32 s3, s2  }
0x8d: {  	s2 =	sadd.s32 s2, s17  }
0x8e: {  	[smem:$0x3FBD] =	sst s2  }
0x8f: {  	_ = 	snop  }
0x90: {  	s2 =	sld [smem:$0x3FC9];
	(tm) =	ssettm $0x1  }
0x91: {  	s18 =	sld [smem:$0x3FFB];
	_ =	sdelay $0x3  }
0x92: {  	_ =	strace s18  }
0x93: {  	s3 =	sld [smem:$0x3FFC];
	_ =	sdelay $0x3  }
0x94: {  	_ =	strace s3  }
0x95: {  	s3 =	sld [smem:$0x3FFD];
	_ =	sdelay $0x3  }
0x96: {  	_ =	strace s3  }
0x97: {  	_ =	strace $0x8FFFFFFF  }
0x98: {  	s19 =	sld [smem:$0x3FDB];
	_ =	sdelay $0x1  }
0x99: {  	s4 =	simm.s32 $_scs_section_size  }
0x9a: {  	s5 =	simm.s32 $_size__tile_overlayer_lowered;
	s6 =	simm.s32 $_tile_overlayer_lowered  }
0x9b: {  	s22 =	simm.s32 $0x1BFF;
	s21 =	sshll.u32 s6, $0x1;
	s3 =	sadd.s32 s4, s19  }
0x9c: {  	s7 =	simm.s32 $0x0;
	s20 =	sshll.u32 s5, $0x1;
	s5 =	sadd.s32 s21, s3  }
0x9d: {  	[timem:s7], [sflag:s22] =	dma.local [hbm:s5], s20  }
0x9e: {  	_ =	swait.ge [sflag:s22], s20  }
0x9f: {  	s4 =	ssub.s32 $0x0, s20;
	[sflag:s22] =	ssyncset.done $0x0  }
0xa0: {  	[sflag:s22] =	ssyncadd.s32 s4;
	_ =	sdelay $0x1  }
0xa1: {  	s23 =	simm.s32 $0x1B8B  }
0xa2: {  	_ =	swait.ge [sflag:s23], $0x1  }
0xa3: {  	[sflag:s23] =	ssyncset.done $0x0  }
0xa4: {  	s25 =	simm.s32 $0x1B8E;
	s24 =	sld [smem:$0x3FFE];
	[sflag:s23] =	ssyncadd.s32 $0xFFFFFFFF  }
0xa5: {  	s26 =	simm.s32 $execute0_lowered;
	[smem:$0x3FD2] =	sst s25  }
0xa6: {  	s5 =	sshll.u32 s26, $0x1;
	_ =	strace $0x80000046;
	[dreg:$0x1] =	wrdreg $0xFFFFFFFF  }
0xa7: {  	s28 =	simm.s32 $_size_execute0_lowered;
	s3 =	sadd.s32 s3, s5;
	[dreg:$0x0] =	wrdreg $0x0  }
0xa8: {  	s5 =	sshll.u32 s28, $0x1;
	[dreg:$0x2] =	wrdreg s3  }
0xa9: {  	[dreg:$0x3] =	wrdreg s5  }
0xaa: {  	[dreg:$0x4] =	wrdreg $0xC0  }
0xab: {  	_ =	task [dreg:s7], $0x5FFFF  }
0xac: {  	[dreg:$0x1] =	wrdreg $0xFFFFFFFF  }
0xad: {  	[dreg:$0x0] =	wrdreg $0x60  }
0xae: {  	[dreg:$0x2] =	wrdreg s2  }
0xaf: {  	[dreg:$0x3] =	wrdreg s24  }
0xb0: {  	[dreg:$0x4] =	wrdreg $0x100000  }
0xb1: {  	[dreg:$0x5] =	wrdreg $0x9  }
0xb2: {  	_ =	task.clear_ibuf [dreg:s7], $0x6FFFF;
	_ =	strace $0x90000046  }
0xb3: {  	s29 =	simm.s32 $0x9;
	_ =	strace $0x80000048  }
0xb4: {  	_ =	swait.ge [sflag:s29], $0x1  }
0xb5: {  	[sflag:s29] =	ssyncadd.s32 $0xFFFFFFFF  }
0xb6: {  	_ =	strace $0x90000048  }
0xb7: {  	_ =	sfence  }
0xb8: {  	s30 =	sld [smem:$0x0];
	_ =	sdelay $0x2  }
0xb9: {  	s31 =	sshll.u32 s1, $0xD;
	s1 =	sshrl.u32 s1, $0x2  }
0xba: {  	s3 =	sand.u32 $0x4000, s31;
	s1 =	sadd.s32 s1, s30  }
0xbb: {  	s0 =	sor.u32 s3, s0;
	s1 =	sshll.u32 s1, $0x11  }
0xbc: {  	s0 =	sor.u32 s1, s0  }
0xbd: {  	s0 =	sadd.s32 $0x8F2B, s0  }
0xbe: {  	[sflag:s0] =	ssyncadd.remote.s32 $0x1  }
0xbf: {  	_ =	sfence.sel $0xFFFF  }
0xc0: {  	[dreg:$0x0] =	wrdreg $0xFFFFFFFF;
	(pc) =	sbr.abs _section_cstart, $3  }
0xc1: {  	[dreg:$0x1] =	wrdreg $0xFFFFFFFF  }
0xc2: {  	_ =	task.clear_ibuf [dreg:s7], $0x2FFFF;
	_ =	strace $0x9FFFFFFF  }
0xc3: {  	(tm) =	ssettm $0x7FFFFFFF  }
tec
execute0_lowered:
.L_overlay_start_1:
0x0: {  	(tag) =	ssettag $0x1  }
0x1: {  	s2 =	rddreg [dreg:$0x0]  }
0x2: {  	s5 =	rddreg [dreg:$0x1];
	s0 =	srdreg.scid  }
0x3: {  	s3 =	rddreg [dreg:$0x2];
	s1 =	stileid.u32  }
0x4: {  	s4 =	simm.s32 $0x0;
	s15 =	simm.s32 $0x5000;
	s16 =	simm.s32 $0x2  }
0x5: {  	s17 =	simm.s32 $0xE000;
	s18 =	simm.s32 $0x80;
	s19 =	simm.s32 $0xA000  }
0x6: {  	s20 =	simm.s32 $0x1;
	s21 =	simm.s32 $0x0;
	s8 =	smul.u32 $0xA000, s1  }
0x7: {  	s6 =	sand.u32 $0x1, s0;
	s0 =	rddreg [dreg:$0x3];
	s28 =	smul.u32 $0x28000, s1  }
0x8: {  	[smem:$0x7FF] =	sst s4;
	s7 =	sshll.u32 s6, $0x4;
	s9 =	smul.u32 $0xA0000, s6  }
0x9: {  	_ =	strace $0x80000047;
	s6 =	ssub.s32 $0x2, s6;
	s7 =	sor.u32 s1, s7  }
0xa: {  	s30 =	sshrl.u32 s6, $0x1;
	s31 =	sshrl.u32 s28, $0x2;
	s7 =	smul.u32 $0xA00, s7  }
0xb: {  	s8 =	sadd.s32 s8, s9;
	s14 =	ssub.s32 s6, s30;
	s6 =	sadd.s32 s31, s3  }
0xc: {  	s29 =	sshrl.u32 s8, $0x3;
	s8 =	sadd.s32 $0x4000, s6;
	s9 =	sadd.s32 $0x6000, s6  }
0xd: {  	s10 =	sadd.s32 $0x8000, s6;
	s14 =	smax.u32 s14, $0x1;
	s11 =	sadd.s32 s7, s5  }
0xe: {  	s13 =	sadd.s32 s29, s5;
	s7 =	sadd.s32 $0x2000, s6;
	s5 =	sadd.s32 $0x17600, s11  }
0xf: {  	v0 =	vimm.f32 $0.0e+00;
	v1 =	vimm.f32 $1.000000000e+00;
	s11 =	sadd.s32 $0x3600, s11;
	s12 =	sadd.s32 $0x2B600, s13;
	s13 =	sadd.s32 $0x53600, s13  }
.LBB2_1:
0x10: {  	s22 =	sand.u32 $0x7E00, s4  }
0x11: {  	s23 =	sand.u32 $0x70, s4;
	s24 =	sshrl.u32 s22, $0x2  }
0x12: {  	s22 =	simm.s32 $0x40;
	s24 =	sor.u32 s23, s24;
	s23 =	simm.s32 $0x0  }
.LBB2_2:
0x13: {  	p0 =	sne.s32 s22, $0x7FC0  }
0x14: {  	[tilespmem:s24+$0xE000] =	vst v0;
	s23 =	sadd.s32 $0x10, s23;
	s24 =	smov.u32 s22;
	s22 =	sadd.s32 $0x40, s22  }
.Ltmp0:
0x15: {  	(pc) =	sbr.rel @p0 .LBB2_2-.Ltmp0, $4  }
0x16: {  	_ = 	snop  }
0x17: {  	s24 =	sand.u32 $0x7E00, s24  }
0x18: {  	s25 =	sand.u32 $0x70, s23;
	s24 =	sshrl.u32 s24, $0x2  }
0x19: {  	s24 =	sor.u32 s25, s24  }
0x1a: {  	[tilespmem:s24+$0xE000] =	vst v0;
	s22 =	simm.s32 $0x0  }
0x1b: {  	[tilespmem:s15], [sflag:$0x2] =	stream.linear.gather [hbm4b:s5+s22], $0x4E80, $0x38;
	[tilespmem:$0x1A000] =	vst v63  }
0x1c: {  	_ =	swait.ge [sflag:s16], $0x4E80  }
0x1d: {  	[sflag:s16] =	ssyncset.done $0x0  }
0x1e: {  	[sflag:s16] =	ssyncadd.s32 $0xFFFFB180  }
0x1f: {  	[spmem:s6] =	stream.linear.scatter [tilespmem:s17], [sflag:$0x2], $0x2000, $0x38;
	[tilespmem:$0x1A000] =	vst v63  }
0x20: {  	_ =	swait.ge [sflag:s16], $0x2000  }
0x21: {  	[sflag:s16] =	ssyncset.done $0x0  }
0x22: {  	[sflag:s16] =	ssyncadd.s32 $0xFFFFE000  }
0x23: {  	[spmem:s7] =	stream.linear.scatter [tilespmem:s17], [sflag:$0x2], $0x2000, $0x38;
	[tilespmem:$0x1A000] =	vst v63  }
0x24: {  	_ =	swait.ge [sflag:s16], $0x2000  }
0x25: {  	[sflag:s16] =	ssyncset.done $0x0  }
0x26: {  	[sflag:s16] =	ssyncadd.s32 $0xFFFFE000  }
0x27: {  	[spmem:s8] =	stream.linear.scatter [tilespmem:s17], [sflag:$0x2], $0x2000, $0x38;
	[tilespmem:$0x1A000] =	vst v63  }
0x28: {  	_ =	swait.ge [sflag:s16], $0x2000  }
0x29: {  	[sflag:s16] =	ssyncset.done $0x0  }
0x2a: {  	[sflag:s16] =	ssyncadd.s32 $0xFFFFE000  }
0x2b: {  	[spmem:s9] =	stream.linear.scatter [tilespmem:s17], [sflag:$0x2], $0x2000, $0x38;
	[tilespmem:$0x1A000] =	vst v63  }
0x2c: {  	_ =	swait.ge [sflag:s16], $0x2000  }
0x2d: {  	[sflag:s16] =	ssyncset.done $0x0  }
0x2e: {  	[sflag:s16] =	ssyncadd.s32 $0xFFFFE000  }
0x2f: {  	[spmem:s10] =	stream.linear.scatter [tilespmem:s17], [sflag:$0x2], $0x2000, $0x38;
	[tilespmem:$0x1A000] =	vst v63  }
0x30: {  	_ =	swait.ge [sflag:s16], $0x2000  }
0x31: {  	[sflag:s16] =	ssyncset.done $0x0  }
0x32: {  	[sflag:s16] =	ssyncadd.s32 $0xFFFFE000  }
0x33: {  	[bflag:$0x0] =	sbarrier.arrive $0xFFFF  }
0x34: {  	[tilespmem:s22], [sflag:$0x2] =	stream.linear.gather [hbm4b:s11+s22], $0x4E80, $0x38;
	[tilespmem:$0x1A000] =	vst v63  }
0x35: {  	_ =	swait.ge [sflag:s16], $0x4E80  }
0x36: {  	[sflag:s16] =	ssyncset.done $0x0  }
0x37: {  	s30 =	simm.s32 $0x0;
	[sflag:s16] =	ssyncadd.s32 $0xFFFFB180  }
0x38: {  	[tilespmem:s19], [sflag:$0x1] =	stream.indirect.gather [hbm4b:s2+s18], $0x80, s30, s18, $0xb8;
	[tilespmem:$0x1A000] =	vst v63  }
0x39: {  	_ =	swait.ge [sflag:s20], $0x4000  }
0x3a: {  	[sflag:s20] =	ssyncset.done $0x0  }
0x3b: {  	s31 =	simm.s32 $0x5000;
	[sflag:s20] =	ssyncadd.s32 $0xFFFFC000  }
0x3c: {  	[spmem:s3] =	stream.indirect.scatter.add.f32 [tilespmem:s19], [sflag:$0x2], $0x80, s31, s18, $0xb8;
	[tilespmem:$0x1A000] =	vst v63  }
0x3d: {  	_ =	swait.ge [sflag:s16], $0x4000  }
0x3e: {  	s23 =	simm.s32 $0x400;
	s22 =	simm.s32 $0x200;
	[sflag:s16] =	ssyncset.done $0x0  }
.LBB2_4:
0x3f: {  	s24 =	sshra.s32 s22, $0x2  }
0x40: {  	[sflag:s16] =	ssyncadd.s32 $0xFFFFC000;
	s22 =	smov.u32 s23;
	s25 =	sadd.s32 $0x200, s23  }
0x41: {  	[tilespmem:s19], [sflag:$0x1] =	stream.indirect.gather [hbm4b:s2+s18], $0x80, s24, s18, $0xb8;
	[tilespmem:$0x1A000] =	vst v63  }
0x42: {  	p0 =	sne.s32 s23, $0x13800;
	_ =	swait.ge [sflag:s20], $0x4000  }
.Ltmp1:
0x43: {  	[sflag:s20] =	ssyncset.done $0x0;
	(pc) =	sbr.rel @p0 .LBB2_4-.Ltmp1, $4  }
0x44: {  	s23 =	sadd.s32 $0x5000, s24;
	[sflag:s20] =	ssyncadd.s32 $0xFFFFC000  }
0x45: {  	[spmem:s3] =	stream.indirect.scatter.add.f32 [tilespmem:s19], [sflag:$0x2], $0x80, s23, s18, $0xb8;
	[tilespmem:$0x1A000] =	vst v63  }
0x46: {  	_ =	swait.ge [sflag:s16], $0x4000  }
0x47: {  	s23 =	smov.u32 s25;
	[sflag:s16] =	ssyncset.done $0x0  }
0x48: {  	s22 =	sshra.s32 s22, $0x2;
	[sflag:s16] =	ssyncadd.s32 $0xFFFFC000  }
0x49: {  	[tilespmem:s19], [sflag:$0x1] =	stream.indirect.gather [hbm4b:s2+s18], $0x80, s22, s18, $0xb8;
	[tilespmem:$0x1A000] =	vst v63  }
0x4a: {  	_ =	swait.ge [sflag:s20], $0x4000  }
0x4b: {  	[sflag:s20] =	ssyncset.done $0x0  }
0x4c: {  	s22 =	sadd.s32 $0x5000, s22;
	[sflag:s20] =	ssyncadd.s32 $0xFFFFC000  }
0x4d: {  	[spmem:s3] =	stream.indirect.scatter.add.f32 [tilespmem:s19], [sflag:$0x2], $0x80, s22, s18, $0xb8;
	[tilespmem:$0x1A000] =	vst v63  }
0x4e: {  	_ =	swait.ge [sflag:s16], $0x4000  }
0x4f: {  	[sflag:s16] =	ssyncset.done $0x0  }
0x50: {  	s31 =	sshll.u32 s1, $0x6;
	s23 =	sshrl.u32 s6, $0x3;
	[sflag:s16] =	ssyncadd.s32 $0xFFFFC000  }
0x51: {  	s24 =	simm.s32 $0x0;
	s22 =	sor.u32 $0x1C02, s31;
	[bflag:$0x0] =	sbarrier.arrive $0xFFFF  }
0x52: {  	[hbm:s12], [sflag:s22] =	dma.local [spmem:s23], $0x1400  }
0x53: {  	s25 =	sand.u32 $0xFE00, s24;
	_ =	swait.ge [sflag:s16], $0x1400  }
0x54: {  	s26 =	sand.u32 $0x70, s24;
	s28 =	sshrl.u32 s25, $0x2;
	[sflag:s16] =	ssyncset.done $0x0  }
0x55: {  	s25 =	simm.s32 $0x40;
	s26 =	sor.u32 s26, s28;
	[sflag:s16] =	ssyncadd.s32 $0xFFFFEC00  }
.LBB2_6:
0x56: {  	p0 =	sne.s32 s25, $0xFFC0  }
0x57: {  	[tilespmem:s26+$0xA000] =	vst v1;
	s24 =	sadd.s32 $0x10, s24;
	s26 =	smov.u32 s25;
	s25 =	sadd.s32 $0x40, s25  }
.Ltmp2:
0x58: {  	(pc) =	sbr.rel @p0 .LBB2_6-.Ltmp2, $4  }
0x59: {  	_ = 	snop  }
0x5a: {  	s26 =	sand.u32 $0xFE00, s26  }
0x5b: {  	s28 =	sand.u32 $0x70, s24;
	s26 =	sshrl.u32 s26, $0x2  }
0x5c: {  	s26 =	sor.u32 s28, s26  }
0x5d: {  	[tilespmem:s26+$0xA000] =	vst v1  }
0x5e: {  	[spmem:s6] =	stream.linear.scatter [tilespmem:s17], [sflag:$0x2], $0x2000, $0x38;
	[tilespmem:$0x1A000] =	vst v63  }
0x5f: {  	_ =	swait.ge [sflag:s16], $0x2000  }
0x60: {  	[sflag:s16] =	ssyncset.done $0x0  }
0x61: {  	[sflag:s16] =	ssyncadd.s32 $0xFFFFE000  }
0x62: {  	[spmem:s7] =	stream.linear.scatter [tilespmem:s17], [sflag:$0x2], $0x2000, $0x38;
	[tilespmem:$0x1A000] =	vst v63  }
0x63: {  	_ =	swait.ge [sflag:s16], $0x2000  }
0x64: {  	[sflag:s16] =	ssyncset.done $0x0  }
0x65: {  	[sflag:s16] =	ssyncadd.s32 $0xFFFFE000  }
0x66: {  	[spmem:s8] =	stream.linear.scatter [tilespmem:s17], [sflag:$0x2], $0x2000, $0x38;
	[tilespmem:$0x1A000] =	vst v63  }
0x67: {  	_ =	swait.ge [sflag:s16], $0x2000  }
0x68: {  	[sflag:s16] =	ssyncset.done $0x0  }
0x69: {  	[sflag:s16] =	ssyncadd.s32 $0xFFFFE000  }
0x6a: {  	[spmem:s9] =	stream.linear.scatter [tilespmem:s17], [sflag:$0x2], $0x2000, $0x38;
	[tilespmem:$0x1A000] =	vst v63  }
0x6b: {  	_ =	swait.ge [sflag:s16], $0x2000  }
0x6c: {  	[sflag:s16] =	ssyncset.done $0x0  }
0x6d: {  	[sflag:s16] =	ssyncadd.s32 $0xFFFFE000  }
0x6e: {  	[spmem:s10] =	stream.linear.scatter [tilespmem:s17], [sflag:$0x2], $0x2000, $0x38;
	[tilespmem:$0x1A000] =	vst v63  }
0x6f: {  	_ =	swait.ge [sflag:s16], $0x2000  }
0x70: {  	[sflag:s16] =	ssyncset.done $0x0  }
0x71: {  	[sflag:s16] =	ssyncadd.s32 $0xFFFFE000  }
0x72: {  	s24 =	simm.s32 $0x5000;
	[bflag:$0x0] =	sbarrier.arrive $0xFFFF  }
0x73: {  	[spmem:s3] =	stream.indirect.scatter.add.f32 [tilespmem:s19], [sflag:$0x2], $0x80, s24, s18, $0xb8;
	[tilespmem:$0x1A000] =	vst v63  }
0x74: {  	s24 =	simm.s32 $0x200;
	_ =	swait.ge [sflag:s16], $0x4000  }
.LBB2_8:
0x75: {  	s25 =	sshra.s32 s24, $0x2;
	[sflag:s16] =	ssyncset.done $0x0;
	p0 =	sne.s32 s24, $0x13800  }
.Ltmp3:
0x76: {  	s25 =	sadd.s32 $0x5000, s25;
	[sflag:s16] =	ssyncadd.s32 $0xFFFFC000;
	(pc) =	sbr.rel @p0 .LBB2_8-.Ltmp3, $3  }
0x77: {  	[spmem:s3] =	stream.indirect.scatter.add.f32 [tilespmem:s19], [sflag:$0x2], $0x80, s25, s18, $0xb8;
	[tilespmem:$0x1A000] =	vst v63  }
0x78: {  	s24 =	sadd.s32 $0x200, s24;
	_ =	sdelay $0x1  }
0x79: {  	_ =	swait.ge [sflag:s16], $0x4000  }
0x7a: {  	[sflag:s16] =	ssyncset.done $0x0;
	s21 =	sadd.s32 $0x1, s21  }
0x7b: {  	[sflag:s16] =	ssyncadd.s32 $0xFFFFC000;
	p0 =	sne.s32 s21, s14  }
.Ltmp4:
0x7c: {  	[bflag:$0x0] =	sbarrier.arrive $0xFFFF;
	(pc) =	sbr.rel @p0 .LBB2_1-.Ltmp4, $4  }
0x7d: {  	[hbm:s13], [sflag:s22] =	dma.local [spmem:s23], $0x1400  }
0x7e: {  	_ =	swait.ge [sflag:s16], $0x1400  }
0x7f: {  	[sflag:s16] =	ssyncset.done $0x0  }
0x80: {  	[sflag:s16] =	ssyncadd.s32 $0xFFFFEC00  }
0x81: {  	_ =	sfence.sel $0x180000  }
0x82: {  	[bflag:$0x0] =	sbarrier.arrive $0xFFFF  }
0x83: {  	p0 =	sne.s32 s1, $0x0;
	_ =	strace $0x90000047  }
0x84: {  	s0 =	sadd.s32 @!p0 $0x100000, s0;
	[bflag:$0x2] =	sbarrier.arrive $0xFFFF  }
0x85: {  	[sflag:s0] =	ssyncadd.tile.s32 @!p0 $0x1;
	_ =	shalt  }
.Lfunc_end2:
_tile_overlayer_lowered:
.L_overlay_start_2:
0x86: {  	(tag) =	ssettag $0x2  }
0x87: {  	s0 =	rddreg [dreg:$0x0];
	s2 =	stileid.u32  }
0x88: {  	s1 =	rddreg [dreg:$0x1];
	p0 =	sne.s32 s2, $0x0  }
0x89: {  	s3 =	rddreg [dreg:$0x2];
	[bflag:$0x3] =	sbarrier.arrive $0xFFFF;
	s2 =	simm.s32 @!p0 $0x1C02  }
0x8a: {  	[timem:s3], [sflag:s2] =	dma.local @!p0 [hbm:s0], s1  }
0x8b: {  	s0 =	simm.s32 @!p0 $0x2  }
0x8c: {  	_ =	swait.ge @!p0 [sflag:s0], s1  }
0x8d: {  	s1 =	ssub.s32 @!p0 $0x0, s1;
	[sflag:s0] =	ssyncset.done @!p0 $0x0  }
0x8e: {  	[sflag:s0] =	ssyncadd.s32 @!p0 s1  }
0x8f: {  	[bflag:$0x3] =	sbarrier.arrive $0xFFFF  }
0x90: {  	_ =	shalt  }

</sc_bundles>
